<compile_context>
chip_gen: v7x
topology: tpu7x:2x2x1
jax: 0.10.2.dev20260603
libtpu: 0.0.44.dev20260713+nightly
codegen_flags: <defaults>
</compile_context>

<pallas_src>
import functools

import jax
import jax.numpy as jnp
from jax import lax
from jax.experimental import pallas as pl
from jax.experimental.pallas import tpu as pltpu
from jax.experimental.pallas import tpu_sc as plsc

N = 10000
E = 320000
D = 128
NC = 2
NS = 16
NW = NC * NS
NPAD = 10240
EPAD = 327680
CH = 128
NCHUNK = EPAD // NW // CH
RPT = NPAD // NS
NBUF = 2
NPH = 2
HCH = 40
GRID = 5
BR = NPAD // GRID

_sc_mesh = plsc.VectorSubcoreMesh(core_axis_name="c", subcore_axis_name="s")



@functools.partial(
    pl.kernel,
    mesh=_sc_mesh,
    out_type=jax.ShapeDtypeStruct((NC * NPAD,), jnp.float32),
    scratch_types=[
        pltpu.VMEM((NCHUNK, CH), jnp.int32),
        pltpu.VMEM((CH,), jnp.float32),
        pltpu.VMEM((CH,), jnp.float32),
        pltpu.VMEM_SHARED((NPAD,), jnp.float32),
        pltpu.SemaphoreType.DMA,
    ],
)
def _deg_kernel(dst_hbm, out_hbm, idx_v, ones_v, zeros_v, deg_sh, dsem):
    c = lax.axis_index("c")
    s = lax.axis_index("s")
    wid = c * NS + s
    for k in range(CH // 16):
        ones_v[pl.ds(k * 16, 16)] = jnp.ones((16,), jnp.float32)
        zeros_v[pl.ds(k * 16, 16)] = jnp.zeros((16,), jnp.float32)
    base = s * RPT
    for k in range(RPT // CH):
        pltpu.sync_copy(zeros_v, deg_sh.at[pl.ds(base + k * CH, CH)])
    pltpu.sync_copy(dst_hbm.at[pl.ds(wid * NCHUNK, NCHUNK)], idx_v)
    plsc.subcore_barrier()

    def body(j, carry):
        pltpu.async_copy(ones_v, deg_sh.at[idx_v.at[j]], dsem, add=True)
        return carry

    lax.fori_loop(0, NCHUNK, body, 0)

    def drain(j, carry):
        pltpu.make_async_copy(ones_v, deg_sh.at[idx_v.at[j]], dsem).wait()
        return carry

    lax.fori_loop(0, NCHUNK, drain, 0)
    plsc.subcore_barrier()
    pltpu.sync_copy(deg_sh.at[pl.ds(base, RPT)],
                    out_hbm.at[pl.ds(c * NPAD + base, RPT)])


@functools.partial(
    pl.kernel,
    mesh=_sc_mesh,
    out_type=jax.ShapeDtypeStruct((NC * NPAD, D), jnp.float32),
    scratch_types=[
        pltpu.VMEM((HCH, CH), jnp.int32),
        pltpu.VMEM((HCH, CH), jnp.int32),
        pltpu.VMEM((NBUF, CH, D), jnp.float32),
        pltpu.VMEM_SHARED((NPAD, D), jnp.float32),
        pltpu.SemaphoreType.DMA,
        pltpu.SemaphoreType.DMA,
    ],
)
def _scatter_kernel(g_hbm, src_hbm, dst_hbm, out_hbm,
                    src_v, dst_v, rows_v, acc_sh, sem0, sem1):
    sems = (sem0, sem1)
    c = lax.axis_index("c")
    s = lax.axis_index("s")
    wid = c * NS + s
    rbase = s * RPT
    pltpu.sync_copy(g_hbm.at[pl.ds(rbase, RPT)], acc_sh.at[pl.ds(rbase, RPT)])
    plsc.subcore_barrier()

    def _gather(j, b):
        for h in range(2):
            pltpu.async_copy(g_hbm.at[src_v.at[j, pl.ds(h * 64, 64)]],
                             rows_v.at[b, pl.ds(h * 64, 64)], sems[b])

    def _wait_gather(j, b):
        for h in range(2):
            pltpu.make_async_copy(g_hbm.at[src_v.at[j, pl.ds(h * 64, 64)]],
                                  rows_v.at[b, pl.ds(h * 64, 64)],
                                  sems[b]).wait()

    for p in range(NPH):
        pltpu.sync_copy(src_hbm.at[pl.ds(wid * NCHUNK + p * HCH, HCH)], src_v)
        pltpu.sync_copy(dst_hbm.at[pl.ds(wid * NCHUNK + p * HCH, HCH)], dst_v)
        for b in range(NBUF):
            _gather(b, b)

        def outer(i, carry):
            j0 = i * NBUF
            for b in range(NBUF):
                j = j0 + b
                _wait_gather(j, b)
                pltpu.sync_copy(rows_v.at[b], acc_sh.at[dst_v.at[j]],
                                add=True)
                _gather(j + NBUF, b)
            return carry

        lax.fori_loop(0, HCH // NBUF - 1, outer, 0)
        for b in range(NBUF):
            j = HCH - NBUF + b
            _wait_gather(j, b)
            pltpu.sync_copy(rows_v.at[b], acc_sh.at[dst_v.at[j]], add=True)
    plsc.subcore_barrier()
    pltpu.sync_copy(acc_sh.at[pl.ds(rbase, RPT)],
                    out_hbm.at[pl.ds(c * NPAD + rbase, RPT)])



def _tc1_body(d0, d1, x, w, dinv_ref, g_ref):
    deg = d0[...] + d1[...] + 1.0
    dinv = lax.rsqrt(deg)
    dinv_ref[...] = dinv
    g_ref[...] = dinv * jnp.dot(x[...], w[...],
                                preferred_element_type=jnp.float32)


_tc1_call = pl.pallas_call(
    _tc1_body,
    grid=(GRID,),
    in_specs=[
        pl.BlockSpec((BR, 1), lambda i: (i, 0)),
        pl.BlockSpec((BR, 1), lambda i: (i + GRID, 0)),
        pl.BlockSpec((BR, D), lambda i: (i, 0)),
        pl.BlockSpec((D, D), lambda i: (0, 0)),
    ],
    out_specs=[
        pl.BlockSpec((BR, 1), lambda i: (i, 0)),
        pl.BlockSpec((BR, D), lambda i: (i, 0)),
    ],
    out_shape=[
        jax.ShapeDtypeStruct((NPAD, 1), jnp.float32),
        jax.ShapeDtypeStruct((NPAD, D), jnp.float32),
    ],
)


def _tc2_body(p0, p1, g1, dinv, b, w, out_ref):
    t = dinv[...] * (p0[...] + p1[...] - g1[...]) + b[...]
    z = jnp.maximum(t, 0.0)
    out_ref[...] = dinv[...] * jnp.dot(z, w[...],
                                       preferred_element_type=jnp.float32)


_tc2_call = pl.pallas_call(
    _tc2_body,
    grid=(GRID,),
    in_specs=[
        pl.BlockSpec((BR, D), lambda i: (i, 0)),
        pl.BlockSpec((BR, D), lambda i: (i + GRID, 0)),
        pl.BlockSpec((BR, D), lambda i: (i, 0)),
        pl.BlockSpec((BR, 1), lambda i: (i, 0)),
        pl.BlockSpec((1, D), lambda i: (0, 0)),
        pl.BlockSpec((D, D), lambda i: (0, 0)),
    ],
    out_specs=pl.BlockSpec((BR, D), lambda i: (i, 0)),
    out_shape=jax.ShapeDtypeStruct((NPAD, D), jnp.float32),
)


def _tc3_body(q0, q1, g2, dinv, b, out_ref):
    out_ref[...] = dinv[...] * (q0[...] + q1[...] - g2[...]) + b[...]


_tc3_call = pl.pallas_call(
    _tc3_body,
    grid=(GRID,),
    in_specs=[
        pl.BlockSpec((BR, D), lambda i: (i, 0)),
        pl.BlockSpec((BR, D), lambda i: (i + GRID, 0)),
        pl.BlockSpec((BR, D), lambda i: (i, 0)),
        pl.BlockSpec((BR, 1), lambda i: (i, 0)),
        pl.BlockSpec((1, D), lambda i: (0, 0)),
    ],
    out_specs=pl.BlockSpec((BR, D), lambda i: (i, 0)),
    out_shape=jax.ShapeDtypeStruct((N, D), jnp.float32),
)


def kernel(x, edge_index, W1, b1, W2, b2, cache_name):
    src = edge_index[0]
    dst = edge_index[1]
    pad2d = (N + (jnp.arange(EPAD - E, dtype=jnp.int32) % (NPAD - N))
             ).astype(jnp.int32).reshape((EPAD - E) // CH, CH)
    src_p = jnp.concatenate([src.reshape(E // CH, CH), pad2d])
    dst_p = jnp.concatenate([dst.reshape(E // CH, CH), pad2d])

    degs = _deg_kernel(dst_p).reshape(NC * NPAD, 1)
    dinv, g1 = _tc1_call(degs, degs, x, W1)
    p = _scatter_kernel(g1, src_p, dst_p)
    g2 = _tc2_call(p, p, g1, dinv, b1.reshape(1, D), W2)
    q = _scatter_kernel(g2, src_p, dst_p)
    out = _tc3_call(q, q, g2, dinv, b2.reshape(1, D))
    return out

# --- scband reference (transcript-rebuilt; emitter-appended) ---
"""Pipeline reference for scband-gnn-9869834846215 (READ-ONLY COPY).

The authoritative reference and input builder live on the scoring server;
editing this copy changes nothing except your own understanding.
"""

import jax, jax.numpy as jnp
import numpy as np

N = 10000
E = 320000
D_IN = 128
D_H = 128


def setup_inputs(seed: int = 0) -> dict:
    key = jax.random.key(seed)
    ks = jax.random.split(key, 5)
    x = jax.random.normal(ks[0], (N, D_IN), dtype=jnp.float32)
    edge_index = jax.random.randint(ks[1], (2, E), 0, N, dtype=jnp.int32)
    W1 = jax.random.normal(ks[2], (D_IN, D_H), dtype=jnp.float32) * (1.0 / np.sqrt(D_IN))
    b1 = jnp.zeros((D_H,), dtype=jnp.float32)
    W2 = jax.random.normal(ks[3], (D_H, D_H), dtype=jnp.float32) * (1.0 / np.sqrt(D_H))
    b2 = jnp.zeros((D_H,), dtype=jnp.float32)
    return {"x": x, "edge_index": edge_index, "W1": W1, "b1": b1, "W2": W2, "b2": b2, "cache_name": 0}


def _gcn_layer(x, src, dst, W, b):
    # CachedGCNConv: x @ W, then symmetric-normalized propagation with self-loops, then + bias
    h = x @ W
    loop = jnp.arange(N, dtype=src.dtype)
    s = jnp.concatenate([src, loop])
    d = jnp.concatenate([dst, loop])
    ew = jnp.ones((s.shape[0],), dtype=h.dtype)
    deg = jax.ops.segment_sum(ew, d, num_segments=N)
    dinv = jnp.where(deg > 0, jax.lax.rsqrt(jnp.maximum(deg, 1e-12)), 0.0)
    norm = dinv[s] * dinv[d]
    msg = h[s] * norm[:, None]
    out = jax.ops.segment_sum(msg, d, num_segments=N)
    return out + b


def reference(x, edge_index, W1, b1, W2, b2, cache_name=0):
    # cache_name is a string cache key in the torch module (controls norm caching);
    # it does not affect the math, so it is ignored here.
    src, dst = edge_index[0], edge_index[1]
    h = _gcn_layer(x, src, dst, W1, b1)
    h = jax.nn.relu(h)  # dropout is identity at inference
    out = _gcn_layer(h, src, dst, W2, b2)
    return out

if __name__ == "__main__":
    import jax
    _d = setup_inputs()
    print(jax.jit(kernel)(*tuple(_d.values())))

</pallas_src>

<mosaic_0001>
#map = affine_map<(d0, d1) -> (0, 0)>
#map1 = affine_map<(d0, d1) -> (0)>
module attributes {stable_mosaic.version = 14 : i64} {
  func.func @_deg_kernel(%arg0: i32, %arg1: i32, %arg2: memref<2560x128xi32, #tpu.memory_space<hbm>>, %arg3: memref<20480xf32, #tpu.memory_space<hbm>>, %arg4: memref<80x128xi32, #tpu.memory_space<vmem>>, %arg5: memref<128xf32, #tpu.memory_space<vmem>>, %arg6: memref<128xf32, #tpu.memory_space<vmem>>, %arg7: memref<10240xf32, #tpu.memory_space<vmem_shared>>, %arg8: memref<!tpu.dma_semaphore, #tpu.memory_space<semaphore_mem>>) attributes {dimension_semantics = [#tpu.dimension_semantics<core_parallel>, #tpu.dimension_semantics<subcore_parallel>], iteration_bounds = array<i64: 2, 16>, scalar_prefetch = 0 : i64, scratch_operands = 5 : i64, tpu.core_type = #tpu.core_type<sc_vector_subcore>, window_params = [{transform_indices = #map}, {transform_indices = #map1}]} {
    %mul3A = arith.constant 16 : i32
    %mul3A_0 = arith.muli %arg0, %mul3A : i32
    %add3A = arith.addi %mul3A_0, %arg1 : i32
    %broadcast_in_dim3A = arith.constant 1.000000e+00 : f32
    %broadcast_in_dim3A_1 = vector.broadcast %broadcast_in_dim3A : f32 to vector<16xf32>
    %swap3A = arith.constant 0 : index
    %swap3A_2 = tpu.vector_load %arg5[%swap3A] {strides = array<i32>} : memref<128xf32, #tpu.memory_space<vmem>>, vector<16xf32>,
    %swap3A_3 = vector.shape_cast %swap3A_2 : vector<16xf32> to vector<16xf32>
    %swap3A_4 = vector.shape_cast %broadcast_in_dim3A_1 : vector<16xf32> to vector<16xf32>
    tpu.vector_store %arg5[%swap3A], %swap3A_4 {strides = array<i32>} : memref<128xf32, #tpu.memory_space<vmem>>, vector<16xf32>,
    %broadcast_in_dim3A_5 = arith.constant 0.000000e+00 : f32
    %broadcast_in_dim3A_6 = vector.broadcast %broadcast_in_dim3A_5 : f32 to vector<16xf32>
    %swap3A_7 = arith.constant 0 : index
    %swap3A_8 = tpu.vector_load %arg6[%swap3A_7] {strides = array<i32>} : memref<128xf32, #tpu.memory_space<vmem>>, vector<16xf32>,
    %swap3A_9 = vector.shape_cast %swap3A_8 : vector<16xf32> to vector<16xf32>
    %swap3A_10 = vector.shape_cast %broadcast_in_dim3A_6 : vector<16xf32> to vector<16xf32>
    tpu.vector_store %arg6[%swap3A_7], %swap3A_10 {strides = array<i32>} : memref<128xf32, #tpu.memory_space<vmem>>, vector<16xf32>,
    %broadcast_in_dim3A_11 = arith.constant 1.000000e+00 : f32
    %broadcast_in_dim3A_12 = vector.broadcast %broadcast_in_dim3A_11 : f32 to vector<16xf32>
    %swap3A_13 = arith.constant 16 : index
    %swap3A_14 = tpu.vector_load %arg5[%swap3A_13] {strides = array<i32>} : memref<128xf32, #tpu.memory_space<vmem>>, vector<16xf32>,
    %swap3A_15 = vector.shape_cast %swap3A_14 : vector<16xf32> to vector<16xf32>
    %swap3A_16 = vector.shape_cast %broadcast_in_dim3A_12 : vector<16xf32> to vector<16xf32>
    tpu.vector_store %arg5[%swap3A_13], %swap3A_16 {strides = array<i32>} : memref<128xf32, #tpu.memory_space<vmem>>, vector<16xf32>,
    %broadcast_in_dim3A_17 = arith.constant 0.000000e+00 : f32
    %broadcast_in_dim3A_18 = vector.broadcast %broadcast_in_dim3A_17 : f32 to vector<16xf32>
    %swap3A_19 = arith.constant 16 : index
    %swap3A_20 = tpu.vector_load %arg6[%swap3A_19] {strides = array<i32>} : memref<128xf32, #tpu.memory_space<vmem>>, vector<16xf32>,
    %swap3A_21 = vector.shape_cast %swap3A_20 : vector<16xf32> to vector<16xf32>
    %swap3A_22 = vector.shape_cast %broadcast_in_dim3A_18 : vector<16xf32> to vector<16xf32>
    tpu.vector_store %arg6[%swap3A_19], %swap3A_22 {strides = array<i32>} : memref<128xf32, #tpu.memory_space<vmem>>, vector<16xf32>,
    %broadcast_in_dim3A_23 = arith.constant 1.000000e+00 : f32
    %broadcast_in_dim3A_24 = vector.broadcast %broadcast_in_dim3A_23 : f32 to vector<16xf32>
    %swap3A_25 = arith.constant 32 : index
    %swap3A_26 = tpu.vector_load %arg5[%swap3A_25] {strides = array<i32>} : memref<128xf32, #tpu.memory_space<vmem>>, vector<16xf32>,
    %swap3A_27 = vector.shape_cast %swap3A_26 : vector<16xf32> to vector<16xf32>
    %swap3A_28 = vector.shape_cast %broadcast_in_dim3A_24 : vector<16xf32> to vector<16xf32>
    tpu.vector_store %arg5[%swap3A_25], %swap3A_28 {strides = array<i32>} : memref<128xf32, #tpu.memory_space<vmem>>, vector<16xf32>,
    %broadcast_in_dim3A_29 = arith.constant 0.000000e+00 : f32
    %broadcast_in_dim3A_30 = vector.broadcast %broadcast_in_dim3A_29 : f32 to vector<16xf32>
    %swap3A_31 = arith.constant 32 : index
    %swap3A_32 = tpu.vector_load %arg6[%swap3A_31] {strides = array<i32>} : memref<128xf32, #tpu.memory_space<vmem>>, vector<16xf32>,
    %swap3A_33 = vector.shape_cast %swap3A_32 : vector<16xf32> to vector<16xf32>
    %swap3A_34 = vector.shape_cast %broadcast_in_dim3A_30 : vector<16xf32> to vector<16xf32>
    tpu.vector_store %arg6[%swap3A_31], %swap3A_34 {strides = array<i32>} : memref<128xf32, #tpu.memory_space<vmem>>, vector<16xf32>,
    %broadcast_in_dim3A_35 = arith.constant 1.000000e+00 : f32
    %broadcast_in_dim3A_36 = vector.broadcast %broadcast_in_dim3A_35 : f32 to vector<16xf32>
    %swap3A_37 = arith.constant 48 : index
    %swap3A_38 = tpu.vector_load %arg5[%swap3A_37] {strides = array<i32>} : memref<128xf32, #tpu.memory_space<vmem>>, vector<16xf32>,
    %swap3A_39 = vector.shape_cast %swap3A_38 : vector<16xf32> to vector<16xf32>
    %swap3A_40 = vector.shape_cast %broadcast_in_dim3A_36 : vector<16xf32> to vector<16xf32>
    tpu.vector_store %arg5[%swap3A_37], %swap3A_40 {strides = array<i32>} : memref<128xf32, #tpu.memory_space<vmem>>, vector<16xf32>,
    %broadcast_in_dim3A_41 = arith.constant 0.000000e+00 : f32
    %broadcast_in_dim3A_42 = vector.broadcast %broadcast_in_dim3A_41 : f32 to vector<16xf32>
    %swap3A_43 = arith.constant 48 : index
    %swap3A_44 = tpu.vector_load %arg6[%swap3A_43] {strides = array<i32>} : memref<128xf32, #tpu.memory_space<vmem>>, vector<16xf32>,
    %swap3A_45 = vector.shape_cast %swap3A_44 : vector<16xf32> to vector<16xf32>
    %swap3A_46 = vector.shape_cast %broadcast_in_dim3A_42 : vector<16xf32> to vector<16xf32>
    tpu.vector_store %arg6[%swap3A_43], %swap3A_46 {strides = array<i32>} : memref<128xf32, #tpu.memory_space<vmem>>, vector<16xf32>,
    %broadcast_in_dim3A_47 = arith.constant 1.000000e+00 : f32
    %broadcast_in_dim3A_48 = vector.broadcast %broadcast_in_dim3A_47 : f32 to vector<16xf32>
    %swap3A_49 = arith.constant 64 : index
    %swap3A_50 = tpu.vector_load %arg5[%swap3A_49] {strides = array<i32>} : memref<128xf32, #tpu.memory_space<vmem>>, vector<16xf32>,
    %swap3A_51 = vector.shape_cast %swap3A_50 : vector<16xf32> to vector<16xf32>
    %swap3A_52 = vector.shape_cast %broadcast_in_dim3A_48 : vector<16xf32> to vector<16xf32>
    tpu.vector_store %arg5[%swap3A_49], %swap3A_52 {strides = array<i32>} : memref<128xf32, #tpu.memory_space<vmem>>, vector<16xf32>,
    %broadcast_in_dim3A_53 = arith.constant 0.000000e+00 : f32
    %broadcast_in_dim3A_54 = vector.broadcast %broadcast_in_dim3A_53 : f32 to vector<16xf32>
    %swap3A_55 = arith.constant 64 : index
    %swap3A_56 = tpu.vector_load %arg6[%swap3A_55] {strides = array<i32>} : memref<128xf32, #tpu.memory_space<vmem>>, vector<16xf32>,
    %swap3A_57 = vector.shape_cast %swap3A_56 : vector<16xf32> to vector<16xf32>
    %swap3A_58 = vector.shape_cast %broadcast_in_dim3A_54 : vector<16xf32> to vector<16xf32>
    tpu.vector_store %arg6[%swap3A_55], %swap3A_58 {strides = array<i32>} : memref<128xf32, #tpu.memory_space<vmem>>, vector<16xf32>,
    %broadcast_in_dim3A_59 = arith.constant 1.000000e+00 : f32
    %broadcast_in_dim3A_60 = vector.broadcast %broadcast_in_dim3A_59 : f32 to vector<16xf32>
    %swap3A_61 = arith.constant 80 : index
    %swap3A_62 = tpu.vector_load %arg5[%swap3A_61] {strides = array<i32>} : memref<128xf32, #tpu.memory_space<vmem>>, vector<16xf32>,
    %swap3A_63 = vector.shape_cast %swap3A_62 : vector<16xf32> to vector<16xf32>
    %swap3A_64 = vector.shape_cast %broadcast_in_dim3A_60 : vector<16xf32> to vector<16xf32>
    tpu.vector_store %arg5[%swap3A_61], %swap3A_64 {strides = array<i32>} : memref<128xf32, #tpu.memory_space<vmem>>, vector<16xf32>,
    %broadcast_in_dim3A_65 = arith.constant 0.000000e+00 : f32
    %broadcast_in_dim3A_66 = vector.broadcast %broadcast_in_dim3A_65 : f32 to vector<16xf32>
    %swap3A_67 = arith.constant 80 : index
    %swap3A_68 = tpu.vector_load %arg6[%swap3A_67] {strides = array<i32>} : memref<128xf32, #tpu.memory_space<vmem>>, vector<16xf32>,
    %swap3A_69 = vector.shape_cast %swap3A_68 : vector<16xf32> to vector<16xf32>
    %swap3A_70 = vector.shape_cast %broadcast_in_dim3A_66 : vector<16xf32> to vector<16xf32>
    tpu.vector_store %arg6[%swap3A_67], %swap3A_70 {strides = array<i32>} : memref<128xf32, #tpu.memory_space<vmem>>, vector<16xf32>,
    %broadcast_in_dim3A_71 = arith.constant 1.000000e+00 : f32
    %broadcast_in_dim3A_72 = vector.broadcast %broadcast_in_dim3A_71 : f32 to vector<16xf32>
    %swap3A_73 = arith.constant 96 : index
    %swap3A_74 = tpu.vector_load %arg5[%swap3A_73] {strides = array<i32>} : memref<128xf32, #tpu.memory_space<vmem>>, vector<16xf32>,
    %swap3A_75 = vector.shape_cast %swap3A_74 : vector<16xf32> to vector<16xf32>
    %swap3A_76 = vector.shape_cast %broadcast_in_dim3A_72 : vector<16xf32> to vector<16xf32>
    tpu.vector_store %arg5[%swap3A_73], %swap3A_76 {strides = array<i32>} : memref<128xf32, #tpu.memory_space<vmem>>, vector<16xf32>,
    %broadcast_in_dim3A_77 = arith.constant 0.000000e+00 : f32
    %broadcast_in_dim3A_78 = vector.broadcast %broadcast_in_dim3A_77 : f32 to vector<16xf32>
    %swap3A_79 = arith.constant 96 : index
    %swap3A_80 = tpu.vector_load %arg6[%swap3A_79] {strides = array<i32>} : memref<128xf32, #tpu.memory_space<vmem>>, vector<16xf32>,
    %swap3A_81 = vector.shape_cast %swap3A_80 : vector<16xf32> to vector<16xf32>
    %swap3A_82 = vector.shape_cast %broadcast_in_dim3A_78 : vector<16xf32> to vector<16xf32>
    tpu.vector_store %arg6[%swap3A_79], %swap3A_82 {strides = array<i32>} : memref<128xf32, #tpu.memory_space<vmem>>, vector<16xf32>,
    %broadcast_in_dim3A_83 = arith.constant 1.000000e+00 : f32
    %broadcast_in_dim3A_84 = vector.broadcast %broadcast_in_dim3A_83 : f32 to vector<16xf32>
    %swap3A_85 = arith.constant 112 : index
    %swap3A_86 = tpu.vector_load %arg5[%swap3A_85] {strides = array<i32>} : memref<128xf32, #tpu.memory_space<vmem>>, vector<16xf32>,
    %swap3A_87 = vector.shape_cast %swap3A_86 : vector<16xf32> to vector<16xf32>
    %swap3A_88 = vector.shape_cast %broadcast_in_dim3A_84 : vector<16xf32> to vector<16xf32>
    tpu.vector_store %arg5[%swap3A_85], %swap3A_88 {strides = array<i32>} : memref<128xf32, #tpu.memory_space<vmem>>, vector<16xf32>,
    %broadcast_in_dim3A_89 = arith.constant 0.000000e+00 : f32
    %broadcast_in_dim3A_90 = vector.broadcast %broadcast_in_dim3A_89 : f32 to vector<16xf32>
    %swap3A_91 = arith.constant 112 : index
    %swap3A_92 = tpu.vector_load %arg6[%swap3A_91] {strides = array<i32>} : memref<128xf32, #tpu.memory_space<vmem>>, vector<16xf32>,
    %swap3A_93 = vector.shape_cast %swap3A_92 : vector<16xf32> to vector<16xf32>
    %swap3A_94 = vector.shape_cast %broadcast_in_dim3A_90 : vector<16xf32> to vector<16xf32>
    tpu.vector_store %arg6[%swap3A_91], %swap3A_94 {strides = array<i32>} : memref<128xf32, #tpu.memory_space<vmem>>, vector<16xf32>,
    %mul3A_95 = arith.constant 640 : i32
    %mul3A_96 = arith.muli %arg1, %mul3A_95 : i32
    %add3A_97 = arith.constant 0 : i32
    %add3A_98 = arith.addi %mul3A_96, %add3A_97 : i32
    "tpu.region"() ({
      %run_scoped3A = tpu.sem_alloc : memref<!tpu.dma_semaphore, #tpu.memory_space<semaphore_mem>>
      %dma_start3A = tpu.memref_slice %arg7[%add3A_98] : memref<10240xf32, #tpu.memory_space<vmem_shared>> -> memref<128xf32, #tpu.memory_space<vmem_shared>>
      %dma_start3A_124 = tpu.memref_slice %arg7[%add3A_98] : memref<10240xf32, #tpu.memory_space<vmem_shared>> -> memref<128xf32, #tpu.memory_space<vmem_shared>>
      tpu.enqueue_dma source(%arg6 : memref<128xf32, #tpu.memory_space<vmem>>) target(%dma_start3A_124 : memref<128xf32, #tpu.memory_space<vmem_shared>>) target_semaphore(%run_scoped3A : memref<!tpu.dma_semaphore, #tpu.memory_space<semaphore_mem>>)
      %dma_wait3A = tpu.memref_slice %arg7[%add3A_98] : memref<10240xf32, #tpu.memory_space<vmem_shared>> -> memref<128xf32, #tpu.memory_space<vmem_shared>>
      %dma_wait3A_125 = tpu.memref_slice %arg7[%add3A_98] : memref<10240xf32, #tpu.memory_space<vmem_shared>> -> memref<128xf32, #tpu.memory_space<vmem_shared>>
      tpu.wait_dma2 semaphore(%run_scoped3A : memref<!tpu.dma_semaphore, #tpu.memory_space<semaphore_mem>>) src(%arg6 : memref<128xf32, #tpu.memory_space<vmem>>) dst(%dma_wait3A_125 : memref<128xf32, #tpu.memory_space<vmem_shared>>)
      tpu.yield
    }) : () -> ()
    %add3A_99 = arith.constant 128 : i32
    %add3A_100 = arith.addi %mul3A_96, %add3A_99 : i32
    "tpu.region"() ({
      %run_scoped3A = tpu.sem_alloc : memref<!tpu.dma_semaphore, #tpu.memory_space<semaphore_mem>>
      %dma_start3A = tpu.memref_slice %arg7[%add3A_100] : memref<10240xf32, #tpu.memory_space<vmem_shared>> -> memref<128xf32, #tpu.memory_space<vmem_shared>>
      %dma_start3A_124 = tpu.memref_slice %arg7[%add3A_100] : memref<10240xf32, #tpu.memory_space<vmem_shared>> -> memref<128xf32, #tpu.memory_space<vmem_shared>>
      tpu.enqueue_dma source(%arg6 : memref<128xf32, #tpu.memory_space<vmem>>) target(%dma_start3A_124 : memref<128xf32, #tpu.memory_space<vmem_shared>>) target_semaphore(%run_scoped3A : memref<!tpu.dma_semaphore, #tpu.memory_space<semaphore_mem>>)
      %dma_wait3A = tpu.memref_slice %arg7[%add3A_100] : memref<10240xf32, #tpu.memory_space<vmem_shared>> -> memref<128xf32, #tpu.memory_space<vmem_shared>>
      %dma_wait3A_125 = tpu.memref_slice %arg7[%add3A_100] : memref<10240xf32, #tpu.memory_space<vmem_shared>> -> memref<128xf32, #tpu.memory_space<vmem_shared>>
      tpu.wait_dma2 semaphore(%run_scoped3A : memref<!tpu.dma_semaphore, #tpu.memory_space<semaphore_mem>>) src(%arg6 : memref<128xf32, #tpu.memory_space<vmem>>) dst(%dma_wait3A_125 : memref<128xf32, #tpu.memory_space<vmem_shared>>)
      tpu.yield
    }) : () -> ()
    %add3A_101 = arith.constant 256 : i32
    %add3A_102 = arith.addi %mul3A_96, %add3A_101 : i32
    "tpu.region"() ({
      %run_scoped3A = tpu.sem_alloc : memref<!tpu.dma_semaphore, #tpu.memory_space<semaphore_mem>>
      %dma_start3A = tpu.memref_slice %arg7[%add3A_102] : memref<10240xf32, #tpu.memory_space<vmem_shared>> -> memref<128xf32, #tpu.memory_space<vmem_shared>>
      %dma_start3A_124 = tpu.memref_slice %arg7[%add3A_102] : memref<10240xf32, #tpu.memory_space<vmem_shared>> -> memref<128xf32, #tpu.memory_space<vmem_shared>>
      tpu.enqueue_dma source(%arg6 : memref<128xf32, #tpu.memory_space<vmem>>) target(%dma_start3A_124 : memref<128xf32, #tpu.memory_space<vmem_shared>>) target_semaphore(%run_scoped3A : memref<!tpu.dma_semaphore, #tpu.memory_space<semaphore_mem>>)
      %dma_wait3A = tpu.memref_slice %arg7[%add3A_102] : memref<10240xf32, #tpu.memory_space<vmem_shared>> -> memref<128xf32, #tpu.memory_space<vmem_shared>>
      %dma_wait3A_125 = tpu.memref_slice %arg7[%add3A_102] : memref<10240xf32, #tpu.memory_space<vmem_shared>> -> memref<128xf32, #tpu.memory_space<vmem_shared>>
      tpu.wait_dma2 semaphore(%run_scoped3A : memref<!tpu.dma_semaphore, #tpu.memory_space<semaphore_mem>>) src(%arg6 : memref<128xf32, #tpu.memory_space<vmem>>) dst(%dma_wait3A_125 : memref<128xf32, #tpu.memory_space<vmem_shared>>)
      tpu.yield
    }) : () -> ()
    %add3A_103 = arith.constant 384 : i32
    %add3A_104 = arith.addi %mul3A_96, %add3A_103 : i32
    "tpu.region"() ({
      %run_scoped3A = tpu.sem_alloc : memref<!tpu.dma_semaphore, #tpu.memory_space<semaphore_mem>>
      %dma_start3A = tpu.memref_slice %arg7[%add3A_104] : memref<10240xf32, #tpu.memory_space<vmem_shared>> -> memref<128xf32, #tpu.memory_space<vmem_shared>>
      %dma_start3A_124 = tpu.memref_slice %arg7[%add3A_104] : memref<10240xf32, #tpu.memory_space<vmem_shared>> -> memref<128xf32, #tpu.memory_space<vmem_shared>>
      tpu.enqueue_dma source(%arg6 : memref<128xf32, #tpu.memory_space<vmem>>) target(%dma_start3A_124 : memref<128xf32, #tpu.memory_space<vmem_shared>>) target_semaphore(%run_scoped3A : memref<!tpu.dma_semaphore, #tpu.memory_space<semaphore_mem>>)
      %dma_wait3A = tpu.memref_slice %arg7[%add3A_104] : memref<10240xf32, #tpu.memory_space<vmem_shared>> -> memref<128xf32, #tpu.memory_space<vmem_shared>>
      %dma_wait3A_125 = tpu.memref_slice %arg7[%add3A_104] : memref<10240xf32, #tpu.memory_space<vmem_shared>> -> memref<128xf32, #tpu.memory_space<vmem_shared>>
      tpu.wait_dma2 semaphore(%run_scoped3A : memref<!tpu.dma_semaphore, #tpu.memory_space<semaphore_mem>>) src(%arg6 : memref<128xf32, #tpu.memory_space<vmem>>) dst(%dma_wait3A_125 : memref<128xf32, #tpu.memory_space<vmem_shared>>)
      tpu.yield
    }) : () -> ()
    %add3A_105 = arith.constant 512 : i32
    %add3A_106 = arith.addi %mul3A_96, %add3A_105 : i32
    "tpu.region"() ({
      %run_scoped3A = tpu.sem_alloc : memref<!tpu.dma_semaphore, #tpu.memory_space<semaphore_mem>>
      %dma_start3A = tpu.memref_slice %arg7[%add3A_106] : memref<10240xf32, #tpu.memory_space<vmem_shared>> -> memref<128xf32, #tpu.memory_space<vmem_shared>>
      %dma_start3A_124 = tpu.memref_slice %arg7[%add3A_106] : memref<10240xf32, #tpu.memory_space<vmem_shared>> -> memref<128xf32, #tpu.memory_space<vmem_shared>>
      tpu.enqueue_dma source(%arg6 : memref<128xf32, #tpu.memory_space<vmem>>) target(%dma_start3A_124 : memref<128xf32, #tpu.memory_space<vmem_shared>>) target_semaphore(%run_scoped3A : memref<!tpu.dma_semaphore, #tpu.memory_space<semaphore_mem>>)
      %dma_wait3A = tpu.memref_slice %arg7[%add3A_106] : memref<10240xf32, #tpu.memory_space<vmem_shared>> -> memref<128xf32, #tpu.memory_space<vmem_shared>>
      %dma_wait3A_125 = tpu.memref_slice %arg7[%add3A_106] : memref<10240xf32, #tpu.memory_space<vmem_shared>> -> memref<128xf32, #tpu.memory_space<vmem_shared>>
      tpu.wait_dma2 semaphore(%run_scoped3A : memref<!tpu.dma_semaphore, #tpu.memory_space<semaphore_mem>>) src(%arg6 : memref<128xf32, #tpu.memory_space<vmem>>) dst(%dma_wait3A_125 : memref<128xf32, #tpu.memory_space<vmem_shared>>)
      tpu.yield
    }) : () -> ()
    %mul3A_107 = arith.constant 80 : i32
    %mul3A_108 = arith.muli %add3A, %mul3A_107 : i32
    "tpu.region"() ({
      %run_scoped3A = tpu.sem_alloc : memref<!tpu.dma_semaphore, #tpu.memory_space<semaphore_mem>>
      %dma_start3A = arith.constant 0 : i32
      %dma_start3A_124 = tpu.memref_slice %arg2[%mul3A_108, %dma_start3A] : memref<2560x128xi32, #tpu.memory_space<hbm>> -> memref<80x128xi32, #tpu.memory_space<hbm>>
      %dma_start3A_125 = arith.constant 0 : i32
      %dma_start3A_126 = tpu.memref_slice %arg2[%mul3A_108, %dma_start3A_125] : memref<2560x128xi32, #tpu.memory_space<hbm>> -> memref<80x128xi32, #tpu.memory_space<hbm>>
      tpu.enqueue_dma source(%dma_start3A_126 : memref<80x128xi32, #tpu.memory_space<hbm>>) target(%arg4 : memref<80x128xi32, #tpu.memory_space<vmem>>) target_semaphore(%run_scoped3A : memref<!tpu.dma_semaphore, #tpu.memory_space<semaphore_mem>>)
      %dma_wait3A = arith.constant 0 : i32
      %dma_wait3A_127 = tpu.memref_slice %arg2[%mul3A_108, %dma_wait3A] : memref<2560x128xi32, #tpu.memory_space<hbm>> -> memref<80x128xi32, #tpu.memory_space<hbm>>
      %dma_wait3A_128 = arith.constant 0 : i32
      %dma_wait3A_129 = tpu.memref_slice %arg2[%mul3A_108, %dma_wait3A_128] : memref<2560x128xi32, #tpu.memory_space<hbm>> -> memref<80x128xi32, #tpu.memory_space<hbm>>
      tpu.wait_dma2 semaphore(%run_scoped3A : memref<!tpu.dma_semaphore, #tpu.memory_space<semaphore_mem>>) src(%dma_wait3A_129 : memref<80x128xi32, #tpu.memory_space<hbm>>) dst(%arg4 : memref<80x128xi32, #tpu.memory_space<vmem>>)
      tpu.yield
    }) : () -> ()
    %barrier3A = arith.constant 0 : index
    tpu.barrier barrier_id(%barrier3A)
    %scan3A = arith.constant 0 : i32
    %scan3A_109 = arith.constant 0 : i32
    %scan3A_110 = arith.constant 80 : i32
    %scan3A_111 = arith.addi %scan3A_109, %scan3A_110 : i32
    %scan3A_112 = arith.constant 1 : i32
    scf.for %scan3A_124 = %scan3A_109 to %scan3A_111 step %scan3A_112  : i32 {
      %dma_start3A = arith.constant 0 : i32
      %dma_start3A_125 = tpu.memref_slice %arg4[%scan3A_124, %dma_start3A] : memref<80x128xi32, #tpu.memory_space<vmem>> -> memref<1x128xi32, #tpu.memory_space<vmem>>
      %dma_start3A_126 = tpu.memref_squeeze %dma_start3A_125 : memref<1x128xi32, #tpu.memory_space<vmem>> -> memref<128xi32, #tpu.memory_space<vmem>>
      %dma_start3A_127 = arith.constant 0 : i32
      %dma_start3A_128 = tpu.memref_slice %arg7[%dma_start3A_127] : memref<10240xf32, #tpu.memory_space<vmem_shared>> -> memref<10240xf32, #tpu.memory_space<vmem_shared>>
      tpu.enqueue_indirect_dma source(%arg5 : memref<128xf32, #tpu.memory_space<vmem>>) target(%dma_start3A_128 : memref<10240xf32, #tpu.memory_space<vmem_shared>>) offsets(%dma_start3A_126 : memref<128xi32, #tpu.memory_space<vmem>>) semaphore(%arg8 : memref<!tpu.dma_semaphore, #tpu.memory_space<semaphore_mem>>) {add = true}
    }
    %scan3A_113 = arith.constant 80 : i32
    %scan3A_114 = arith.constant 0 : i32
    %scan3A_115 = arith.constant 0 : i32
    %scan3A_116 = arith.constant 80 : i32
    %scan3A_117 = arith.addi %scan3A_115, %scan3A_116 : i32
    %scan3A_118 = arith.constant 1 : i32
    scf.for %scan3A_124 = %scan3A_115 to %scan3A_117 step %scan3A_118  : i32 {
      %dma_wait3A = arith.constant 0 : i32
      %dma_wait3A_125 = tpu.memref_slice %arg4[%scan3A_124, %dma_wait3A] : memref<80x128xi32, #tpu.memory_space<vmem>> -> memref<1x128xi32, #tpu.memory_space<vmem>>
      %dma_wait3A_126 = tpu.memref_squeeze %dma_wait3A_125 : memref<1x128xi32, #tpu.memory_space<vmem>> -> memref<128xi32, #tpu.memory_space<vmem>>
      %dma_wait3A_127 = arith.constant 0 : i32
      %dma_wait3A_128 = tpu.memref_slice %arg7[%dma_wait3A_127] : memref<10240xf32, #tpu.memory_space<vmem_shared>> -> memref<10240xf32, #tpu.memory_space<vmem_shared>>
      tpu.wait_indirect_dma semaphore(%arg8 : memref<!tpu.dma_semaphore, #tpu.memory_space<semaphore_mem>>) src(%arg5 : memref<128xf32, #tpu.memory_space<vmem>>) dst(%dma_wait3A_128 : memref<10240xf32, #tpu.memory_space<vmem_shared>>)
    }
    %scan3A_119 = arith.constant 80 : i32
    %barrier3A_120 = arith.constant 0 : index
    tpu.barrier barrier_id(%barrier3A_120)
    %mul3A_121 = arith.constant 10240 : i32
    %mul3A_122 = arith.muli %arg0, %mul3A_121 : i32
    %add3A_123 = arith.addi %mul3A_122, %mul3A_96 : i32
    "tpu.region"() ({
      %run_scoped3A = tpu.sem_alloc : memref<!tpu.dma_semaphore, #tpu.memory_space<semaphore_mem>>
      %dma_start3A = tpu.memref_slice %arg3[%add3A_123] : memref<20480xf32, #tpu.memory_space<hbm>> -> memref<640xf32, #tpu.memory_space<hbm>>
      %dma_start3A_124 = tpu.memref_slice %arg7[%mul3A_96] : memref<10240xf32, #tpu.memory_space<vmem_shared>> -> memref<640xf32, #tpu.memory_space<vmem_shared>>
      tpu.enqueue_dma source(%dma_start3A_124 : memref<640xf32, #tpu.memory_space<vmem_shared>>) target(%dma_start3A : memref<640xf32, #tpu.memory_space<hbm>>) target_semaphore(%run_scoped3A : memref<!tpu.dma_semaphore, #tpu.memory_space<semaphore_mem>>)
      %dma_wait3A = tpu.memref_slice %arg3[%add3A_123] : memref<20480xf32, #tpu.memory_space<hbm>> -> memref<640xf32, #tpu.memory_space<hbm>>
      %dma_wait3A_125 = tpu.memref_slice %arg7[%mul3A_96] : memref<10240xf32, #tpu.memory_space<vmem_shared>> -> memref<640xf32, #tpu.memory_space<vmem_shared>>
      tpu.wait_dma2 semaphore(%run_scoped3A : memref<!tpu.dma_semaphore, #tpu.memory_space<semaphore_mem>>) src(%dma_wait3A_125 : memref<640xf32, #tpu.memory_space<vmem_shared>>) dst(%dma_wait3A : memref<640xf32, #tpu.memory_space<hbm>>)
      tpu.yield
    }) : () -> ()
    return
  }
}

#map = affine_map<(d0, d1) -> (0, 0)>
module attributes {stable_mosaic.version = 14 : i64} {
  func.func @_scatter_kernel(%arg0: i32, %arg1: i32, %arg2: memref<10240x128xf32, #tpu.memory_space<hbm>>, %arg3: memref<2560x128xi32, #tpu.memory_space<hbm>>, %arg4: memref<2560x128xi32, #tpu.memory_space<hbm>>, %arg5: memref<20480x128xf32, #tpu.memory_space<hbm>>, %arg6: memref<40x128xi32, #tpu.memory_space<vmem>>, %arg7: memref<40x128xi32, #tpu.memory_space<vmem>>, %arg8: memref<2x128x128xf32, #tpu.memory_space<vmem>>, %arg9: memref<10240x128xf32, #tpu.memory_space<vmem_shared>>, %arg10: memref<!tpu.dma_semaphore, #tpu.memory_space<semaphore_mem>>, %arg11: memref<!tpu.dma_semaphore, #tpu.memory_space<semaphore_mem>>) attributes {dimension_semantics = [#tpu.dimension_semantics<core_parallel>, #tpu.dimension_semantics<subcore_parallel>], iteration_bounds = array<i64: 2, 16>, scalar_prefetch = 0 : i64, scratch_operands = 6 : i64, tpu.core_type = #tpu.core_type<sc_vector_subcore>, window_params = [{transform_indices = #map}, {transform_indices = #map}, {transform_indices = #map}, {transform_indices = #map}]} {
    %mul3A = arith.constant 16 : i32
    %mul3A_0 = arith.muli %arg0, %mul3A : i32
    %add3A = arith.addi %mul3A_0, %arg1 : i32
    %mul3A_1 = arith.constant 640 : i32
    %mul3A_2 = arith.muli %arg1, %mul3A_1 : i32
    "tpu.region"() ({
      %run_scoped3A_231 = tpu.sem_alloc : memref<!tpu.dma_semaphore, #tpu.memory_space<semaphore_mem>>
      %dma_start3A_232 = arith.constant 0 : i32
      %dma_start3A_233 = tpu.memref_slice %arg9[%mul3A_2, %dma_start3A_232] : memref<10240x128xf32, #tpu.memory_space<vmem_shared>> -> memref<640x128xf32, #tpu.memory_space<vmem_shared>>
      %dma_start3A_234 = arith.constant 0 : i32
      %dma_start3A_235 = tpu.memref_slice %arg2[%mul3A_2, %dma_start3A_234] : memref<10240x128xf32, #tpu.memory_space<hbm>> -> memref<640x128xf32, #tpu.memory_space<hbm>>
      tpu.enqueue_dma source(%dma_start3A_235 : memref<640x128xf32, #tpu.memory_space<hbm>>) target(%dma_start3A_233 : memref<640x128xf32, #tpu.memory_space<vmem_shared>>) target_semaphore(%run_scoped3A_231 : memref<!tpu.dma_semaphore, #tpu.memory_space<semaphore_mem>>)
      %dma_wait3A_236 = arith.constant 0 : i32
      %dma_wait3A_237 = tpu.memref_slice %arg9[%mul3A_2, %dma_wait3A_236] : memref<10240x128xf32, #tpu.memory_space<vmem_shared>> -> memref<640x128xf32, #tpu.memory_space<vmem_shared>>
      %dma_wait3A_238 = arith.constant 0 : i32
      %dma_wait3A_239 = tpu.memref_slice %arg2[%mul3A_2, %dma_wait3A_238] : memref<10240x128xf32, #tpu.memory_space<hbm>> -> memref<640x128xf32, #tpu.memory_space<hbm>>
      tpu.wait_dma2 semaphore(%run_scoped3A_231 : memref<!tpu.dma_semaphore, #tpu.memory_space<semaphore_mem>>) src(%dma_wait3A_239 : memref<640x128xf32, #tpu.memory_space<hbm>>) dst(%dma_wait3A_237 : memref<640x128xf32, #tpu.memory_space<vmem_shared>>)
      tpu.yield
    }) : () -> ()
    %barrier3A = arith.constant 0 : index
    tpu.barrier barrier_id(%barrier3A)
    %mul3A_3 = arith.constant 80 : i32
    %mul3A_4 = arith.muli %add3A, %mul3A_3 : i32
    %add3A_5 = arith.constant 0 : i32
    %add3A_6 = arith.addi %mul3A_4, %add3A_5 : i32
    "tpu.region"() ({
      %run_scoped3A_231 = tpu.sem_alloc : memref<!tpu.dma_semaphore, #tpu.memory_space<semaphore_mem>>
      %dma_start3A_232 = arith.constant 0 : i32
      %dma_start3A_233 = tpu.memref_slice %arg3[%add3A_6, %dma_start3A_232] : memref<2560x128xi32, #tpu.memory_space<hbm>> -> memref<40x128xi32, #tpu.memory_space<hbm>>
      %dma_start3A_234 = arith.constant 0 : i32
      %dma_start3A_235 = tpu.memref_slice %arg3[%add3A_6, %dma_start3A_234] : memref<2560x128xi32, #tpu.memory_space<hbm>> -> memref<40x128xi32, #tpu.memory_space<hbm>>
      tpu.enqueue_dma source(%dma_start3A_235 : memref<40x128xi32, #tpu.memory_space<hbm>>) target(%arg6 : memref<40x128xi32, #tpu.memory_space<vmem>>) target_semaphore(%run_scoped3A_231 : memref<!tpu.dma_semaphore, #tpu.memory_space<semaphore_mem>>)
      %dma_wait3A_236 = arith.constant 0 : i32
      %dma_wait3A_237 = tpu.memref_slice %arg3[%add3A_6, %dma_wait3A_236] : memref<2560x128xi32, #tpu.memory_space<hbm>> -> memref<40x128xi32, #tpu.memory_space<hbm>>
      %dma_wait3A_238 = arith.constant 0 : i32
      %dma_wait3A_239 = tpu.memref_slice %arg3[%add3A_6, %dma_wait3A_238] : memref<2560x128xi32, #tpu.memory_space<hbm>> -> memref<40x128xi32, #tpu.memory_space<hbm>>
      tpu.wait_dma2 semaphore(%run_scoped3A_231 : memref<!tpu.dma_semaphore, #tpu.memory_space<semaphore_mem>>) src(%dma_wait3A_239 : memref<40x128xi32, #tpu.memory_space<hbm>>) dst(%arg6 : memref<40x128xi32, #tpu.memory_space<vmem>>)
      tpu.yield
    }) : () -> ()
    %mul3A_7 = arith.constant 80 : i32
    %mul3A_8 = arith.muli %add3A, %mul3A_7 : i32
    %add3A_9 = arith.constant 0 : i32
    %add3A_10 = arith.addi %mul3A_8, %add3A_9 : i32
    "tpu.region"() ({
      %run_scoped3A_231 = tpu.sem_alloc : memref<!tpu.dma_semaphore, #tpu.memory_space<semaphore_mem>>
      %dma_start3A_232 = arith.constant 0 : i32
      %dma_start3A_233 = tpu.memref_slice %arg4[%add3A_10, %dma_start3A_232] : memref<2560x128xi32, #tpu.memory_space<hbm>> -> memref<40x128xi32, #tpu.memory_space<hbm>>
      %dma_start3A_234 = arith.constant 0 : i32
      %dma_start3A_235 = tpu.memref_slice %arg4[%add3A_10, %dma_start3A_234] : memref<2560x128xi32, #tpu.memory_space<hbm>> -> memref<40x128xi32, #tpu.memory_space<hbm>>
      tpu.enqueue_dma source(%dma_start3A_235 : memref<40x128xi32, #tpu.memory_space<hbm>>) target(%arg7 : memref<40x128xi32, #tpu.memory_space<vmem>>) target_semaphore(%run_scoped3A_231 : memref<!tpu.dma_semaphore, #tpu.memory_space<semaphore_mem>>)
      %dma_wait3A_236 = arith.constant 0 : i32
      %dma_wait3A_237 = tpu.memref_slice %arg4[%add3A_10, %dma_wait3A_236] : memref<2560x128xi32, #tpu.memory_space<hbm>> -> memref<40x128xi32, #tpu.memory_space<hbm>>
      %dma_wait3A_238 = arith.constant 0 : i32
      %dma_wait3A_239 = tpu.memref_slice %arg4[%add3A_10, %dma_wait3A_238] : memref<2560x128xi32, #tpu.memory_space<hbm>> -> memref<40x128xi32, #tpu.memory_space<hbm>>
      tpu.wait_dma2 semaphore(%run_scoped3A_231 : memref<!tpu.dma_semaphore, #tpu.memory_space<semaphore_mem>>) src(%dma_wait3A_239 : memref<40x128xi32, #tpu.memory_space<hbm>>) dst(%arg7 : memref<40x128xi32, #tpu.memory_space<vmem>>)
      tpu.yield
    }) : () -> ()
    %dma_start3A = arith.constant 0 : i32
    %dma_start3A_11 = arith.constant 0 : i32
    %dma_start3A_12 = arith.constant 0 : i32
    %dma_start3A_13 = arith.constant 0 : i32
    %dma_start3A_14 = tpu.memref_slice %arg8[%dma_start3A_11, %dma_start3A_12, %dma_start3A_13] : memref<2x128x128xf32, #tpu.memory_space<vmem>> -> memref<1x64x128xf32, #tpu.memory_space<vmem>>
    %dma_start3A_15 = tpu.memref_squeeze %dma_start3A_14 : memref<1x64x128xf32, #tpu.memory_space<vmem>> -> memref<64x128xf32, #tpu.memory_space<vmem>>
    %dma_start3A_16 = arith.constant 0 : i32
    %dma_start3A_17 = tpu.memref_slice %arg6[%dma_start3A, %dma_start3A_16] : memref<40x128xi32, #tpu.memory_space<vmem>> -> memref<1x64xi32, #tpu.memory_space<vmem>>
    %dma_start3A_18 = tpu.memref_squeeze %dma_start3A_17 : memref<1x64xi32, #tpu.memory_space<vmem>> -> memref<64xi32, #tpu.memory_space<vmem>>
    %dma_start3A_19 = arith.constant 0 : i32
    %dma_start3A_20 = arith.constant 0 : i32
    %dma_start3A_21 = tpu.memref_slice %arg2[%dma_start3A_19, %dma_start3A_20] : memref<10240x128xf32, #tpu.memory_space<hbm>> -> memref<10240x128xf32, #tpu.memory_space<hbm>>
    tpu.enqueue_indirect_dma source(%dma_start3A_21 : memref<10240x128xf32, #tpu.memory_space<hbm>>) target(%dma_start3A_15 : memref<64x128xf32, #tpu.memory_space<vmem>>) offsets(%dma_start3A_18 : memref<64xi32, #tpu.memory_space<vmem>>) semaphore(%arg10 : memref<!tpu.dma_semaphore, #tpu.memory_space<semaphore_mem>>)
    %dma_start3A_22 = arith.constant 0 : i32
    %dma_start3A_23 = arith.constant 0 : i32
    %dma_start3A_24 = arith.constant 64 : i32
    %dma_start3A_25 = arith.constant 0 : i32
    %dma_start3A_26 = tpu.memref_slice %arg8[%dma_start3A_23, %dma_start3A_24, %dma_start3A_25] : memref<2x128x128xf32, #tpu.memory_space<vmem>> -> memref<1x64x128xf32, #tpu.memory_space<vmem>>
    %dma_start3A_27 = tpu.memref_squeeze %dma_start3A_26 : memref<1x64x128xf32, #tpu.memory_space<vmem>> -> memref<64x128xf32, #tpu.memory_space<vmem>>
    %dma_start3A_28 = arith.constant 64 : i32
    %dma_start3A_29 = tpu.memref_slice %arg6[%dma_start3A_22, %dma_start3A_28] : memref<40x128xi32, #tpu.memory_space<vmem>> -> memref<1x64xi32, #tpu.memory_space<vmem>>
    %dma_start3A_30 = tpu.memref_squeeze %dma_start3A_29 : memref<1x64xi32, #tpu.memory_space<vmem>> -> memref<64xi32, #tpu.memory_space<vmem>>
    %dma_start3A_31 = arith.constant 0 : i32
    %dma_start3A_32 = arith.constant 0 : i32
    %dma_start3A_33 = tpu.memref_slice %arg2[%dma_start3A_31, %dma_start3A_32] : memref<10240x128xf32, #tpu.memory_space<hbm>> -> memref<10240x128xf32, #tpu.memory_space<hbm>>
    tpu.enqueue_indirect_dma source(%dma_start3A_33 : memref<10240x128xf32, #tpu.memory_space<hbm>>) target(%dma_start3A_27 : memref<64x128xf32, #tpu.memory_space<vmem>>) offsets(%dma_start3A_30 : memref<64xi32, #tpu.memory_space<vmem>>) semaphore(%arg10 : memref<!tpu.dma_semaphore, #tpu.memory_space<semaphore_mem>>)
    %dma_start3A_34 = arith.constant 1 : i32
    %dma_start3A_35 = arith.constant 1 : i32
    %dma_start3A_36 = arith.constant 0 : i32
    %dma_start3A_37 = arith.constant 0 : i32
    %dma_start3A_38 = tpu.memref_slice %arg8[%dma_start3A_35, %dma_start3A_36, %dma_start3A_37] : memref<2x128x128xf32, #tpu.memory_space<vmem>> -> memref<1x64x128xf32, #tpu.memory_space<vmem>>
    %dma_start3A_39 = tpu.memref_squeeze %dma_start3A_38 : memref<1x64x128xf32, #tpu.memory_space<vmem>> -> memref<64x128xf32, #tpu.memory_space<vmem>>
    %dma_start3A_40 = arith.constant 0 : i32
    %dma_start3A_41 = tpu.memref_slice %arg6[%dma_start3A_34, %dma_start3A_40] : memref<40x128xi32, #tpu.memory_space<vmem>> -> memref<1x64xi32, #tpu.memory_space<vmem>>
    %dma_start3A_42 = tpu.memref_squeeze %dma_start3A_41 : memref<1x64xi32, #tpu.memory_space<vmem>> -> memref<64xi32, #tpu.memory_space<vmem>>
    %dma_start3A_43 = arith.constant 0 : i32
    %dma_start3A_44 = arith.constant 0 : i32
    %dma_start3A_45 = tpu.memref_slice %arg2[%dma_start3A_43, %dma_start3A_44] : memref<10240x128xf32, #tpu.memory_space<hbm>> -> memref<10240x128xf32, #tpu.memory_space<hbm>>
    tpu.enqueue_indirect_dma source(%dma_start3A_45 : memref<10240x128xf32, #tpu.memory_space<hbm>>) target(%dma_start3A_39 : memref<64x128xf32, #tpu.memory_space<vmem>>) offsets(%dma_start3A_42 : memref<64xi32, #tpu.memory_space<vmem>>) semaphore(%arg11 : memref<!tpu.dma_semaphore, #tpu.memory_space<semaphore_mem>>)
    %dma_start3A_46 = arith.constant 1 : i32
    %dma_start3A_47 = arith.constant 1 : i32
    %dma_start3A_48 = arith.constant 64 : i32
    %dma_start3A_49 = arith.constant 0 : i32
    %dma_start3A_50 = tpu.memref_slice %arg8[%dma_start3A_47, %dma_start3A_48, %dma_start3A_49] : memref<2x128x128xf32, #tpu.memory_space<vmem>> -> memref<1x64x128xf32, #tpu.memory_space<vmem>>
    %dma_start3A_51 = tpu.memref_squeeze %dma_start3A_50 : memref<1x64x128xf32, #tpu.memory_space<vmem>> -> memref<64x128xf32, #tpu.memory_space<vmem>>
    %dma_start3A_52 = arith.constant 64 : i32
    %dma_start3A_53 = tpu.memref_slice %arg6[%dma_start3A_46, %dma_start3A_52] : memref<40x128xi32, #tpu.memory_space<vmem>> -> memref<1x64xi32, #tpu.memory_space<vmem>>
    %dma_start3A_54 = tpu.memref_squeeze %dma_start3A_53 : memref<1x64xi32, #tpu.memory_space<vmem>> -> memref<64xi32, #tpu.memory_space<vmem>>
    %dma_start3A_55 = arith.constant 0 : i32
    %dma_start3A_56 = arith.constant 0 : i32
    %dma_start3A_57 = tpu.memref_slice %arg2[%dma_start3A_55, %dma_start3A_56] : memref<10240x128xf32, #tpu.memory_space<hbm>> -> memref<10240x128xf32, #tpu.memory_space<hbm>>
    tpu.enqueue_indirect_dma source(%dma_start3A_57 : memref<10240x128xf32, #tpu.memory_space<hbm>>) target(%dma_start3A_51 : memref<64x128xf32, #tpu.memory_space<vmem>>) offsets(%dma_start3A_54 : memref<64xi32, #tpu.memory_space<vmem>>) semaphore(%arg11 : memref<!tpu.dma_semaphore, #tpu.memory_space<semaphore_mem>>)
    %scan3A = arith.constant 0 : i32
    %scan3A_58 = arith.constant 0 : i32
    %scan3A_59 = arith.constant 19 : i32
    %scan3A_60 = arith.addi %scan3A_58, %scan3A_59 : i32
    %scan3A_61 = arith.constant 1 : i32
    scf.for %scan3A_231 = %scan3A_58 to %scan3A_60 step %scan3A_61  : i32 {
      %mul3A_232 = arith.constant 2 : i32
      %mul3A_233 = arith.muli %scan3A_231, %mul3A_232 : i32
      %add3A_234 = arith.constant 0 : i32
      %add3A_235 = arith.addi %mul3A_233, %add3A_234 : i32
      %dma_wait3A_236 = arith.constant 0 : i32
      %dma_wait3A_237 = arith.constant 0 : i32
      %dma_wait3A_238 = arith.constant 0 : i32
      %dma_wait3A_239 = tpu.memref_slice %arg8[%dma_wait3A_236, %dma_wait3A_237, %dma_wait3A_238] : memref<2x128x128xf32, #tpu.memory_space<vmem>> -> memref<1x64x128xf32, #tpu.memory_space<vmem>>
      %dma_wait3A_240 = tpu.memref_squeeze %dma_wait3A_239 : memref<1x64x128xf32, #tpu.memory_space<vmem>> -> memref<64x128xf32, #tpu.memory_space<vmem>>
      %dma_wait3A_241 = arith.constant 0 : i32
      %dma_wait3A_242 = tpu.memref_slice %arg6[%add3A_235, %dma_wait3A_241] : memref<40x128xi32, #tpu.memory_space<vmem>> -> memref<1x64xi32, #tpu.memory_space<vmem>>
      %dma_wait3A_243 = tpu.memref_squeeze %dma_wait3A_242 : memref<1x64xi32, #tpu.memory_space<vmem>> -> memref<64xi32, #tpu.memory_space<vmem>>
      %dma_wait3A_244 = arith.constant 0 : i32
      %dma_wait3A_245 = arith.constant 0 : i32
      %dma_wait3A_246 = tpu.memref_slice %arg2[%dma_wait3A_244, %dma_wait3A_245] : memref<10240x128xf32, #tpu.memory_space<hbm>> -> memref<10240x128xf32, #tpu.memory_space<hbm>>
      tpu.wait_indirect_dma semaphore(%arg10 : memref<!tpu.dma_semaphore, #tpu.memory_space<semaphore_mem>>) src(%dma_wait3A_246 : memref<10240x128xf32, #tpu.memory_space<hbm>>) dst(%dma_wait3A_240 : memref<64x128xf32, #tpu.memory_space<vmem>>)
      %dma_wait3A_247 = arith.constant 0 : i32
      %dma_wait3A_248 = arith.constant 64 : i32
      %dma_wait3A_249 = arith.constant 0 : i32
      %dma_wait3A_250 = tpu.memref_slice %arg8[%dma_wait3A_247, %dma_wait3A_248, %dma_wait3A_249] : memref<2x128x128xf32, #tpu.memory_space<vmem>> -> memref<1x64x128xf32, #tpu.memory_space<vmem>>
      %dma_wait3A_251 = tpu.memref_squeeze %dma_wait3A_250 : memref<1x64x128xf32, #tpu.memory_space<vmem>> -> memref<64x128xf32, #tpu.memory_space<vmem>>
      %dma_wait3A_252 = arith.constant 64 : i32
      %dma_wait3A_253 = tpu.memref_slice %arg6[%add3A_235, %dma_wait3A_252] : memref<40x128xi32, #tpu.memory_space<vmem>> -> memref<1x64xi32, #tpu.memory_space<vmem>>
      %dma_wait3A_254 = tpu.memref_squeeze %dma_wait3A_253 : memref<1x64xi32, #tpu.memory_space<vmem>> -> memref<64xi32, #tpu.memory_space<vmem>>
      %dma_wait3A_255 = arith.constant 0 : i32
      %dma_wait3A_256 = arith.constant 0 : i32
      %dma_wait3A_257 = tpu.memref_slice %arg2[%dma_wait3A_255, %dma_wait3A_256] : memref<10240x128xf32, #tpu.memory_space<hbm>> -> memref<10240x128xf32, #tpu.memory_space<hbm>>
      tpu.wait_indirect_dma semaphore(%arg10 : memref<!tpu.dma_semaphore, #tpu.memory_space<semaphore_mem>>) src(%dma_wait3A_257 : memref<10240x128xf32, #tpu.memory_space<hbm>>) dst(%dma_wait3A_251 : memref<64x128xf32, #tpu.memory_space<vmem>>)
      %run_scoped3A_258 = arith.constant 0 : i32
      "tpu.region"() ({
        %run_scoped3A_332 = tpu.sem_alloc : memref<!tpu.dma_semaphore, #tpu.memory_space<semaphore_mem>>
        %dma_start3A_333 = arith.constant 0 : i32
        %dma_start3A_334 = arith.constant 0 : i32
        %dma_start3A_335 = tpu.memref_slice %arg8[%run_scoped3A_258, %dma_start3A_333, %dma_start3A_334] : memref<2x128x128xf32, #tpu.memory_space<vmem>> -> memref<1x128x128xf32, #tpu.memory_space<vmem>>
        %dma_start3A_336 = tpu.memref_squeeze %dma_start3A_335 : memref<1x128x128xf32, #tpu.memory_space<vmem>> -> memref<128x128xf32, #tpu.memory_space<vmem>>
        %dma_start3A_337 = arith.constant 0 : i32
        %dma_start3A_338 = tpu.memref_slice %arg7[%add3A_235, %dma_start3A_337] : memref<40x128xi32, #tpu.memory_space<vmem>> -> memref<1x128xi32, #tpu.memory_space<vmem>>
        %dma_start3A_339 = tpu.memref_squeeze %dma_start3A_338 : memref<1x128xi32, #tpu.memory_space<vmem>> -> memref<128xi32, #tpu.memory_space<vmem>>
        %dma_start3A_340 = arith.constant 0 : i32
        %dma_start3A_341 = arith.constant 0 : i32
        %dma_start3A_342 = tpu.memref_slice %arg9[%dma_start3A_340, %dma_start3A_341] : memref<10240x128xf32, #tpu.memory_space<vmem_shared>> -> memref<10240x128xf32, #tpu.memory_space<vmem_shared>>
        tpu.enqueue_indirect_dma source(%dma_start3A_336 : memref<128x128xf32, #tpu.memory_space<vmem>>) target(%dma_start3A_342 : memref<10240x128xf32, #tpu.memory_space<vmem_shared>>) offsets(%dma_start3A_339 : memref<128xi32, #tpu.memory_space<vmem>>) semaphore(%run_scoped3A_332 : memref<!tpu.dma_semaphore, #tpu.memory_space<semaphore_mem>>) {add = true}
        %dma_wait3A_343 = arith.constant 0 : i32
        %dma_wait3A_344 = arith.constant 0 : i32
        %dma_wait3A_345 = tpu.memref_slice %arg8[%run_scoped3A_258, %dma_wait3A_343, %dma_wait3A_344] : memref<2x128x128xf32, #tpu.memory_space<vmem>> -> memref<1x128x128xf32, #tpu.memory_space<vmem>>
        %dma_wait3A_346 = tpu.memref_squeeze %dma_wait3A_345 : memref<1x128x128xf32, #tpu.memory_space<vmem>> -> memref<128x128xf32, #tpu.memory_space<vmem>>
        %dma_wait3A_347 = arith.constant 0 : i32
        %dma_wait3A_348 = tpu.memref_slice %arg7[%add3A_235, %dma_wait3A_347] : memref<40x128xi32, #tpu.memory_space<vmem>> -> memref<1x128xi32, #tpu.memory_space<vmem>>
        %dma_wait3A_349 = tpu.memref_squeeze %dma_wait3A_348 : memref<1x128xi32, #tpu.memory_space<vmem>> -> memref<128xi32, #tpu.memory_space<vmem>>
        %dma_wait3A_350 = arith.constant 0 : i32
        %dma_wait3A_351 = arith.constant 0 : i32
        %dma_wait3A_352 = tpu.memref_slice %arg9[%dma_wait3A_350, %dma_wait3A_351] : memref<10240x128xf32, #tpu.memory_space<vmem_shared>> -> memref<10240x128xf32, #tpu.memory_space<vmem_shared>>
        tpu.wait_indirect_dma semaphore(%run_scoped3A_332 : memref<!tpu.dma_semaphore, #tpu.memory_space<semaphore_mem>>) src(%dma_wait3A_346 : memref<128x128xf32, #tpu.memory_space<vmem>>) dst(%dma_wait3A_352 : memref<10240x128xf32, #tpu.memory_space<vmem_shared>>)
        tpu.yield
      }) : () -> ()
      %add3A_259 = arith.constant 2 : i32
      %add3A_260 = arith.addi %add3A_235, %add3A_259 : i32
      %dma_start3A_261 = arith.constant 0 : i32
      %dma_start3A_262 = arith.constant 0 : i32
      %dma_start3A_263 = arith.constant 0 : i32
      %dma_start3A_264 = tpu.memref_slice %arg8[%dma_start3A_261, %dma_start3A_262, %dma_start3A_263] : memref<2x128x128xf32, #tpu.memory_space<vmem>> -> memref<1x64x128xf32, #tpu.memory_space<vmem>>
      %dma_start3A_265 = tpu.memref_squeeze %dma_start3A_264 : memref<1x64x128xf32, #tpu.memory_space<vmem>> -> memref<64x128xf32, #tpu.memory_space<vmem>>
      %dma_start3A_266 = arith.constant 0 : i32
      %dma_start3A_267 = tpu.memref_slice %arg6[%add3A_260, %dma_start3A_266] : memref<40x128xi32, #tpu.memory_space<vmem>> -> memref<1x64xi32, #tpu.memory_space<vmem>>
      %dma_start3A_268 = tpu.memref_squeeze %dma_start3A_267 : memref<1x64xi32, #tpu.memory_space<vmem>> -> memref<64xi32, #tpu.memory_space<vmem>>
      %dma_start3A_269 = arith.constant 0 : i32
      %dma_start3A_270 = arith.constant 0 : i32
      %dma_start3A_271 = tpu.memref_slice %arg2[%dma_start3A_269, %dma_start3A_270] : memref<10240x128xf32, #tpu.memory_space<hbm>> -> memref<10240x128xf32, #tpu.memory_space<hbm>>
      tpu.enqueue_indirect_dma source(%dma_start3A_271 : memref<10240x128xf32, #tpu.memory_space<hbm>>) target(%dma_start3A_265 : memref<64x128xf32, #tpu.memory_space<vmem>>) offsets(%dma_start3A_268 : memref<64xi32, #tpu.memory_space<vmem>>) semaphore(%arg10 : memref<!tpu.dma_semaphore, #tpu.memory_space<semaphore_mem>>)
      %dma_start3A_272 = arith.constant 0 : i32
      %dma_start3A_273 = arith.constant 64 : i32
      %dma_start3A_274 = arith.constant 0 : i32
      %dma_start3A_275 = tpu.memref_slice %arg8[%dma_start3A_272, %dma_start3A_273, %dma_start3A_274] : memref<2x128x128xf32, #tpu.memory_space<vmem>> -> memref<1x64x128xf32, #tpu.memory_space<vmem>>
      %dma_start3A_276 = tpu.memref_squeeze %dma_start3A_275 : memref<1x64x128xf32, #tpu.memory_space<vmem>> -> memref<64x128xf32, #tpu.memory_space<vmem>>
      %dma_start3A_277 = arith.constant 64 : i32
      %dma_start3A_278 = tpu.memref_slice %arg6[%add3A_260, %dma_start3A_277] : memref<40x128xi32, #tpu.memory_space<vmem>> -> memref<1x64xi32, #tpu.memory_space<vmem>>
      %dma_start3A_279 = tpu.memref_squeeze %dma_start3A_278 : memref<1x64xi32, #tpu.memory_space<vmem>> -> memref<64xi32, #tpu.memory_space<vmem>>
      %dma_start3A_280 = arith.constant 0 : i32
      %dma_start3A_281 = arith.constant 0 : i32
      %dma_start3A_282 = tpu.memref_slice %arg2[%dma_start3A_280, %dma_start3A_281] : memref<10240x128xf32, #tpu.memory_space<hbm>> -> memref<10240x128xf32, #tpu.memory_space<hbm>>
      tpu.enqueue_indirect_dma source(%dma_start3A_282 : memref<10240x128xf32, #tpu.memory_space<hbm>>) target(%dma_start3A_276 : memref<64x128xf32, #tpu.memory_space<vmem>>) offsets(%dma_start3A_279 : memref<64xi32, #tpu.memory_space<vmem>>) semaphore(%arg10 : memref<!tpu.dma_semaphore, #tpu.memory_space<semaphore_mem>>)
      %add3A_283 = arith.constant 1 : i32
      %add3A_284 = arith.addi %mul3A_233, %add3A_283 : i32
      %dma_wait3A_285 = arith.constant 1 : i32
      %dma_wait3A_286 = arith.constant 0 : i32
      %dma_wait3A_287 = arith.constant 0 : i32
      %dma_wait3A_288 = tpu.memref_slice %arg8[%dma_wait3A_285, %dma_wait3A_286, %dma_wait3A_287] : memref<2x128x128xf32, #tpu.memory_space<vmem>> -> memref<1x64x128xf32, #tpu.memory_space<vmem>>
      %dma_wait3A_289 = tpu.memref_squeeze %dma_wait3A_288 : memref<1x64x128xf32, #tpu.memory_space<vmem>> -> memref<64x128xf32, #tpu.memory_space<vmem>>
      %dma_wait3A_290 = arith.constant 0 : i32
      %dma_wait3A_291 = tpu.memref_slice %arg6[%add3A_284, %dma_wait3A_290] : memref<40x128xi32, #tpu.memory_space<vmem>> -> memref<1x64xi32, #tpu.memory_space<vmem>>
      %dma_wait3A_292 = tpu.memref_squeeze %dma_wait3A_291 : memref<1x64xi32, #tpu.memory_space<vmem>> -> memref<64xi32, #tpu.memory_space<vmem>>
      %dma_wait3A_293 = arith.constant 0 : i32
      %dma_wait3A_294 = arith.constant 0 : i32
      %dma_wait3A_295 = tpu.memref_slice %arg2[%dma_wait3A_293, %dma_wait3A_294] : memref<10240x128xf32, #tpu.memory_space<hbm>> -> memref<10240x128xf32, #tpu.memory_space<hbm>>
      tpu.wait_indirect_dma semaphore(%arg11 : memref<!tpu.dma_semaphore, #tpu.memory_space<semaphore_mem>>) src(%dma_wait3A_295 : memref<10240x128xf32, #tpu.memory_space<hbm>>) dst(%dma_wait3A_289 : memref<64x128xf32, #tpu.memory_space<vmem>>)
      %dma_wait3A_296 = arith.constant 1 : i32
      %dma_wait3A_297 = arith.constant 64 : i32
      %dma_wait3A_298 = arith.constant 0 : i32
      %dma_wait3A_299 = tpu.memref_slice %arg8[%dma_wait3A_296, %dma_wait3A_297, %dma_wait3A_298] : memref<2x128x128xf32, #tpu.memory_space<vmem>> -> memref<1x64x128xf32, #tpu.memory_space<vmem>>
      %dma_wait3A_300 = tpu.memref_squeeze %dma_wait3A_299 : memref<1x64x128xf32, #tpu.memory_space<vmem>> -> memref<64x128xf32, #tpu.memory_space<vmem>>
      %dma_wait3A_301 = arith.constant 64 : i32
      %dma_wait3A_302 = tpu.memref_slice %arg6[%add3A_284, %dma_wait3A_301] : memref<40x128xi32, #tpu.memory_space<vmem>> -> memref<1x64xi32, #tpu.memory_space<vmem>>
      %dma_wait3A_303 = tpu.memref_squeeze %dma_wait3A_302 : memref<1x64xi32, #tpu.memory_space<vmem>> -> memref<64xi32, #tpu.memory_space<vmem>>
      %dma_wait3A_304 = arith.constant 0 : i32
      %dma_wait3A_305 = arith.constant 0 : i32
      %dma_wait3A_306 = tpu.memref_slice %arg2[%dma_wait3A_304, %dma_wait3A_305] : memref<10240x128xf32, #tpu.memory_space<hbm>> -> memref<10240x128xf32, #tpu.memory_space<hbm>>
      tpu.wait_indirect_dma semaphore(%arg11 : memref<!tpu.dma_semaphore, #tpu.memory_space<semaphore_mem>>) src(%dma_wait3A_306 : memref<10240x128xf32, #tpu.memory_space<hbm>>) dst(%dma_wait3A_300 : memref<64x128xf32, #tpu.memory_space<vmem>>)
      %run_scoped3A_307 = arith.constant 1 : i32
      "tpu.region"() ({
        %run_scoped3A_332 = tpu.sem_alloc : memref<!tpu.dma_semaphore, #tpu.memory_space<semaphore_mem>>
        %dma_start3A_333 = arith.constant 0 : i32
        %dma_start3A_334 = arith.constant 0 : i32
        %dma_start3A_335 = tpu.memref_slice %arg8[%run_scoped3A_307, %dma_start3A_333, %dma_start3A_334] : memref<2x128x128xf32, #tpu.memory_space<vmem>> -> memref<1x128x128xf32, #tpu.memory_space<vmem>>
        %dma_start3A_336 = tpu.memref_squeeze %dma_start3A_335 : memref<1x128x128xf32, #tpu.memory_space<vmem>> -> memref<128x128xf32, #tpu.memory_space<vmem>>
        %dma_start3A_337 = arith.constant 0 : i32
        %dma_start3A_338 = tpu.memref_slice %arg7[%add3A_284, %dma_start3A_337] : memref<40x128xi32, #tpu.memory_space<vmem>> -> memref<1x128xi32, #tpu.memory_space<vmem>>
        %dma_start3A_339 = tpu.memref_squeeze %dma_start3A_338 : memref<1x128xi32, #tpu.memory_space<vmem>> -> memref<128xi32, #tpu.memory_space<vmem>>
        %dma_start3A_340 = arith.constant 0 : i32
        %dma_start3A_341 = arith.constant 0 : i32
        %dma_start3A_342 = tpu.memref_slice %arg9[%dma_start3A_340, %dma_start3A_341] : memref<10240x128xf32, #tpu.memory_space<vmem_shared>> -> memref<10240x128xf32, #tpu.memory_space<vmem_shared>>
        tpu.enqueue_indirect_dma source(%dma_start3A_336 : memref<128x128xf32, #tpu.memory_space<vmem>>) target(%dma_start3A_342 : memref<10240x128xf32, #tpu.memory_space<vmem_shared>>) offsets(%dma_start3A_339 : memref<128xi32, #tpu.memory_space<vmem>>) semaphore(%run_scoped3A_332 : memref<!tpu.dma_semaphore, #tpu.memory_space<semaphore_mem>>) {add = true}
        %dma_wait3A_343 = arith.constant 0 : i32
        %dma_wait3A_344 = arith.constant 0 : i32
        %dma_wait3A_345 = tpu.memref_slice %arg8[%run_scoped3A_307, %dma_wait3A_343, %dma_wait3A_344] : memref<2x128x128xf32, #tpu.memory_space<vmem>> -> memref<1x128x128xf32, #tpu.memory_space<vmem>>
        %dma_wait3A_346 = tpu.memref_squeeze %dma_wait3A_345 : memref<1x128x128xf32, #tpu.memory_space<vmem>> -> memref<128x128xf32, #tpu.memory_space<vmem>>
        %dma_wait3A_347 = arith.constant 0 : i32
        %dma_wait3A_348 = tpu.memref_slice %arg7[%add3A_284, %dma_wait3A_347] : memref<40x128xi32, #tpu.memory_space<vmem>> -> memref<1x128xi32, #tpu.memory_space<vmem>>
        %dma_wait3A_349 = tpu.memref_squeeze %dma_wait3A_348 : memref<1x128xi32, #tpu.memory_space<vmem>> -> memref<128xi32, #tpu.memory_space<vmem>>
        %dma_wait3A_350 = arith.constant 0 : i32
        %dma_wait3A_351 = arith.constant 0 : i32
        %dma_wait3A_352 = tpu.memref_slice %arg9[%dma_wait3A_350, %dma_wait3A_351] : memref<10240x128xf32, #tpu.memory_space<vmem_shared>> -> memref<10240x128xf32, #tpu.memory_space<vmem_shared>>
        tpu.wait_indirect_dma semaphore(%run_scoped3A_332 : memref<!tpu.dma_semaphore, #tpu.memory_space<semaphore_mem>>) src(%dma_wait3A_346 : memref<128x128xf32, #tpu.memory_space<vmem>>) dst(%dma_wait3A_352 : memref<10240x128xf32, #tpu.memory_space<vmem_shared>>)
        tpu.yield
      }) : () -> ()
      %add3A_308 = arith.constant 2 : i32
      %add3A_309 = arith.addi %add3A_284, %add3A_308 : i32
      %dma_start3A_310 = arith.constant 1 : i32
      %dma_start3A_311 = arith.constant 0 : i32
      %dma_start3A_312 = arith.constant 0 : i32
      %dma_start3A_313 = tpu.memref_slice %arg8[%dma_start3A_310, %dma_start3A_311, %dma_start3A_312] : memref<2x128x128xf32, #tpu.memory_space<vmem>> -> memref<1x64x128xf32, #tpu.memory_space<vmem>>
      %dma_start3A_314 = tpu.memref_squeeze %dma_start3A_313 : memref<1x64x128xf32, #tpu.memory_space<vmem>> -> memref<64x128xf32, #tpu.memory_space<vmem>>
      %dma_start3A_315 = arith.constant 0 : i32
      %dma_start3A_316 = tpu.memref_slice %arg6[%add3A_309, %dma_start3A_315] : memref<40x128xi32, #tpu.memory_space<vmem>> -> memref<1x64xi32, #tpu.memory_space<vmem>>
      %dma_start3A_317 = tpu.memref_squeeze %dma_start3A_316 : memref<1x64xi32, #tpu.memory_space<vmem>> -> memref<64xi32, #tpu.memory_space<vmem>>
      %dma_start3A_318 = arith.constant 0 : i32
      %dma_start3A_319 = arith.constant 0 : i32
      %dma_start3A_320 = tpu.memref_slice %arg2[%dma_start3A_318, %dma_start3A_319] : memref<10240x128xf32, #tpu.memory_space<hbm>> -> memref<10240x128xf32, #tpu.memory_space<hbm>>
      tpu.enqueue_indirect_dma source(%dma_start3A_320 : memref<10240x128xf32, #tpu.memory_space<hbm>>) target(%dma_start3A_314 : memref<64x128xf32, #tpu.memory_space<vmem>>) offsets(%dma_start3A_317 : memref<64xi32, #tpu.memory_space<vmem>>) semaphore(%arg11 : memref<!tpu.dma_semaphore, #tpu.memory_space<semaphore_mem>>)
      %dma_start3A_321 = arith.constant 1 : i32
      %dma_start3A_322 = arith.constant 64 : i32
      %dma_start3A_323 = arith.constant 0 : i32
      %dma_start3A_324 = tpu.memref_slice %arg8[%dma_start3A_321, %dma_start3A_322, %dma_start3A_323] : memref<2x128x128xf32, #tpu.memory_space<vmem>> -> memref<1x64x128xf32, #tpu.memory_space<vmem>>
      %dma_start3A_325 = tpu.memref_squeeze %dma_start3A_324 : memref<1x64x128xf32, #tpu.memory_space<vmem>> -> memref<64x128xf32, #tpu.memory_space<vmem>>
      %dma_start3A_326 = arith.constant 64 : i32
      %dma_start3A_327 = tpu.memref_slice %arg6[%add3A_309, %dma_start3A_326] : memref<40x128xi32, #tpu.memory_space<vmem>> -> memref<1x64xi32, #tpu.memory_space<vmem>>
      %dma_start3A_328 = tpu.memref_squeeze %dma_start3A_327 : memref<1x64xi32, #tpu.memory_space<vmem>> -> memref<64xi32, #tpu.memory_space<vmem>>
      %dma_start3A_329 = arith.constant 0 : i32
      %dma_start3A_330 = arith.constant 0 : i32
      %dma_start3A_331 = tpu.memref_slice %arg2[%dma_start3A_329, %dma_start3A_330] : memref<10240x128xf32, #tpu.memory_space<hbm>> -> memref<10240x128xf32, #tpu.memory_space<hbm>>
      tpu.enqueue_indirect_dma source(%dma_start3A_331 : memref<10240x128xf32, #tpu.memory_space<hbm>>) target(%dma_start3A_325 : memref<64x128xf32, #tpu.memory_space<vmem>>) offsets(%dma_start3A_328 : memref<64xi32, #tpu.memory_space<vmem>>) semaphore(%arg11 : memref<!tpu.dma_semaphore, #tpu.memory_space<semaphore_mem>>)
    }
    %scan3A_62 = arith.constant 19 : i32
    %dma_wait3A = arith.constant 38 : i32
    %dma_wait3A_63 = arith.constant 0 : i32
    %dma_wait3A_64 = arith.constant 0 : i32
    %dma_wait3A_65 = arith.constant 0 : i32
    %dma_wait3A_66 = tpu.memref_slice %arg8[%dma_wait3A_63, %dma_wait3A_64, %dma_wait3A_65] : memref<2x128x128xf32, #tpu.memory_space<vmem>> -> memref<1x64x128xf32, #tpu.memory_space<vmem>>
    %dma_wait3A_67 = tpu.memref_squeeze %dma_wait3A_66 : memref<1x64x128xf32, #tpu.memory_space<vmem>> -> memref<64x128xf32, #tpu.memory_space<vmem>>
    %dma_wait3A_68 = arith.constant 0 : i32
    %dma_wait3A_69 = tpu.memref_slice %arg6[%dma_wait3A, %dma_wait3A_68] : memref<40x128xi32, #tpu.memory_space<vmem>> -> memref<1x64xi32, #tpu.memory_space<vmem>>
    %dma_wait3A_70 = tpu.memref_squeeze %dma_wait3A_69 : memref<1x64xi32, #tpu.memory_space<vmem>> -> memref<64xi32, #tpu.memory_space<vmem>>
    %dma_wait3A_71 = arith.constant 0 : i32
    %dma_wait3A_72 = arith.constant 0 : i32
    %dma_wait3A_73 = tpu.memref_slice %arg2[%dma_wait3A_71, %dma_wait3A_72] : memref<10240x128xf32, #tpu.memory_space<hbm>> -> memref<10240x128xf32, #tpu.memory_space<hbm>>
    tpu.wait_indirect_dma semaphore(%arg10 : memref<!tpu.dma_semaphore, #tpu.memory_space<semaphore_mem>>) src(%dma_wait3A_73 : memref<10240x128xf32, #tpu.memory_space<hbm>>) dst(%dma_wait3A_67 : memref<64x128xf32, #tpu.memory_space<vmem>>)
    %dma_wait3A_74 = arith.constant 38 : i32
    %dma_wait3A_75 = arith.constant 0 : i32
    %dma_wait3A_76 = arith.constant 64 : i32
    %dma_wait3A_77 = arith.constant 0 : i32
    %dma_wait3A_78 = tpu.memref_slice %arg8[%dma_wait3A_75, %dma_wait3A_76, %dma_wait3A_77] : memref<2x128x128xf32, #tpu.memory_space<vmem>> -> memref<1x64x128xf32, #tpu.memory_space<vmem>>
    %dma_wait3A_79 = tpu.memref_squeeze %dma_wait3A_78 : memref<1x64x128xf32, #tpu.memory_space<vmem>> -> memref<64x128xf32, #tpu.memory_space<vmem>>
    %dma_wait3A_80 = arith.constant 64 : i32
    %dma_wait3A_81 = tpu.memref_slice %arg6[%dma_wait3A_74, %dma_wait3A_80] : memref<40x128xi32, #tpu.memory_space<vmem>> -> memref<1x64xi32, #tpu.memory_space<vmem>>
    %dma_wait3A_82 = tpu.memref_squeeze %dma_wait3A_81 : memref<1x64xi32, #tpu.memory_space<vmem>> -> memref<64xi32, #tpu.memory_space<vmem>>
    %dma_wait3A_83 = arith.constant 0 : i32
    %dma_wait3A_84 = arith.constant 0 : i32
    %dma_wait3A_85 = tpu.memref_slice %arg2[%dma_wait3A_83, %dma_wait3A_84] : memref<10240x128xf32, #tpu.memory_space<hbm>> -> memref<10240x128xf32, #tpu.memory_space<hbm>>
    tpu.wait_indirect_dma semaphore(%arg10 : memref<!tpu.dma_semaphore, #tpu.memory_space<semaphore_mem>>) src(%dma_wait3A_85 : memref<10240x128xf32, #tpu.memory_space<hbm>>) dst(%dma_wait3A_79 : memref<64x128xf32, #tpu.memory_space<vmem>>)
    %run_scoped3A = arith.constant 0 : i32
    %run_scoped3A_86 = arith.constant 38 : i32
    "tpu.region"() ({
      %run_scoped3A_231 = tpu.sem_alloc : memref<!tpu.dma_semaphore, #tpu.memory_space<semaphore_mem>>
      %dma_start3A_232 = arith.constant 0 : i32
      %dma_start3A_233 = arith.constant 0 : i32
      %dma_start3A_234 = tpu.memref_slice %arg8[%run_scoped3A, %dma_start3A_232, %dma_start3A_233] : memref<2x128x128xf32, #tpu.memory_space<vmem>> -> memref<1x128x128xf32, #tpu.memory_space<vmem>>
      %dma_start3A_235 = tpu.memref_squeeze %dma_start3A_234 : memref<1x128x128xf32, #tpu.memory_space<vmem>> -> memref<128x128xf32, #tpu.memory_space<vmem>>
      %dma_start3A_236 = arith.constant 0 : i32
      %dma_start3A_237 = tpu.memref_slice %arg7[%run_scoped3A_86, %dma_start3A_236] : memref<40x128xi32, #tpu.memory_space<vmem>> -> memref<1x128xi32, #tpu.memory_space<vmem>>
      %dma_start3A_238 = tpu.memref_squeeze %dma_start3A_237 : memref<1x128xi32, #tpu.memory_space<vmem>> -> memref<128xi32, #tpu.memory_space<vmem>>
      %dma_start3A_239 = arith.constant 0 : i32
      %dma_start3A_240 = arith.constant 0 : i32
      %dma_start3A_241 = tpu.memref_slice %arg9[%dma_start3A_239, %dma_start3A_240] : memref<10240x128xf32, #tpu.memory_space<vmem_shared>> -> memref<10240x128xf32, #tpu.memory_space<vmem_shared>>
      tpu.enqueue_indirect_dma source(%dma_start3A_235 : memref<128x128xf32, #tpu.memory_space<vmem>>) target(%dma_start3A_241 : memref<10240x128xf32, #tpu.memory_space<vmem_shared>>) offsets(%dma_start3A_238 : memref<128xi32, #tpu.memory_space<vmem>>) semaphore(%run_scoped3A_231 : memref<!tpu.dma_semaphore, #tpu.memory_space<semaphore_mem>>) {add = true}
      %dma_wait3A_242 = arith.constant 0 : i32
      %dma_wait3A_243 = arith.constant 0 : i32
      %dma_wait3A_244 = tpu.memref_slice %arg8[%run_scoped3A, %dma_wait3A_242, %dma_wait3A_243] : memref<2x128x128xf32, #tpu.memory_space<vmem>> -> memref<1x128x128xf32, #tpu.memory_space<vmem>>
      %dma_wait3A_245 = tpu.memref_squeeze %dma_wait3A_244 : memref<1x128x128xf32, #tpu.memory_space<vmem>> -> memref<128x128xf32, #tpu.memory_space<vmem>>
      %dma_wait3A_246 = arith.constant 0 : i32
      %dma_wait3A_247 = tpu.memref_slice %arg7[%run_scoped3A_86, %dma_wait3A_246] : memref<40x128xi32, #tpu.memory_space<vmem>> -> memref<1x128xi32, #tpu.memory_space<vmem>>
      %dma_wait3A_248 = tpu.memref_squeeze %dma_wait3A_247 : memref<1x128xi32, #tpu.memory_space<vmem>> -> memref<128xi32, #tpu.memory_space<vmem>>
      %dma_wait3A_249 = arith.constant 0 : i32
      %dma_wait3A_250 = arith.constant 0 : i32
      %dma_wait3A_251 = tpu.memref_slice %arg9[%dma_wait3A_249, %dma_wait3A_250] : memref<10240x128xf32, #tpu.memory_space<vmem_shared>> -> memref<10240x128xf32, #tpu.memory_space<vmem_shared>>
      tpu.wait_indirect_dma semaphore(%run_scoped3A_231 : memref<!tpu.dma_semaphore, #tpu.memory_space<semaphore_mem>>) src(%dma_wait3A_245 : memref<128x128xf32, #tpu.memory_space<vmem>>) dst(%dma_wait3A_251 : memref<10240x128xf32, #tpu.memory_space<vmem_shared>>)
      tpu.yield
    }) : () -> ()
    %dma_wait3A_87 = arith.constant 39 : i32
    %dma_wait3A_88 = arith.constant 1 : i32
    %dma_wait3A_89 = arith.constant 0 : i32
    %dma_wait3A_90 = arith.constant 0 : i32
    %dma_wait3A_91 = tpu.memref_slice %arg8[%dma_wait3A_88, %dma_wait3A_89, %dma_wait3A_90] : memref<2x128x128xf32, #tpu.memory_space<vmem>> -> memref<1x64x128xf32, #tpu.memory_space<vmem>>
    %dma_wait3A_92 = tpu.memref_squeeze %dma_wait3A_91 : memref<1x64x128xf32, #tpu.memory_space<vmem>> -> memref<64x128xf32, #tpu.memory_space<vmem>>
    %dma_wait3A_93 = arith.constant 0 : i32
    %dma_wait3A_94 = tpu.memref_slice %arg6[%dma_wait3A_87, %dma_wait3A_93] : memref<40x128xi32, #tpu.memory_space<vmem>> -> memref<1x64xi32, #tpu.memory_space<vmem>>
    %dma_wait3A_95 = tpu.memref_squeeze %dma_wait3A_94 : memref<1x64xi32, #tpu.memory_space<vmem>> -> memref<64xi32, #tpu.memory_space<vmem>>
    %dma_wait3A_96 = arith.constant 0 : i32
    %dma_wait3A_97 = arith.constant 0 : i32
    %dma_wait3A_98 = tpu.memref_slice %arg2[%dma_wait3A_96, %dma_wait3A_97] : memref<10240x128xf32, #tpu.memory_space<hbm>> -> memref<10240x128xf32, #tpu.memory_space<hbm>>
    tpu.wait_indirect_dma semaphore(%arg11 : memref<!tpu.dma_semaphore, #tpu.memory_space<semaphore_mem>>) src(%dma_wait3A_98 : memref<10240x128xf32, #tpu.memory_space<hbm>>) dst(%dma_wait3A_92 : memref<64x128xf32, #tpu.memory_space<vmem>>)
    %dma_wait3A_99 = arith.constant 39 : i32
    %dma_wait3A_100 = arith.constant 1 : i32
    %dma_wait3A_101 = arith.constant 64 : i32
    %dma_wait3A_102 = arith.constant 0 : i32
    %dma_wait3A_103 = tpu.memref_slice %arg8[%dma_wait3A_100, %dma_wait3A_101, %dma_wait3A_102] : memref<2x128x128xf32, #tpu.memory_space<vmem>> -> memref<1x64x128xf32, #tpu.memory_space<vmem>>
    %dma_wait3A_104 = tpu.memref_squeeze %dma_wait3A_103 : memref<1x64x128xf32, #tpu.memory_space<vmem>> -> memref<64x128xf32, #tpu.memory_space<vmem>>
    %dma_wait3A_105 = arith.constant 64 : i32
    %dma_wait3A_106 = tpu.memref_slice %arg6[%dma_wait3A_99, %dma_wait3A_105] : memref<40x128xi32, #tpu.memory_space<vmem>> -> memref<1x64xi32, #tpu.memory_space<vmem>>
    %dma_wait3A_107 = tpu.memref_squeeze %dma_wait3A_106 : memref<1x64xi32, #tpu.memory_space<vmem>> -> memref<64xi32, #tpu.memory_space<vmem>>
    %dma_wait3A_108 = arith.constant 0 : i32
    %dma_wait3A_109 = arith.constant 0 : i32
    %dma_wait3A_110 = tpu.memref_slice %arg2[%dma_wait3A_108, %dma_wait3A_109] : memref<10240x128xf32, #tpu.memory_space<hbm>> -> memref<10240x128xf32, #tpu.memory_space<hbm>>
    tpu.wait_indirect_dma semaphore(%arg11 : memref<!tpu.dma_semaphore, #tpu.memory_space<semaphore_mem>>) src(%dma_wait3A_110 : memref<10240x128xf32, #tpu.memory_space<hbm>>) dst(%dma_wait3A_104 : memref<64x128xf32, #tpu.memory_space<vmem>>)
    %run_scoped3A_111 = arith.constant 1 : i32
    %run_scoped3A_112 = arith.constant 39 : i32
    "tpu.region"() ({
      %run_scoped3A_231 = tpu.sem_alloc : memref<!tpu.dma_semaphore, #tpu.memory_space<semaphore_mem>>
      %dma_start3A_232 = arith.constant 0 : i32
      %dma_start3A_233 = arith.constant 0 : i32
      %dma_start3A_234 = tpu.memref_slice %arg8[%run_scoped3A_111, %dma_start3A_232, %dma_start3A_233] : memref<2x128x128xf32, #tpu.memory_space<vmem>> -> memref<1x128x128xf32, #tpu.memory_space<vmem>>
      %dma_start3A_235 = tpu.memref_squeeze %dma_start3A_234 : memref<1x128x128xf32, #tpu.memory_space<vmem>> -> memref<128x128xf32, #tpu.memory_space<vmem>>
      %dma_start3A_236 = arith.constant 0 : i32
      %dma_start3A_237 = tpu.memref_slice %arg7[%run_scoped3A_112, %dma_start3A_236] : memref<40x128xi32, #tpu.memory_space<vmem>> -> memref<1x128xi32, #tpu.memory_space<vmem>>
      %dma_start3A_238 = tpu.memref_squeeze %dma_start3A_237 : memref<1x128xi32, #tpu.memory_space<vmem>> -> memref<128xi32, #tpu.memory_space<vmem>>
      %dma_start3A_239 = arith.constant 0 : i32
      %dma_start3A_240 = arith.constant 0 : i32
      %dma_start3A_241 = tpu.memref_slice %arg9[%dma_start3A_239, %dma_start3A_240] : memref<10240x128xf32, #tpu.memory_space<vmem_shared>> -> memref<10240x128xf32, #tpu.memory_space<vmem_shared>>
      tpu.enqueue_indirect_dma source(%dma_start3A_235 : memref<128x128xf32, #tpu.memory_space<vmem>>) target(%dma_start3A_241 : memref<10240x128xf32, #tpu.memory_space<vmem_shared>>) offsets(%dma_start3A_238 : memref<128xi32, #tpu.memory_space<vmem>>) semaphore(%run_scoped3A_231 : memref<!tpu.dma_semaphore, #tpu.memory_space<semaphore_mem>>) {add = true}
      %dma_wait3A_242 = arith.constant 0 : i32
      %dma_wait3A_243 = arith.constant 0 : i32
      %dma_wait3A_244 = tpu.memref_slice %arg8[%run_scoped3A_111, %dma_wait3A_242, %dma_wait3A_243] : memref<2x128x128xf32, #tpu.memory_space<vmem>> -> memref<1x128x128xf32, #tpu.memory_space<vmem>>
      %dma_wait3A_245 = tpu.memref_squeeze %dma_wait3A_244 : memref<1x128x128xf32, #tpu.memory_space<vmem>> -> memref<128x128xf32, #tpu.memory_space<vmem>>
      %dma_wait3A_246 = arith.constant 0 : i32
      %dma_wait3A_247 = tpu.memref_slice %arg7[%run_scoped3A_112, %dma_wait3A_246] : memref<40x128xi32, #tpu.memory_space<vmem>> -> memref<1x128xi32, #tpu.memory_space<vmem>>
      %dma_wait3A_248 = tpu.memref_squeeze %dma_wait3A_247 : memref<1x128xi32, #tpu.memory_space<vmem>> -> memref<128xi32, #tpu.memory_space<vmem>>
      %dma_wait3A_249 = arith.constant 0 : i32
      %dma_wait3A_250 = arith.constant 0 : i32
      %dma_wait3A_251 = tpu.memref_slice %arg9[%dma_wait3A_249, %dma_wait3A_250] : memref<10240x128xf32, #tpu.memory_space<vmem_shared>> -> memref<10240x128xf32, #tpu.memory_space<vmem_shared>>
      tpu.wait_indirect_dma semaphore(%run_scoped3A_231 : memref<!tpu.dma_semaphore, #tpu.memory_space<semaphore_mem>>) src(%dma_wait3A_245 : memref<128x128xf32, #tpu.memory_space<vmem>>) dst(%dma_wait3A_251 : memref<10240x128xf32, #tpu.memory_space<vmem_shared>>)
      tpu.yield
    }) : () -> ()
    %mul3A_113 = arith.constant 80 : i32
    %mul3A_114 = arith.muli %add3A, %mul3A_113 : i32
    %add3A_115 = arith.constant 40 : i32
    %add3A_116 = arith.addi %mul3A_114, %add3A_115 : i32
    "tpu.region"() ({
      %run_scoped3A_231 = tpu.sem_alloc : memref<!tpu.dma_semaphore, #tpu.memory_space<semaphore_mem>>
      %dma_start3A_232 = arith.constant 0 : i32
      %dma_start3A_233 = tpu.memref_slice %arg3[%add3A_116, %dma_start3A_232] : memref<2560x128xi32, #tpu.memory_space<hbm>> -> memref<40x128xi32, #tpu.memory_space<hbm>>
      %dma_start3A_234 = arith.constant 0 : i32
      %dma_start3A_235 = tpu.memref_slice %arg3[%add3A_116, %dma_start3A_234] : memref<2560x128xi32, #tpu.memory_space<hbm>> -> memref<40x128xi32, #tpu.memory_space<hbm>>
      tpu.enqueue_dma source(%dma_start3A_235 : memref<40x128xi32, #tpu.memory_space<hbm>>) target(%arg6 : memref<40x128xi32, #tpu.memory_space<vmem>>) target_semaphore(%run_scoped3A_231 : memref<!tpu.dma_semaphore, #tpu.memory_space<semaphore_mem>>)
      %dma_wait3A_236 = arith.constant 0 : i32
      %dma_wait3A_237 = tpu.memref_slice %arg3[%add3A_116, %dma_wait3A_236] : memref<2560x128xi32, #tpu.memory_space<hbm>> -> memref<40x128xi32, #tpu.memory_space<hbm>>
      %dma_wait3A_238 = arith.constant 0 : i32
      %dma_wait3A_239 = tpu.memref_slice %arg3[%add3A_116, %dma_wait3A_238] : memref<2560x128xi32, #tpu.memory_space<hbm>> -> memref<40x128xi32, #tpu.memory_space<hbm>>
      tpu.wait_dma2 semaphore(%run_scoped3A_231 : memref<!tpu.dma_semaphore, #tpu.memory_space<semaphore_mem>>) src(%dma_wait3A_239 : memref<40x128xi32, #tpu.memory_space<hbm>>) dst(%arg6 : memref<40x128xi32, #tpu.memory_space<vmem>>)
      tpu.yield
    }) : () -> ()
    %mul3A_117 = arith.constant 80 : i32
    %mul3A_118 = arith.muli %add3A, %mul3A_117 : i32
    %add3A_119 = arith.constant 40 : i32
    %add3A_120 = arith.addi %mul3A_118, %add3A_119 : i32
    "tpu.region"() ({
      %run_scoped3A_231 = tpu.sem_alloc : memref<!tpu.dma_semaphore, #tpu.memory_space<semaphore_mem>>
      %dma_start3A_232 = arith.constant 0 : i32
      %dma_start3A_233 = tpu.memref_slice %arg4[%add3A_120, %dma_start3A_232] : memref<2560x128xi32, #tpu.memory_space<hbm>> -> memref<40x128xi32, #tpu.memory_space<hbm>>
      %dma_start3A_234 = arith.constant 0 : i32
      %dma_start3A_235 = tpu.memref_slice %arg4[%add3A_120, %dma_start3A_234] : memref<2560x128xi32, #tpu.memory_space<hbm>> -> memref<40x128xi32, #tpu.memory_space<hbm>>
      tpu.enqueue_dma source(%dma_start3A_235 : memref<40x128xi32, #tpu.memory_space<hbm>>) target(%arg7 : memref<40x128xi32, #tpu.memory_space<vmem>>) target_semaphore(%run_scoped3A_231 : memref<!tpu.dma_semaphore, #tpu.memory_space<semaphore_mem>>)
      %dma_wait3A_236 = arith.constant 0 : i32
      %dma_wait3A_237 = tpu.memref_slice %arg4[%add3A_120, %dma_wait3A_236] : memref<2560x128xi32, #tpu.memory_space<hbm>> -> memref<40x128xi32, #tpu.memory_space<hbm>>
      %dma_wait3A_238 = arith.constant 0 : i32
      %dma_wait3A_239 = tpu.memref_slice %arg4[%add3A_120, %dma_wait3A_238] : memref<2560x128xi32, #tpu.memory_space<hbm>> -> memref<40x128xi32, #tpu.memory_space<hbm>>
      tpu.wait_dma2 semaphore(%run_scoped3A_231 : memref<!tpu.dma_semaphore, #tpu.memory_space<semaphore_mem>>) src(%dma_wait3A_239 : memref<40x128xi32, #tpu.memory_space<hbm>>) dst(%arg7 : memref<40x128xi32, #tpu.memory_space<vmem>>)
      tpu.yield
    }) : () -> ()
    %dma_start3A_121 = arith.constant 0 : i32
    %dma_start3A_122 = arith.constant 0 : i32
    %dma_start3A_123 = arith.constant 0 : i32
    %dma_start3A_124 = arith.constant 0 : i32
    %dma_start3A_125 = tpu.memref_slice %arg8[%dma_start3A_122, %dma_start3A_123, %dma_start3A_124] : memref<2x128x128xf32, #tpu.memory_space<vmem>> -> memref<1x64x128xf32, #tpu.memory_space<vmem>>
    %dma_start3A_126 = tpu.memref_squeeze %dma_start3A_125 : memref<1x64x128xf32, #tpu.memory_space<vmem>> -> memref<64x128xf32, #tpu.memory_space<vmem>>
    %dma_start3A_127 = arith.constant 0 : i32
    %dma_start3A_128 = tpu.memref_slice %arg6[%dma_start3A_121, %dma_start3A_127] : memref<40x128xi32, #tpu.memory_space<vmem>> -> memref<1x64xi32, #tpu.memory_space<vmem>>
    %dma_start3A_129 = tpu.memref_squeeze %dma_start3A_128 : memref<1x64xi32, #tpu.memory_space<vmem>> -> memref<64xi32, #tpu.memory_space<vmem>>
    %dma_start3A_130 = arith.constant 0 : i32
    %dma_start3A_131 = arith.constant 0 : i32
    %dma_start3A_132 = tpu.memref_slice %arg2[%dma_start3A_130, %dma_start3A_131] : memref<10240x128xf32, #tpu.memory_space<hbm>> -> memref<10240x128xf32, #tpu.memory_space<hbm>>
    tpu.enqueue_indirect_dma source(%dma_start3A_132 : memref<10240x128xf32, #tpu.memory_space<hbm>>) target(%dma_start3A_126 : memref<64x128xf32, #tpu.memory_space<vmem>>) offsets(%dma_start3A_129 : memref<64xi32, #tpu.memory_space<vmem>>) semaphore(%arg10 : memref<!tpu.dma_semaphore, #tpu.memory_space<semaphore_mem>>)
    %dma_start3A_133 = arith.constant 0 : i32
    %dma_start3A_134 = arith.constant 0 : i32
    %dma_start3A_135 = arith.constant 64 : i32
    %dma_start3A_136 = arith.constant 0 : i32
    %dma_start3A_137 = tpu.memref_slice %arg8[%dma_start3A_134, %dma_start3A_135, %dma_start3A_136] : memref<2x128x128xf32, #tpu.memory_space<vmem>> -> memref<1x64x128xf32, #tpu.memory_space<vmem>>
    %dma_start3A_138 = tpu.memref_squeeze %dma_start3A_137 : memref<1x64x128xf32, #tpu.memory_space<vmem>> -> memref<64x128xf32, #tpu.memory_space<vmem>>
    %dma_start3A_139 = arith.constant 64 : i32
    %dma_start3A_140 = tpu.memref_slice %arg6[%dma_start3A_133, %dma_start3A_139] : memref<40x128xi32, #tpu.memory_space<vmem>> -> memref<1x64xi32, #tpu.memory_space<vmem>>
    %dma_start3A_141 = tpu.memref_squeeze %dma_start3A_140 : memref<1x64xi32, #tpu.memory_space<vmem>> -> memref<64xi32, #tpu.memory_space<vmem>>
    %dma_start3A_142 = arith.constant 0 : i32
    %dma_start3A_143 = arith.constant 0 : i32
    %dma_start3A_144 = tpu.memref_slice %arg2[%dma_start3A_142, %dma_start3A_143] : memref<10240x128xf32, #tpu.memory_space<hbm>> -> memref<10240x128xf32, #tpu.memory_space<hbm>>
    tpu.enqueue_indirect_dma source(%dma_start3A_144 : memref<10240x128xf32, #tpu.memory_space<hbm>>) target(%dma_start3A_138 : memref<64x128xf32, #tpu.memory_space<vmem>>) offsets(%dma_start3A_141 : memref<64xi32, #tpu.memory_space<vmem>>) semaphore(%arg10 : memref<!tpu.dma_semaphore, #tpu.memory_space<semaphore_mem>>)
    %dma_start3A_145 = arith.constant 1 : i32
    %dma_start3A_146 = arith.constant 1 : i32
    %dma_start3A_147 = arith.constant 0 : i32
    %dma_start3A_148 = arith.constant 0 : i32
    %dma_start3A_149 = tpu.memref_slice %arg8[%dma_start3A_146, %dma_start3A_147, %dma_start3A_148] : memref<2x128x128xf32, #tpu.memory_space<vmem>> -> memref<1x64x128xf32, #tpu.memory_space<vmem>>
    %dma_start3A_150 = tpu.memref_squeeze %dma_start3A_149 : memref<1x64x128xf32, #tpu.memory_space<vmem>> -> memref<64x128xf32, #tpu.memory_space<vmem>>
    %dma_start3A_151 = arith.constant 0 : i32
    %dma_start3A_152 = tpu.memref_slice %arg6[%dma_start3A_145, %dma_start3A_151] : memref<40x128xi32, #tpu.memory_space<vmem>> -> memref<1x64xi32, #tpu.memory_space<vmem>>
    %dma_start3A_153 = tpu.memref_squeeze %dma_start3A_152 : memref<1x64xi32, #tpu.memory_space<vmem>> -> memref<64xi32, #tpu.memory_space<vmem>>
    %dma_start3A_154 = arith.constant 0 : i32
    %dma_start3A_155 = arith.constant 0 : i32
    %dma_start3A_156 = tpu.memref_slice %arg2[%dma_start3A_154, %dma_start3A_155] : memref<10240x128xf32, #tpu.memory_space<hbm>> -> memref<10240x128xf32, #tpu.memory_space<hbm>>
    tpu.enqueue_indirect_dma source(%dma_start3A_156 : memref<10240x128xf32, #tpu.memory_space<hbm>>) target(%dma_start3A_150 : memref<64x128xf32, #tpu.memory_space<vmem>>) offsets(%dma_start3A_153 : memref<64xi32, #tpu.memory_space<vmem>>) semaphore(%arg11 : memref<!tpu.dma_semaphore, #tpu.memory_space<semaphore_mem>>)
    %dma_start3A_157 = arith.constant 1 : i32
    %dma_start3A_158 = arith.constant 1 : i32
    %dma_start3A_159 = arith.constant 64 : i32
    %dma_start3A_160 = arith.constant 0 : i32
    %dma_start3A_161 = tpu.memref_slice %arg8[%dma_start3A_158, %dma_start3A_159, %dma_start3A_160] : memref<2x128x128xf32, #tpu.memory_space<vmem>> -> memref<1x64x128xf32, #tpu.memory_space<vmem>>
    %dma_start3A_162 = tpu.memref_squeeze %dma_start3A_161 : memref<1x64x128xf32, #tpu.memory_space<vmem>> -> memref<64x128xf32, #tpu.memory_space<vmem>>
    %dma_start3A_163 = arith.constant 64 : i32
    %dma_start3A_164 = tpu.memref_slice %arg6[%dma_start3A_157, %dma_start3A_163] : memref<40x128xi32, #tpu.memory_space<vmem>> -> memref<1x64xi32, #tpu.memory_space<vmem>>
    %dma_start3A_165 = tpu.memref_squeeze %dma_start3A_164 : memref<1x64xi32, #tpu.memory_space<vmem>> -> memref<64xi32, #tpu.memory_space<vmem>>
    %dma_start3A_166 = arith.constant 0 : i32
    %dma_start3A_167 = arith.constant 0 : i32
    %dma_start3A_168 = tpu.memref_slice %arg2[%dma_start3A_166, %dma_start3A_167] : memref<10240x128xf32, #tpu.memory_space<hbm>> -> memref<10240x128xf32, #tpu.memory_space<hbm>>
    tpu.enqueue_indirect_dma source(%dma_start3A_168 : memref<10240x128xf32, #tpu.memory_space<hbm>>) target(%dma_start3A_162 : memref<64x128xf32, #tpu.memory_space<vmem>>) offsets(%dma_start3A_165 : memref<64xi32, #tpu.memory_space<vmem>>) semaphore(%arg11 : memref<!tpu.dma_semaphore, #tpu.memory_space<semaphore_mem>>)
    %scan3A_169 = arith.constant 0 : i32
    %scan3A_170 = arith.constant 0 : i32
    %scan3A_171 = arith.constant 19 : i32
    %scan3A_172 = arith.addi %scan3A_170, %scan3A_171 : i32
    %scan3A_173 = arith.constant 1 : i32
    scf.for %scan3A_231 = %scan3A_170 to %scan3A_172 step %scan3A_173  : i32 {
      %mul3A_232 = arith.constant 2 : i32
      %mul3A_233 = arith.muli %scan3A_231, %mul3A_232 : i32
      %add3A_234 = arith.constant 0 : i32
      %add3A_235 = arith.addi %mul3A_233, %add3A_234 : i32
      %dma_wait3A_236 = arith.constant 0 : i32
      %dma_wait3A_237 = arith.constant 0 : i32
      %dma_wait3A_238 = arith.constant 0 : i32
      %dma_wait3A_239 = tpu.memref_slice %arg8[%dma_wait3A_236, %dma_wait3A_237, %dma_wait3A_238] : memref<2x128x128xf32, #tpu.memory_space<vmem>> -> memref<1x64x128xf32, #tpu.memory_space<vmem>>
      %dma_wait3A_240 = tpu.memref_squeeze %dma_wait3A_239 : memref<1x64x128xf32, #tpu.memory_space<vmem>> -> memref<64x128xf32, #tpu.memory_space<vmem>>
      %dma_wait3A_241 = arith.constant 0 : i32
      %dma_wait3A_242 = tpu.memref_slice %arg6[%add3A_235, %dma_wait3A_241] : memref<40x128xi32, #tpu.memory_space<vmem>> -> memref<1x64xi32, #tpu.memory_space<vmem>>
      %dma_wait3A_243 = tpu.memref_squeeze %dma_wait3A_242 : memref<1x64xi32, #tpu.memory_space<vmem>> -> memref<64xi32, #tpu.memory_space<vmem>>
      %dma_wait3A_244 = arith.constant 0 : i32
      %dma_wait3A_245 = arith.constant 0 : i32
      %dma_wait3A_246 = tpu.memref_slice %arg2[%dma_wait3A_244, %dma_wait3A_245] : memref<10240x128xf32, #tpu.memory_space<hbm>> -> memref<10240x128xf32, #tpu.memory_space<hbm>>
      tpu.wait_indirect_dma semaphore(%arg10 : memref<!tpu.dma_semaphore, #tpu.memory_space<semaphore_mem>>) src(%dma_wait3A_246 : memref<10240x128xf32, #tpu.memory_space<hbm>>) dst(%dma_wait3A_240 : memref<64x128xf32, #tpu.memory_space<vmem>>)
      %dma_wait3A_247 = arith.constant 0 : i32
      %dma_wait3A_248 = arith.constant 64 : i32
      %dma_wait3A_249 = arith.constant 0 : i32
      %dma_wait3A_250 = tpu.memref_slice %arg8[%dma_wait3A_247, %dma_wait3A_248, %dma_wait3A_249] : memref<2x128x128xf32, #tpu.memory_space<vmem>> -> memref<1x64x128xf32, #tpu.memory_space<vmem>>
      %dma_wait3A_251 = tpu.memref_squeeze %dma_wait3A_250 : memref<1x64x128xf32, #tpu.memory_space<vmem>> -> memref<64x128xf32, #tpu.memory_space<vmem>>
      %dma_wait3A_252 = arith.constant 64 : i32
      %dma_wait3A_253 = tpu.memref_slice %arg6[%add3A_235, %dma_wait3A_252] : memref<40x128xi32, #tpu.memory_space<vmem>> -> memref<1x64xi32, #tpu.memory_space<vmem>>
      %dma_wait3A_254 = tpu.memref_squeeze %dma_wait3A_253 : memref<1x64xi32, #tpu.memory_space<vmem>> -> memref<64xi32, #tpu.memory_space<vmem>>
      %dma_wait3A_255 = arith.constant 0 : i32
      %dma_wait3A_256 = arith.constant 0 : i32
      %dma_wait3A_257 = tpu.memref_slice %arg2[%dma_wait3A_255, %dma_wait3A_256] : memref<10240x128xf32, #tpu.memory_space<hbm>> -> memref<10240x128xf32, #tpu.memory_space<hbm>>
      tpu.wait_indirect_dma semaphore(%arg10 : memref<!tpu.dma_semaphore, #tpu.memory_space<semaphore_mem>>) src(%dma_wait3A_257 : memref<10240x128xf32, #tpu.memory_space<hbm>>) dst(%dma_wait3A_251 : memref<64x128xf32, #tpu.memory_space<vmem>>)
      %run_scoped3A_258 = arith.constant 0 : i32
      "tpu.region"() ({
        %run_scoped3A_332 = tpu.sem_alloc : memref<!tpu.dma_semaphore, #tpu.memory_space<semaphore_mem>>
        %dma_start3A_333 = arith.constant 0 : i32
        %dma_start3A_334 = arith.constant 0 : i32
        %dma_start3A_335 = tpu.memref_slice %arg8[%run_scoped3A_258, %dma_start3A_333, %dma_start3A_334] : memref<2x128x128xf32, #tpu.memory_space<vmem>> -> memref<1x128x128xf32, #tpu.memory_space<vmem>>
        %dma_start3A_336 = tpu.memref_squeeze %dma_start3A_335 : memref<1x128x128xf32, #tpu.memory_space<vmem>> -> memref<128x128xf32, #tpu.memory_space<vmem>>
        %dma_start3A_337 = arith.constant 0 : i32
        %dma_start3A_338 = tpu.memref_slice %arg7[%add3A_235, %dma_start3A_337] : memref<40x128xi32, #tpu.memory_space<vmem>> -> memref<1x128xi32, #tpu.memory_space<vmem>>
        %dma_start3A_339 = tpu.memref_squeeze %dma_start3A_338 : memref<1x128xi32, #tpu.memory_space<vmem>> -> memref<128xi32, #tpu.memory_space<vmem>>
        %dma_start3A_340 = arith.constant 0 : i32
        %dma_start3A_341 = arith.constant 0 : i32
        %dma_start3A_342 = tpu.memref_slice %arg9[%dma_start3A_340, %dma_start3A_341] : memref<10240x128xf32, #tpu.memory_space<vmem_shared>> -> memref<10240x128xf32, #tpu.memory_space<vmem_shared>>
        tpu.enqueue_indirect_dma source(%dma_start3A_336 : memref<128x128xf32, #tpu.memory_space<vmem>>) target(%dma_start3A_342 : memref<10240x128xf32, #tpu.memory_space<vmem_shared>>) offsets(%dma_start3A_339 : memref<128xi32, #tpu.memory_space<vmem>>) semaphore(%run_scoped3A_332 : memref<!tpu.dma_semaphore, #tpu.memory_space<semaphore_mem>>) {add = true}
        %dma_wait3A_343 = arith.constant 0 : i32
        %dma_wait3A_344 = arith.constant 0 : i32
        %dma_wait3A_345 = tpu.memref_slice %arg8[%run_scoped3A_258, %dma_wait3A_343, %dma_wait3A_344] : memref<2x128x128xf32, #tpu.memory_space<vmem>> -> memref<1x128x128xf32, #tpu.memory_space<vmem>>
        %dma_wait3A_346 = tpu.memref_squeeze %dma_wait3A_345 : memref<1x128x128xf32, #tpu.memory_space<vmem>> -> memref<128x128xf32, #tpu.memory_space<vmem>>
        %dma_wait3A_347 = arith.constant 0 : i32
        %dma_wait3A_348 = tpu.memref_slice %arg7[%add3A_235, %dma_wait3A_347] : memref<40x128xi32, #tpu.memory_space<vmem>> -> memref<1x128xi32, #tpu.memory_space<vmem>>
        %dma_wait3A_349 = tpu.memref_squeeze %dma_wait3A_348 : memref<1x128xi32, #tpu.memory_space<vmem>> -> memref<128xi32, #tpu.memory_space<vmem>>
        %dma_wait3A_350 = arith.constant 0 : i32
        %dma_wait3A_351 = arith.constant 0 : i32
        %dma_wait3A_352 = tpu.memref_slice %arg9[%dma_wait3A_350, %dma_wait3A_351] : memref<10240x128xf32, #tpu.memory_space<vmem_shared>> -> memref<10240x128xf32, #tpu.memory_space<vmem_shared>>
        tpu.wait_indirect_dma semaphore(%run_scoped3A_332 : memref<!tpu.dma_semaphore, #tpu.memory_space<semaphore_mem>>) src(%dma_wait3A_346 : memref<128x128xf32, #tpu.memory_space<vmem>>) dst(%dma_wait3A_352 : memref<10240x128xf32, #tpu.memory_space<vmem_shared>>)
        tpu.yield
      }) : () -> ()
      %add3A_259 = arith.constant 2 : i32
      %add3A_260 = arith.addi %add3A_235, %add3A_259 : i32
      %dma_start3A_261 = arith.constant 0 : i32
      %dma_start3A_262 = arith.constant 0 : i32
      %dma_start3A_263 = arith.constant 0 : i32
      %dma_start3A_264 = tpu.memref_slice %arg8[%dma_start3A_261, %dma_start3A_262, %dma_start3A_263] : memref<2x128x128xf32, #tpu.memory_space<vmem>> -> memref<1x64x128xf32, #tpu.memory_space<vmem>>
      %dma_start3A_265 = tpu.memref_squeeze %dma_start3A_264 : memref<1x64x128xf32, #tpu.memory_space<vmem>> -> memref<64x128xf32, #tpu.memory_space<vmem>>
      %dma_start3A_266 = arith.constant 0 : i32
      %dma_start3A_267 = tpu.memref_slice %arg6[%add3A_260, %dma_start3A_266] : memref<40x128xi32, #tpu.memory_space<vmem>> -> memref<1x64xi32, #tpu.memory_space<vmem>>
      %dma_start3A_268 = tpu.memref_squeeze %dma_start3A_267 : memref<1x64xi32, #tpu.memory_space<vmem>> -> memref<64xi32, #tpu.memory_space<vmem>>
      %dma_start3A_269 = arith.constant 0 : i32
      %dma_start3A_270 = arith.constant 0 : i32
      %dma_start3A_271 = tpu.memref_slice %arg2[%dma_start3A_269, %dma_start3A_270] : memref<10240x128xf32, #tpu.memory_space<hbm>> -> memref<10240x128xf32, #tpu.memory_space<hbm>>
      tpu.enqueue_indirect_dma source(%dma_start3A_271 : memref<10240x128xf32, #tpu.memory_space<hbm>>) target(%dma_start3A_265 : memref<64x128xf32, #tpu.memory_space<vmem>>) offsets(%dma_start3A_268 : memref<64xi32, #tpu.memory_space<vmem>>) semaphore(%arg10 : memref<!tpu.dma_semaphore, #tpu.memory_space<semaphore_mem>>)
      %dma_start3A_272 = arith.constant 0 : i32
      %dma_start3A_273 = arith.constant 64 : i32
      %dma_start3A_274 = arith.constant 0 : i32
      %dma_start3A_275 = tpu.memref_slice %arg8[%dma_start3A_272, %dma_start3A_273, %dma_start3A_274] : memref<2x128x128xf32, #tpu.memory_space<vmem>> -> memref<1x64x128xf32, #tpu.memory_space<vmem>>
      %dma_start3A_276 = tpu.memref_squeeze %dma_start3A_275 : memref<1x64x128xf32, #tpu.memory_space<vmem>> -> memref<64x128xf32, #tpu.memory_space<vmem>>
      %dma_start3A_277 = arith.constant 64 : i32
      %dma_start3A_278 = tpu.memref_slice %arg6[%add3A_260, %dma_start3A_277] : memref<40x128xi32, #tpu.memory_space<vmem>> -> memref<1x64xi32, #tpu.memory_space<vmem>>
      %dma_start3A_279 = tpu.memref_squeeze %dma_start3A_278 : memref<1x64xi32, #tpu.memory_space<vmem>> -> memref<64xi32, #tpu.memory_space<vmem>>
      %dma_start3A_280 = arith.constant 0 : i32
      %dma_start3A_281 = arith.constant 0 : i32
      %dma_start3A_282 = tpu.memref_slice %arg2[%dma_start3A_280, %dma_start3A_281] : memref<10240x128xf32, #tpu.memory_space<hbm>> -> memref<10240x128xf32, #tpu.memory_space<hbm>>
      tpu.enqueue_indirect_dma source(%dma_start3A_282 : memref<10240x128xf32, #tpu.memory_space<hbm>>) target(%dma_start3A_276 : memref<64x128xf32, #tpu.memory_space<vmem>>) offsets(%dma_start3A_279 : memref<64xi32, #tpu.memory_space<vmem>>) semaphore(%arg10 : memref<!tpu.dma_semaphore, #tpu.memory_space<semaphore_mem>>)
      %add3A_283 = arith.constant 1 : i32
      %add3A_284 = arith.addi %mul3A_233, %add3A_283 : i32
      %dma_wait3A_285 = arith.constant 1 : i32
      %dma_wait3A_286 = arith.constant 0 : i32
      %dma_wait3A_287 = arith.constant 0 : i32
      %dma_wait3A_288 = tpu.memref_slice %arg8[%dma_wait3A_285, %dma_wait3A_286, %dma_wait3A_287] : memref<2x128x128xf32, #tpu.memory_space<vmem>> -> memref<1x64x128xf32, #tpu.memory_space<vmem>>
      %dma_wait3A_289 = tpu.memref_squeeze %dma_wait3A_288 : memref<1x64x128xf32, #tpu.memory_space<vmem>> -> memref<64x128xf32, #tpu.memory_space<vmem>>
      %dma_wait3A_290 = arith.constant 0 : i32
      %dma_wait3A_291 = tpu.memref_slice %arg6[%add3A_284, %dma_wait3A_290] : memref<40x128xi32, #tpu.memory_space<vmem>> -> memref<1x64xi32, #tpu.memory_space<vmem>>
      %dma_wait3A_292 = tpu.memref_squeeze %dma_wait3A_291 : memref<1x64xi32, #tpu.memory_space<vmem>> -> memref<64xi32, #tpu.memory_space<vmem>>
      %dma_wait3A_293 = arith.constant 0 : i32
      %dma_wait3A_294 = arith.constant 0 : i32
      %dma_wait3A_295 = tpu.memref_slice %arg2[%dma_wait3A_293, %dma_wait3A_294] : memref<10240x128xf32, #tpu.memory_space<hbm>> -> memref<10240x128xf32, #tpu.memory_space<hbm>>
      tpu.wait_indirect_dma semaphore(%arg11 : memref<!tpu.dma_semaphore, #tpu.memory_space<semaphore_mem>>) src(%dma_wait3A_295 : memref<10240x128xf32, #tpu.memory_space<hbm>>) dst(%dma_wait3A_289 : memref<64x128xf32, #tpu.memory_space<vmem>>)
      %dma_wait3A_296 = arith.constant 1 : i32
      %dma_wait3A_297 = arith.constant 64 : i32
      %dma_wait3A_298 = arith.constant 0 : i32
      %dma_wait3A_299 = tpu.memref_slice %arg8[%dma_wait3A_296, %dma_wait3A_297, %dma_wait3A_298] : memref<2x128x128xf32, #tpu.memory_space<vmem>> -> memref<1x64x128xf32, #tpu.memory_space<vmem>>
      %dma_wait3A_300 = tpu.memref_squeeze %dma_wait3A_299 : memref<1x64x128xf32, #tpu.memory_space<vmem>> -> memref<64x128xf32, #tpu.memory_space<vmem>>
      %dma_wait3A_301 = arith.constant 64 : i32
      %dma_wait3A_302 = tpu.memref_slice %arg6[%add3A_284, %dma_wait3A_301] : memref<40x128xi32, #tpu.memory_space<vmem>> -> memref<1x64xi32, #tpu.memory_space<vmem>>
      %dma_wait3A_303 = tpu.memref_squeeze %dma_wait3A_302 : memref<1x64xi32, #tpu.memory_space<vmem>> -> memref<64xi32, #tpu.memory_space<vmem>>
      %dma_wait3A_304 = arith.constant 0 : i32
      %dma_wait3A_305 = arith.constant 0 : i32
      %dma_wait3A_306 = tpu.memref_slice %arg2[%dma_wait3A_304, %dma_wait3A_305] : memref<10240x128xf32, #tpu.memory_space<hbm>> -> memref<10240x128xf32, #tpu.memory_space<hbm>>
      tpu.wait_indirect_dma semaphore(%arg11 : memref<!tpu.dma_semaphore, #tpu.memory_space<semaphore_mem>>) src(%dma_wait3A_306 : memref<10240x128xf32, #tpu.memory_space<hbm>>) dst(%dma_wait3A_300 : memref<64x128xf32, #tpu.memory_space<vmem>>)
      %run_scoped3A_307 = arith.constant 1 : i32
      "tpu.region"() ({
        %run_scoped3A_332 = tpu.sem_alloc : memref<!tpu.dma_semaphore, #tpu.memory_space<semaphore_mem>>
        %dma_start3A_333 = arith.constant 0 : i32
        %dma_start3A_334 = arith.constant 0 : i32
        %dma_start3A_335 = tpu.memref_slice %arg8[%run_scoped3A_307, %dma_start3A_333, %dma_start3A_334] : memref<2x128x128xf32, #tpu.memory_space<vmem>> -> memref<1x128x128xf32, #tpu.memory_space<vmem>>
        %dma_start3A_336 = tpu.memref_squeeze %dma_start3A_335 : memref<1x128x128xf32, #tpu.memory_space<vmem>> -> memref<128x128xf32, #tpu.memory_space<vmem>>
        %dma_start3A_337 = arith.constant 0 : i32
        %dma_start3A_338 = tpu.memref_slice %arg7[%add3A_284, %dma_start3A_337] : memref<40x128xi32, #tpu.memory_space<vmem>> -> memref<1x128xi32, #tpu.memory_space<vmem>>
        %dma_start3A_339 = tpu.memref_squeeze %dma_start3A_338 : memref<1x128xi32, #tpu.memory_space<vmem>> -> memref<128xi32, #tpu.memory_space<vmem>>
        %dma_start3A_340 = arith.constant 0 : i32
        %dma_start3A_341 = arith.constant 0 : i32
        %dma_start3A_342 = tpu.memref_slice %arg9[%dma_start3A_340, %dma_start3A_341] : memref<10240x128xf32, #tpu.memory_space<vmem_shared>> -> memref<10240x128xf32, #tpu.memory_space<vmem_shared>>
        tpu.enqueue_indirect_dma source(%dma_start3A_336 : memref<128x128xf32, #tpu.memory_space<vmem>>) target(%dma_start3A_342 : memref<10240x128xf32, #tpu.memory_space<vmem_shared>>) offsets(%dma_start3A_339 : memref<128xi32, #tpu.memory_space<vmem>>) semaphore(%run_scoped3A_332 : memref<!tpu.dma_semaphore, #tpu.memory_space<semaphore_mem>>) {add = true}
        %dma_wait3A_343 = arith.constant 0 : i32
        %dma_wait3A_344 = arith.constant 0 : i32
        %dma_wait3A_345 = tpu.memref_slice %arg8[%run_scoped3A_307, %dma_wait3A_343, %dma_wait3A_344] : memref<2x128x128xf32, #tpu.memory_space<vmem>> -> memref<1x128x128xf32, #tpu.memory_space<vmem>>
        %dma_wait3A_346 = tpu.memref_squeeze %dma_wait3A_345 : memref<1x128x128xf32, #tpu.memory_space<vmem>> -> memref<128x128xf32, #tpu.memory_space<vmem>>
        %dma_wait3A_347 = arith.constant 0 : i32
        %dma_wait3A_348 = tpu.memref_slice %arg7[%add3A_284, %dma_wait3A_347] : memref<40x128xi32, #tpu.memory_space<vmem>> -> memref<1x128xi32, #tpu.memory_space<vmem>>
        %dma_wait3A_349 = tpu.memref_squeeze %dma_wait3A_348 : memref<1x128xi32, #tpu.memory_space<vmem>> -> memref<128xi32, #tpu.memory_space<vmem>>
        %dma_wait3A_350 = arith.constant 0 : i32
        %dma_wait3A_351 = arith.constant 0 : i32
        %dma_wait3A_352 = tpu.memref_slice %arg9[%dma_wait3A_350, %dma_wait3A_351] : memref<10240x128xf32, #tpu.memory_space<vmem_shared>> -> memref<10240x128xf32, #tpu.memory_space<vmem_shared>>
        tpu.wait_indirect_dma semaphore(%run_scoped3A_332 : memref<!tpu.dma_semaphore, #tpu.memory_space<semaphore_mem>>) src(%dma_wait3A_346 : memref<128x128xf32, #tpu.memory_space<vmem>>) dst(%dma_wait3A_352 : memref<10240x128xf32, #tpu.memory_space<vmem_shared>>)
        tpu.yield
      }) : () -> ()
      %add3A_308 = arith.constant 2 : i32
      %add3A_309 = arith.addi %add3A_284, %add3A_308 : i32
      %dma_start3A_310 = arith.constant 1 : i32
      %dma_start3A_311 = arith.constant 0 : i32
      %dma_start3A_312 = arith.constant 0 : i32
      %dma_start3A_313 = tpu.memref_slice %arg8[%dma_start3A_310, %dma_start3A_311, %dma_start3A_312] : memref<2x128x128xf32, #tpu.memory_space<vmem>> -> memref<1x64x128xf32, #tpu.memory_space<vmem>>
      %dma_start3A_314 = tpu.memref_squeeze %dma_start3A_313 : memref<1x64x128xf32, #tpu.memory_space<vmem>> -> memref<64x128xf32, #tpu.memory_space<vmem>>
      %dma_start3A_315 = arith.constant 0 : i32
      %dma_start3A_316 = tpu.memref_slice %arg6[%add3A_309, %dma_start3A_315] : memref<40x128xi32, #tpu.memory_space<vmem>> -> memref<1x64xi32, #tpu.memory_space<vmem>>
      %dma_start3A_317 = tpu.memref_squeeze %dma_start3A_316 : memref<1x64xi32, #tpu.memory_space<vmem>> -> memref<64xi32, #tpu.memory_space<vmem>>
      %dma_start3A_318 = arith.constant 0 : i32
      %dma_start3A_319 = arith.constant 0 : i32
      %dma_start3A_320 = tpu.memref_slice %arg2[%dma_start3A_318, %dma_start3A_319] : memref<10240x128xf32, #tpu.memory_space<hbm>> -> memref<10240x128xf32, #tpu.memory_space<hbm>>
      tpu.enqueue_indirect_dma source(%dma_start3A_320 : memref<10240x128xf32, #tpu.memory_space<hbm>>) target(%dma_start3A_314 : memref<64x128xf32, #tpu.memory_space<vmem>>) offsets(%dma_start3A_317 : memref<64xi32, #tpu.memory_space<vmem>>) semaphore(%arg11 : memref<!tpu.dma_semaphore, #tpu.memory_space<semaphore_mem>>)
      %dma_start3A_321 = arith.constant 1 : i32
      %dma_start3A_322 = arith.constant 64 : i32
      %dma_start3A_323 = arith.constant 0 : i32
      %dma_start3A_324 = tpu.memref_slice %arg8[%dma_start3A_321, %dma_start3A_322, %dma_start3A_323] : memref<2x128x128xf32, #tpu.memory_space<vmem>> -> memref<1x64x128xf32, #tpu.memory_space<vmem>>
      %dma_start3A_325 = tpu.memref_squeeze %dma_start3A_324 : memref<1x64x128xf32, #tpu.memory_space<vmem>> -> memref<64x128xf32, #tpu.memory_space<vmem>>
      %dma_start3A_326 = arith.constant 64 : i32
      %dma_start3A_327 = tpu.memref_slice %arg6[%add3A_309, %dma_start3A_326] : memref<40x128xi32, #tpu.memory_space<vmem>> -> memref<1x64xi32, #tpu.memory_space<vmem>>
      %dma_start3A_328 = tpu.memref_squeeze %dma_start3A_327 : memref<1x64xi32, #tpu.memory_space<vmem>> -> memref<64xi32, #tpu.memory_space<vmem>>
      %dma_start3A_329 = arith.constant 0 : i32
      %dma_start3A_330 = arith.constant 0 : i32
      %dma_start3A_331 = tpu.memref_slice %arg2[%dma_start3A_329, %dma_start3A_330] : memref<10240x128xf32, #tpu.memory_space<hbm>> -> memref<10240x128xf32, #tpu.memory_space<hbm>>
      tpu.enqueue_indirect_dma source(%dma_start3A_331 : memref<10240x128xf32, #tpu.memory_space<hbm>>) target(%dma_start3A_325 : memref<64x128xf32, #tpu.memory_space<vmem>>) offsets(%dma_start3A_328 : memref<64xi32, #tpu.memory_space<vmem>>) semaphore(%arg11 : memref<!tpu.dma_semaphore, #tpu.memory_space<semaphore_mem>>)
    }
    %scan3A_174 = arith.constant 19 : i32
    %dma_wait3A_175 = arith.constant 38 : i32
    %dma_wait3A_176 = arith.constant 0 : i32
    %dma_wait3A_177 = arith.constant 0 : i32
    %dma_wait3A_178 = arith.constant 0 : i32
    %dma_wait3A_179 = tpu.memref_slice %arg8[%dma_wait3A_176, %dma_wait3A_177, %dma_wait3A_178] : memref<2x128x128xf32, #tpu.memory_space<vmem>> -> memref<1x64x128xf32, #tpu.memory_space<vmem>>
    %dma_wait3A_180 = tpu.memref_squeeze %dma_wait3A_179 : memref<1x64x128xf32, #tpu.memory_space<vmem>> -> memref<64x128xf32, #tpu.memory_space<vmem>>
    %dma_wait3A_181 = arith.constant 0 : i32
    %dma_wait3A_182 = tpu.memref_slice %arg6[%dma_wait3A_175, %dma_wait3A_181] : memref<40x128xi32, #tpu.memory_space<vmem>> -> memref<1x64xi32, #tpu.memory_space<vmem>>
    %dma_wait3A_183 = tpu.memref_squeeze %dma_wait3A_182 : memref<1x64xi32, #tpu.memory_space<vmem>> -> memref<64xi32, #tpu.memory_space<vmem>>
    %dma_wait3A_184 = arith.constant 0 : i32
    %dma_wait3A_185 = arith.constant 0 : i32
    %dma_wait3A_186 = tpu.memref_slice %arg2[%dma_wait3A_184, %dma_wait3A_185] : memref<10240x128xf32, #tpu.memory_space<hbm>> -> memref<10240x128xf32, #tpu.memory_space<hbm>>
    tpu.wait_indirect_dma semaphore(%arg10 : memref<!tpu.dma_semaphore, #tpu.memory_space<semaphore_mem>>) src(%dma_wait3A_186 : memref<10240x128xf32, #tpu.memory_space<hbm>>) dst(%dma_wait3A_180 : memref<64x128xf32, #tpu.memory_space<vmem>>)
    %dma_wait3A_187 = arith.constant 38 : i32
    %dma_wait3A_188 = arith.constant 0 : i32
    %dma_wait3A_189 = arith.constant 64 : i32
    %dma_wait3A_190 = arith.constant 0 : i32
    %dma_wait3A_191 = tpu.memref_slice %arg8[%dma_wait3A_188, %dma_wait3A_189, %dma_wait3A_190] : memref<2x128x128xf32, #tpu.memory_space<vmem>> -> memref<1x64x128xf32, #tpu.memory_space<vmem>>
    %dma_wait3A_192 = tpu.memref_squeeze %dma_wait3A_191 : memref<1x64x128xf32, #tpu.memory_space<vmem>> -> memref<64x128xf32, #tpu.memory_space<vmem>>
    %dma_wait3A_193 = arith.constant 64 : i32
    %dma_wait3A_194 = tpu.memref_slice %arg6[%dma_wait3A_187, %dma_wait3A_193] : memref<40x128xi32, #tpu.memory_space<vmem>> -> memref<1x64xi32, #tpu.memory_space<vmem>>
    %dma_wait3A_195 = tpu.memref_squeeze %dma_wait3A_194 : memref<1x64xi32, #tpu.memory_space<vmem>> -> memref<64xi32, #tpu.memory_space<vmem>>
    %dma_wait3A_196 = arith.constant 0 : i32
    %dma_wait3A_197 = arith.constant 0 : i32
    %dma_wait3A_198 = tpu.memref_slice %arg2[%dma_wait3A_196, %dma_wait3A_197] : memref<10240x128xf32, #tpu.memory_space<hbm>> -> memref<10240x128xf32, #tpu.memory_space<hbm>>
    tpu.wait_indirect_dma semaphore(%arg10 : memref<!tpu.dma_semaphore, #tpu.memory_space<semaphore_mem>>) src(%dma_wait3A_198 : memref<10240x128xf32, #tpu.memory_space<hbm>>) dst(%dma_wait3A_192 : memref<64x128xf32, #tpu.memory_space<vmem>>)
    %run_scoped3A_199 = arith.constant 0 : i32
    %run_scoped3A_200 = arith.constant 38 : i32
    "tpu.region"() ({
      %run_scoped3A_231 = tpu.sem_alloc : memref<!tpu.dma_semaphore, #tpu.memory_space<semaphore_mem>>
      %dma_start3A_232 = arith.constant 0 : i32
      %dma_start3A_233 = arith.constant 0 : i32
      %dma_start3A_234 = tpu.memref_slice %arg8[%run_scoped3A_199, %dma_start3A_232, %dma_start3A_233] : memref<2x128x128xf32, #tpu.memory_space<vmem>> -> memref<1x128x128xf32, #tpu.memory_space<vmem>>
      %dma_start3A_235 = tpu.memref_squeeze %dma_start3A_234 : memref<1x128x128xf32, #tpu.memory_space<vmem>> -> memref<128x128xf32, #tpu.memory_space<vmem>>
      %dma_start3A_236 = arith.constant 0 : i32
      %dma_start3A_237 = tpu.memref_slice %arg7[%run_scoped3A_200, %dma_start3A_236] : memref<40x128xi32, #tpu.memory_space<vmem>> -> memref<1x128xi32, #tpu.memory_space<vmem>>
      %dma_start3A_238 = tpu.memref_squeeze %dma_start3A_237 : memref<1x128xi32, #tpu.memory_space<vmem>> -> memref<128xi32, #tpu.memory_space<vmem>>
      %dma_start3A_239 = arith.constant 0 : i32
      %dma_start3A_240 = arith.constant 0 : i32
      %dma_start3A_241 = tpu.memref_slice %arg9[%dma_start3A_239, %dma_start3A_240] : memref<10240x128xf32, #tpu.memory_space<vmem_shared>> -> memref<10240x128xf32, #tpu.memory_space<vmem_shared>>
      tpu.enqueue_indirect_dma source(%dma_start3A_235 : memref<128x128xf32, #tpu.memory_space<vmem>>) target(%dma_start3A_241 : memref<10240x128xf32, #tpu.memory_space<vmem_shared>>) offsets(%dma_start3A_238 : memref<128xi32, #tpu.memory_space<vmem>>) semaphore(%run_scoped3A_231 : memref<!tpu.dma_semaphore, #tpu.memory_space<semaphore_mem>>) {add = true}
      %dma_wait3A_242 = arith.constant 0 : i32
      %dma_wait3A_243 = arith.constant 0 : i32
      %dma_wait3A_244 = tpu.memref_slice %arg8[%run_scoped3A_199, %dma_wait3A_242, %dma_wait3A_243] : memref<2x128x128xf32, #tpu.memory_space<vmem>> -> memref<1x128x128xf32, #tpu.memory_space<vmem>>
      %dma_wait3A_245 = tpu.memref_squeeze %dma_wait3A_244 : memref<1x128x128xf32, #tpu.memory_space<vmem>> -> memref<128x128xf32, #tpu.memory_space<vmem>>
      %dma_wait3A_246 = arith.constant 0 : i32
      %dma_wait3A_247 = tpu.memref_slice %arg7[%run_scoped3A_200, %dma_wait3A_246] : memref<40x128xi32, #tpu.memory_space<vmem>> -> memref<1x128xi32, #tpu.memory_space<vmem>>
      %dma_wait3A_248 = tpu.memref_squeeze %dma_wait3A_247 : memref<1x128xi32, #tpu.memory_space<vmem>> -> memref<128xi32, #tpu.memory_space<vmem>>
      %dma_wait3A_249 = arith.constant 0 : i32
      %dma_wait3A_250 = arith.constant 0 : i32
      %dma_wait3A_251 = tpu.memref_slice %arg9[%dma_wait3A_249, %dma_wait3A_250] : memref<10240x128xf32, #tpu.memory_space<vmem_shared>> -> memref<10240x128xf32, #tpu.memory_space<vmem_shared>>
      tpu.wait_indirect_dma semaphore(%run_scoped3A_231 : memref<!tpu.dma_semaphore, #tpu.memory_space<semaphore_mem>>) src(%dma_wait3A_245 : memref<128x128xf32, #tpu.memory_space<vmem>>) dst(%dma_wait3A_251 : memref<10240x128xf32, #tpu.memory_space<vmem_shared>>)
      tpu.yield
    }) : () -> ()
    %dma_wait3A_201 = arith.constant 39 : i32
    %dma_wait3A_202 = arith.constant 1 : i32
    %dma_wait3A_203 = arith.constant 0 : i32
    %dma_wait3A_204 = arith.constant 0 : i32
    %dma_wait3A_205 = tpu.memref_slice %arg8[%dma_wait3A_202, %dma_wait3A_203, %dma_wait3A_204] : memref<2x128x128xf32, #tpu.memory_space<vmem>> -> memref<1x64x128xf32, #tpu.memory_space<vmem>>
    %dma_wait3A_206 = tpu.memref_squeeze %dma_wait3A_205 : memref<1x64x128xf32, #tpu.memory_space<vmem>> -> memref<64x128xf32, #tpu.memory_space<vmem>>
    %dma_wait3A_207 = arith.constant 0 : i32
    %dma_wait3A_208 = tpu.memref_slice %arg6[%dma_wait3A_201, %dma_wait3A_207] : memref<40x128xi32, #tpu.memory_space<vmem>> -> memref<1x64xi32, #tpu.memory_space<vmem>>
    %dma_wait3A_209 = tpu.memref_squeeze %dma_wait3A_208 : memref<1x64xi32, #tpu.memory_space<vmem>> -> memref<64xi32, #tpu.memory_space<vmem>>
    %dma_wait3A_210 = arith.constant 0 : i32
    %dma_wait3A_211 = arith.constant 0 : i32
    %dma_wait3A_212 = tpu.memref_slice %arg2[%dma_wait3A_210, %dma_wait3A_211] : memref<10240x128xf32, #tpu.memory_space<hbm>> -> memref<10240x128xf32, #tpu.memory_space<hbm>>
    tpu.wait_indirect_dma semaphore(%arg11 : memref<!tpu.dma_semaphore, #tpu.memory_space<semaphore_mem>>) src(%dma_wait3A_212 : memref<10240x128xf32, #tpu.memory_space<hbm>>) dst(%dma_wait3A_206 : memref<64x128xf32, #tpu.memory_space<vmem>>)
    %dma_wait3A_213 = arith.constant 39 : i32
    %dma_wait3A_214 = arith.constant 1 : i32
    %dma_wait3A_215 = arith.constant 64 : i32
    %dma_wait3A_216 = arith.constant 0 : i32
    %dma_wait3A_217 = tpu.memref_slice %arg8[%dma_wait3A_214, %dma_wait3A_215, %dma_wait3A_216] : memref<2x128x128xf32, #tpu.memory_space<vmem>> -> memref<1x64x128xf32, #tpu.memory_space<vmem>>
    %dma_wait3A_218 = tpu.memref_squeeze %dma_wait3A_217 : memref<1x64x128xf32, #tpu.memory_space<vmem>> -> memref<64x128xf32, #tpu.memory_space<vmem>>
    %dma_wait3A_219 = arith.constant 64 : i32
    %dma_wait3A_220 = tpu.memref_slice %arg6[%dma_wait3A_213, %dma_wait3A_219] : memref<40x128xi32, #tpu.memory_space<vmem>> -> memref<1x64xi32, #tpu.memory_space<vmem>>
    %dma_wait3A_221 = tpu.memref_squeeze %dma_wait3A_220 : memref<1x64xi32, #tpu.memory_space<vmem>> -> memref<64xi32, #tpu.memory_space<vmem>>
    %dma_wait3A_222 = arith.constant 0 : i32
    %dma_wait3A_223 = arith.constant 0 : i32
    %dma_wait3A_224 = tpu.memref_slice %arg2[%dma_wait3A_222, %dma_wait3A_223] : memref<10240x128xf32, #tpu.memory_space<hbm>> -> memref<10240x128xf32, #tpu.memory_space<hbm>>
    tpu.wait_indirect_dma semaphore(%arg11 : memref<!tpu.dma_semaphore, #tpu.memory_space<semaphore_mem>>) src(%dma_wait3A_224 : memref<10240x128xf32, #tpu.memory_space<hbm>>) dst(%dma_wait3A_218 : memref<64x128xf32, #tpu.memory_space<vmem>>)
    %run_scoped3A_225 = arith.constant 1 : i32
    %run_scoped3A_226 = arith.constant 39 : i32
    "tpu.region"() ({
      %run_scoped3A_231 = tpu.sem_alloc : memref<!tpu.dma_semaphore, #tpu.memory_space<semaphore_mem>>
      %dma_start3A_232 = arith.constant 0 : i32
      %dma_start3A_233 = arith.constant 0 : i32
      %dma_start3A_234 = tpu.memref_slice %arg8[%run_scoped3A_225, %dma_start3A_232, %dma_start3A_233] : memref<2x128x128xf32, #tpu.memory_space<vmem>> -> memref<1x128x128xf32, #tpu.memory_space<vmem>>
      %dma_start3A_235 = tpu.memref_squeeze %dma_start3A_234 : memref<1x128x128xf32, #tpu.memory_space<vmem>> -> memref<128x128xf32, #tpu.memory_space<vmem>>
      %dma_start3A_236 = arith.constant 0 : i32
      %dma_start3A_237 = tpu.memref_slice %arg7[%run_scoped3A_226, %dma_start3A_236] : memref<40x128xi32, #tpu.memory_space<vmem>> -> memref<1x128xi32, #tpu.memory_space<vmem>>
      %dma_start3A_238 = tpu.memref_squeeze %dma_start3A_237 : memref<1x128xi32, #tpu.memory_space<vmem>> -> memref<128xi32, #tpu.memory_space<vmem>>
      %dma_start3A_239 = arith.constant 0 : i32
      %dma_start3A_240 = arith.constant 0 : i32
      %dma_start3A_241 = tpu.memref_slice %arg9[%dma_start3A_239, %dma_start3A_240] : memref<10240x128xf32, #tpu.memory_space<vmem_shared>> -> memref<10240x128xf32, #tpu.memory_space<vmem_shared>>
      tpu.enqueue_indirect_dma source(%dma_start3A_235 : memref<128x128xf32, #tpu.memory_space<vmem>>) target(%dma_start3A_241 : memref<10240x128xf32, #tpu.memory_space<vmem_shared>>) offsets(%dma_start3A_238 : memref<128xi32, #tpu.memory_space<vmem>>) semaphore(%run_scoped3A_231 : memref<!tpu.dma_semaphore, #tpu.memory_space<semaphore_mem>>) {add = true}
      %dma_wait3A_242 = arith.constant 0 : i32
      %dma_wait3A_243 = arith.constant 0 : i32
      %dma_wait3A_244 = tpu.memref_slice %arg8[%run_scoped3A_225, %dma_wait3A_242, %dma_wait3A_243] : memref<2x128x128xf32, #tpu.memory_space<vmem>> -> memref<1x128x128xf32, #tpu.memory_space<vmem>>
      %dma_wait3A_245 = tpu.memref_squeeze %dma_wait3A_244 : memref<1x128x128xf32, #tpu.memory_space<vmem>> -> memref<128x128xf32, #tpu.memory_space<vmem>>
      %dma_wait3A_246 = arith.constant 0 : i32
      %dma_wait3A_247 = tpu.memref_slice %arg7[%run_scoped3A_226, %dma_wait3A_246] : memref<40x128xi32, #tpu.memory_space<vmem>> -> memref<1x128xi32, #tpu.memory_space<vmem>>
      %dma_wait3A_248 = tpu.memref_squeeze %dma_wait3A_247 : memref<1x128xi32, #tpu.memory_space<vmem>> -> memref<128xi32, #tpu.memory_space<vmem>>
      %dma_wait3A_249 = arith.constant 0 : i32
      %dma_wait3A_250 = arith.constant 0 : i32
      %dma_wait3A_251 = tpu.memref_slice %arg9[%dma_wait3A_249, %dma_wait3A_250] : memref<10240x128xf32, #tpu.memory_space<vmem_shared>> -> memref<10240x128xf32, #tpu.memory_space<vmem_shared>>
      tpu.wait_indirect_dma semaphore(%run_scoped3A_231 : memref<!tpu.dma_semaphore, #tpu.memory_space<semaphore_mem>>) src(%dma_wait3A_245 : memref<128x128xf32, #tpu.memory_space<vmem>>) dst(%dma_wait3A_251 : memref<10240x128xf32, #tpu.memory_space<vmem_shared>>)
      tpu.yield
    }) : () -> ()
    %barrier3A_227 = arith.constant 0 : index
    tpu.barrier barrier_id(%barrier3A_227)
    %mul3A_228 = arith.constant 10240 : i32
    %mul3A_229 = arith.muli %arg0, %mul3A_228 : i32
    %add3A_230 = arith.addi %mul3A_229, %mul3A_2 : i32
    "tpu.region"() ({
      %run_scoped3A_231 = tpu.sem_alloc : memref<!tpu.dma_semaphore, #tpu.memory_space<semaphore_mem>>
      %dma_start3A_232 = arith.constant 0 : i32
      %dma_start3A_233 = tpu.memref_slice %arg5[%add3A_230, %dma_start3A_232] : memref<20480x128xf32, #tpu.memory_space<hbm>> -> memref<640x128xf32, #tpu.memory_space<hbm>>
      %dma_start3A_234 = arith.constant 0 : i32
      %dma_start3A_235 = tpu.memref_slice %arg9[%mul3A_2, %dma_start3A_234] : memref<10240x128xf32, #tpu.memory_space<vmem_shared>> -> memref<640x128xf32, #tpu.memory_space<vmem_shared>>
      tpu.enqueue_dma source(%dma_start3A_235 : memref<640x128xf32, #tpu.memory_space<vmem_shared>>) target(%dma_start3A_233 : memref<640x128xf32, #tpu.memory_space<hbm>>) target_semaphore(%run_scoped3A_231 : memref<!tpu.dma_semaphore, #tpu.memory_space<semaphore_mem>>)
      %dma_wait3A_236 = arith.constant 0 : i32
      %dma_wait3A_237 = tpu.memref_slice %arg5[%add3A_230, %dma_wait3A_236] : memref<20480x128xf32, #tpu.memory_space<hbm>> -> memref<640x128xf32, #tpu.memory_space<hbm>>
      %dma_wait3A_238 = arith.constant 0 : i32
      %dma_wait3A_239 = tpu.memref_slice %arg9[%mul3A_2, %dma_wait3A_238] : memref<10240x128xf32, #tpu.memory_space<vmem_shared>> -> memref<640x128xf32, #tpu.memory_space<vmem_shared>>
      tpu.wait_dma2 semaphore(%run_scoped3A_231 : memref<!tpu.dma_semaphore, #tpu.memory_space<semaphore_mem>>) src(%dma_wait3A_239 : memref<640x128xf32, #tpu.memory_space<vmem_shared>>) dst(%dma_wait3A_237 : memref<640x128xf32, #tpu.memory_space<hbm>>)
      tpu.yield
    }) : () -> ()
    return
  }
}

#map = affine_map<(d0, d1) -> (0, 0)>
module attributes {stable_mosaic.version = 14 : i64} {
  func.func @_scatter_kernel(%arg0: i32, %arg1: i32, %arg2: memref<10240x128xf32, #tpu.memory_space<hbm>>, %arg3: memref<2560x128xi32, #tpu.memory_space<hbm>>, %arg4: memref<2560x128xi32, #tpu.memory_space<hbm>>, %arg5: memref<20480x128xf32, #tpu.memory_space<hbm>>, %arg6: memref<40x128xi32, #tpu.memory_space<vmem>>, %arg7: memref<40x128xi32, #tpu.memory_space<vmem>>, %arg8: memref<2x128x128xf32, #tpu.memory_space<vmem>>, %arg9: memref<10240x128xf32, #tpu.memory_space<vmem_shared>>, %arg10: memref<!tpu.dma_semaphore, #tpu.memory_space<semaphore_mem>>, %arg11: memref<!tpu.dma_semaphore, #tpu.memory_space<semaphore_mem>>) attributes {dimension_semantics = [#tpu.dimension_semantics<core_parallel>, #tpu.dimension_semantics<subcore_parallel>], iteration_bounds = array<i64: 2, 16>, scalar_prefetch = 0 : i64, scratch_operands = 6 : i64, tpu.core_type = #tpu.core_type<sc_vector_subcore>, window_params = [{transform_indices = #map}, {transform_indices = #map}, {transform_indices = #map}, {transform_indices = #map}]} {
    %mul3A = arith.constant 16 : i32
    %mul3A_0 = arith.muli %arg0, %mul3A : i32
    %add3A = arith.addi %mul3A_0, %arg1 : i32
    %mul3A_1 = arith.constant 640 : i32
    %mul3A_2 = arith.muli %arg1, %mul3A_1 : i32
    "tpu.region"() ({
      %run_scoped3A_231 = tpu.sem_alloc : memref<!tpu.dma_semaphore, #tpu.memory_space<semaphore_mem>>
      %dma_start3A_232 = arith.constant 0 : i32
      %dma_start3A_233 = tpu.memref_slice %arg9[%mul3A_2, %dma_start3A_232] : memref<10240x128xf32, #tpu.memory_space<vmem_shared>> -> memref<640x128xf32, #tpu.memory_space<vmem_shared>>
      %dma_start3A_234 = arith.constant 0 : i32
      %dma_start3A_235 = tpu.memref_slice %arg2[%mul3A_2, %dma_start3A_234] : memref<10240x128xf32, #tpu.memory_space<hbm>> -> memref<640x128xf32, #tpu.memory_space<hbm>>
      tpu.enqueue_dma source(%dma_start3A_235 : memref<640x128xf32, #tpu.memory_space<hbm>>) target(%dma_start3A_233 : memref<640x128xf32, #tpu.memory_space<vmem_shared>>) target_semaphore(%run_scoped3A_231 : memref<!tpu.dma_semaphore, #tpu.memory_space<semaphore_mem>>)
      %dma_wait3A_236 = arith.constant 0 : i32
      %dma_wait3A_237 = tpu.memref_slice %arg9[%mul3A_2, %dma_wait3A_236] : memref<10240x128xf32, #tpu.memory_space<vmem_shared>> -> memref<640x128xf32, #tpu.memory_space<vmem_shared>>
      %dma_wait3A_238 = arith.constant 0 : i32
      %dma_wait3A_239 = tpu.memref_slice %arg2[%mul3A_2, %dma_wait3A_238] : memref<10240x128xf32, #tpu.memory_space<hbm>> -> memref<640x128xf32, #tpu.memory_space<hbm>>
      tpu.wait_dma2 semaphore(%run_scoped3A_231 : memref<!tpu.dma_semaphore, #tpu.memory_space<semaphore_mem>>) src(%dma_wait3A_239 : memref<640x128xf32, #tpu.memory_space<hbm>>) dst(%dma_wait3A_237 : memref<640x128xf32, #tpu.memory_space<vmem_shared>>)
      tpu.yield
    }) : () -> ()
    %barrier3A = arith.constant 0 : index
    tpu.barrier barrier_id(%barrier3A)
    %mul3A_3 = arith.constant 80 : i32
    %mul3A_4 = arith.muli %add3A, %mul3A_3 : i32
    %add3A_5 = arith.constant 0 : i32
    %add3A_6 = arith.addi %mul3A_4, %add3A_5 : i32
    "tpu.region"() ({
      %run_scoped3A_231 = tpu.sem_alloc : memref<!tpu.dma_semaphore, #tpu.memory_space<semaphore_mem>>
      %dma_start3A_232 = arith.constant 0 : i32
      %dma_start3A_233 = tpu.memref_slice %arg3[%add3A_6, %dma_start3A_232] : memref<2560x128xi32, #tpu.memory_space<hbm>> -> memref<40x128xi32, #tpu.memory_space<hbm>>
      %dma_start3A_234 = arith.constant 0 : i32
      %dma_start3A_235 = tpu.memref_slice %arg3[%add3A_6, %dma_start3A_234] : memref<2560x128xi32, #tpu.memory_space<hbm>> -> memref<40x128xi32, #tpu.memory_space<hbm>>
      tpu.enqueue_dma source(%dma_start3A_235 : memref<40x128xi32, #tpu.memory_space<hbm>>) target(%arg6 : memref<40x128xi32, #tpu.memory_space<vmem>>) target_semaphore(%run_scoped3A_231 : memref<!tpu.dma_semaphore, #tpu.memory_space<semaphore_mem>>)
      %dma_wait3A_236 = arith.constant 0 : i32
      %dma_wait3A_237 = tpu.memref_slice %arg3[%add3A_6, %dma_wait3A_236] : memref<2560x128xi32, #tpu.memory_space<hbm>> -> memref<40x128xi32, #tpu.memory_space<hbm>>
      %dma_wait3A_238 = arith.constant 0 : i32
      %dma_wait3A_239 = tpu.memref_slice %arg3[%add3A_6, %dma_wait3A_238] : memref<2560x128xi32, #tpu.memory_space<hbm>> -> memref<40x128xi32, #tpu.memory_space<hbm>>
      tpu.wait_dma2 semaphore(%run_scoped3A_231 : memref<!tpu.dma_semaphore, #tpu.memory_space<semaphore_mem>>) src(%dma_wait3A_239 : memref<40x128xi32, #tpu.memory_space<hbm>>) dst(%arg6 : memref<40x128xi32, #tpu.memory_space<vmem>>)
      tpu.yield
    }) : () -> ()
    %mul3A_7 = arith.constant 80 : i32
    %mul3A_8 = arith.muli %add3A, %mul3A_7 : i32
    %add3A_9 = arith.constant 0 : i32
    %add3A_10 = arith.addi %mul3A_8, %add3A_9 : i32
    "tpu.region"() ({
      %run_scoped3A_231 = tpu.sem_alloc : memref<!tpu.dma_semaphore, #tpu.memory_space<semaphore_mem>>
      %dma_start3A_232 = arith.constant 0 : i32
      %dma_start3A_233 = tpu.memref_slice %arg4[%add3A_10, %dma_start3A_232] : memref<2560x128xi32, #tpu.memory_space<hbm>> -> memref<40x128xi32, #tpu.memory_space<hbm>>
      %dma_start3A_234 = arith.constant 0 : i32
      %dma_start3A_235 = tpu.memref_slice %arg4[%add3A_10, %dma_start3A_234] : memref<2560x128xi32, #tpu.memory_space<hbm>> -> memref<40x128xi32, #tpu.memory_space<hbm>>
      tpu.enqueue_dma source(%dma_start3A_235 : memref<40x128xi32, #tpu.memory_space<hbm>>) target(%arg7 : memref<40x128xi32, #tpu.memory_space<vmem>>) target_semaphore(%run_scoped3A_231 : memref<!tpu.dma_semaphore, #tpu.memory_space<semaphore_mem>>)
      %dma_wait3A_236 = arith.constant 0 : i32
      %dma_wait3A_237 = tpu.memref_slice %arg4[%add3A_10, %dma_wait3A_236] : memref<2560x128xi32, #tpu.memory_space<hbm>> -> memref<40x128xi32, #tpu.memory_space<hbm>>
      %dma_wait3A_238 = arith.constant 0 : i32
      %dma_wait3A_239 = tpu.memref_slice %arg4[%add3A_10, %dma_wait3A_238] : memref<2560x128xi32, #tpu.memory_space<hbm>> -> memref<40x128xi32, #tpu.memory_space<hbm>>
      tpu.wait_dma2 semaphore(%run_scoped3A_231 : memref<!tpu.dma_semaphore, #tpu.memory_space<semaphore_mem>>) src(%dma_wait3A_239 : memref<40x128xi32, #tpu.memory_space<hbm>>) dst(%arg7 : memref<40x128xi32, #tpu.memory_space<vmem>>)
      tpu.yield
    }) : () -> ()
    %dma_start3A = arith.constant 0 : i32
    %dma_start3A_11 = arith.constant 0 : i32
    %dma_start3A_12 = arith.constant 0 : i32
    %dma_start3A_13 = arith.constant 0 : i32
    %dma_start3A_14 = tpu.memref_slice %arg8[%dma_start3A_11, %dma_start3A_12, %dma_start3A_13] : memref<2x128x128xf32, #tpu.memory_space<vmem>> -> memref<1x64x128xf32, #tpu.memory_space<vmem>>
    %dma_start3A_15 = tpu.memref_squeeze %dma_start3A_14 : memref<1x64x128xf32, #tpu.memory_space<vmem>> -> memref<64x128xf32, #tpu.memory_space<vmem>>
    %dma_start3A_16 = arith.constant 0 : i32
    %dma_start3A_17 = tpu.memref_slice %arg6[%dma_start3A, %dma_start3A_16] : memref<40x128xi32, #tpu.memory_space<vmem>> -> memref<1x64xi32, #tpu.memory_space<vmem>>
    %dma_start3A_18 = tpu.memref_squeeze %dma_start3A_17 : memref<1x64xi32, #tpu.memory_space<vmem>> -> memref<64xi32, #tpu.memory_space<vmem>>
    %dma_start3A_19 = arith.constant 0 : i32
    %dma_start3A_20 = arith.constant 0 : i32
    %dma_start3A_21 = tpu.memref_slice %arg2[%dma_start3A_19, %dma_start3A_20] : memref<10240x128xf32, #tpu.memory_space<hbm>> -> memref<10240x128xf32, #tpu.memory_space<hbm>>
    tpu.enqueue_indirect_dma source(%dma_start3A_21 : memref<10240x128xf32, #tpu.memory_space<hbm>>) target(%dma_start3A_15 : memref<64x128xf32, #tpu.memory_space<vmem>>) offsets(%dma_start3A_18 : memref<64xi32, #tpu.memory_space<vmem>>) semaphore(%arg10 : memref<!tpu.dma_semaphore, #tpu.memory_space<semaphore_mem>>)
    %dma_start3A_22 = arith.constant 0 : i32
    %dma_start3A_23 = arith.constant 0 : i32
    %dma_start3A_24 = arith.constant 64 : i32
    %dma_start3A_25 = arith.constant 0 : i32
    %dma_start3A_26 = tpu.memref_slice %arg8[%dma_start3A_23, %dma_start3A_24, %dma_start3A_25] : memref<2x128x128xf32, #tpu.memory_space<vmem>> -> memref<1x64x128xf32, #tpu.memory_space<vmem>>
    %dma_start3A_27 = tpu.memref_squeeze %dma_start3A_26 : memref<1x64x128xf32, #tpu.memory_space<vmem>> -> memref<64x128xf32, #tpu.memory_space<vmem>>
    %dma_start3A_28 = arith.constant 64 : i32
    %dma_start3A_29 = tpu.memref_slice %arg6[%dma_start3A_22, %dma_start3A_28] : memref<40x128xi32, #tpu.memory_space<vmem>> -> memref<1x64xi32, #tpu.memory_space<vmem>>
    %dma_start3A_30 = tpu.memref_squeeze %dma_start3A_29 : memref<1x64xi32, #tpu.memory_space<vmem>> -> memref<64xi32, #tpu.memory_space<vmem>>
    %dma_start3A_31 = arith.constant 0 : i32
    %dma_start3A_32 = arith.constant 0 : i32
    %dma_start3A_33 = tpu.memref_slice %arg2[%dma_start3A_31, %dma_start3A_32] : memref<10240x128xf32, #tpu.memory_space<hbm>> -> memref<10240x128xf32, #tpu.memory_space<hbm>>
    tpu.enqueue_indirect_dma source(%dma_start3A_33 : memref<10240x128xf32, #tpu.memory_space<hbm>>) target(%dma_start3A_27 : memref<64x128xf32, #tpu.memory_space<vmem>>) offsets(%dma_start3A_30 : memref<64xi32, #tpu.memory_space<vmem>>) semaphore(%arg10 : memref<!tpu.dma_semaphore, #tpu.memory_space<semaphore_mem>>)
    %dma_start3A_34 = arith.constant 1 : i32
    %dma_start3A_35 = arith.constant 1 : i32
    %dma_start3A_36 = arith.constant 0 : i32
    %dma_start3A_37 = arith.constant 0 : i32
    %dma_start3A_38 = tpu.memref_slice %arg8[%dma_start3A_35, %dma_start3A_36, %dma_start3A_37] : memref<2x128x128xf32, #tpu.memory_space<vmem>> -> memref<1x64x128xf32, #tpu.memory_space<vmem>>
    %dma_start3A_39 = tpu.memref_squeeze %dma_start3A_38 : memref<1x64x128xf32, #tpu.memory_space<vmem>> -> memref<64x128xf32, #tpu.memory_space<vmem>>
    %dma_start3A_40 = arith.constant 0 : i32
    %dma_start3A_41 = tpu.memref_slice %arg6[%dma_start3A_34, %dma_start3A_40] : memref<40x128xi32, #tpu.memory_space<vmem>> -> memref<1x64xi32, #tpu.memory_space<vmem>>
    %dma_start3A_42 = tpu.memref_squeeze %dma_start3A_41 : memref<1x64xi32, #tpu.memory_space<vmem>> -> memref<64xi32, #tpu.memory_space<vmem>>
    %dma_start3A_43 = arith.constant 0 : i32
    %dma_start3A_44 = arith.constant 0 : i32
    %dma_start3A_45 = tpu.memref_slice %arg2[%dma_start3A_43, %dma_start3A_44] : memref<10240x128xf32, #tpu.memory_space<hbm>> -> memref<10240x128xf32, #tpu.memory_space<hbm>>
    tpu.enqueue_indirect_dma source(%dma_start3A_45 : memref<10240x128xf32, #tpu.memory_space<hbm>>) target(%dma_start3A_39 : memref<64x128xf32, #tpu.memory_space<vmem>>) offsets(%dma_start3A_42 : memref<64xi32, #tpu.memory_space<vmem>>) semaphore(%arg11 : memref<!tpu.dma_semaphore, #tpu.memory_space<semaphore_mem>>)
    %dma_start3A_46 = arith.constant 1 : i32
    %dma_start3A_47 = arith.constant 1 : i32
    %dma_start3A_48 = arith.constant 64 : i32
    %dma_start3A_49 = arith.constant 0 : i32
    %dma_start3A_50 = tpu.memref_slice %arg8[%dma_start3A_47, %dma_start3A_48, %dma_start3A_49] : memref<2x128x128xf32, #tpu.memory_space<vmem>> -> memref<1x64x128xf32, #tpu.memory_space<vmem>>
    %dma_start3A_51 = tpu.memref_squeeze %dma_start3A_50 : memref<1x64x128xf32, #tpu.memory_space<vmem>> -> memref<64x128xf32, #tpu.memory_space<vmem>>
    %dma_start3A_52 = arith.constant 64 : i32
    %dma_start3A_53 = tpu.memref_slice %arg6[%dma_start3A_46, %dma_start3A_52] : memref<40x128xi32, #tpu.memory_space<vmem>> -> memref<1x64xi32, #tpu.memory_space<vmem>>
    %dma_start3A_54 = tpu.memref_squeeze %dma_start3A_53 : memref<1x64xi32, #tpu.memory_space<vmem>> -> memref<64xi32, #tpu.memory_space<vmem>>
    %dma_start3A_55 = arith.constant 0 : i32
    %dma_start3A_56 = arith.constant 0 : i32
    %dma_start3A_57 = tpu.memref_slice %arg2[%dma_start3A_55, %dma_start3A_56] : memref<10240x128xf32, #tpu.memory_space<hbm>> -> memref<10240x128xf32, #tpu.memory_space<hbm>>
    tpu.enqueue_indirect_dma source(%dma_start3A_57 : memref<10240x128xf32, #tpu.memory_space<hbm>>) target(%dma_start3A_51 : memref<64x128xf32, #tpu.memory_space<vmem>>) offsets(%dma_start3A_54 : memref<64xi32, #tpu.memory_space<vmem>>) semaphore(%arg11 : memref<!tpu.dma_semaphore, #tpu.memory_space<semaphore_mem>>)
    %scan3A = arith.constant 0 : i32
    %scan3A_58 = arith.constant 0 : i32
    %scan3A_59 = arith.constant 19 : i32
    %scan3A_60 = arith.addi %scan3A_58, %scan3A_59 : i32
    %scan3A_61 = arith.constant 1 : i32
    scf.for %scan3A_231 = %scan3A_58 to %scan3A_60 step %scan3A_61  : i32 {
      %mul3A_232 = arith.constant 2 : i32
      %mul3A_233 = arith.muli %scan3A_231, %mul3A_232 : i32
      %add3A_234 = arith.constant 0 : i32
      %add3A_235 = arith.addi %mul3A_233, %add3A_234 : i32
      %dma_wait3A_236 = arith.constant 0 : i32
      %dma_wait3A_237 = arith.constant 0 : i32
      %dma_wait3A_238 = arith.constant 0 : i32
      %dma_wait3A_239 = tpu.memref_slice %arg8[%dma_wait3A_236, %dma_wait3A_237, %dma_wait3A_238] : memref<2x128x128xf32, #tpu.memory_space<vmem>> -> memref<1x64x128xf32, #tpu.memory_space<vmem>>
      %dma_wait3A_240 = tpu.memref_squeeze %dma_wait3A_239 : memref<1x64x128xf32, #tpu.memory_space<vmem>> -> memref<64x128xf32, #tpu.memory_space<vmem>>
      %dma_wait3A_241 = arith.constant 0 : i32
      %dma_wait3A_242 = tpu.memref_slice %arg6[%add3A_235, %dma_wait3A_241] : memref<40x128xi32, #tpu.memory_space<vmem>> -> memref<1x64xi32, #tpu.memory_space<vmem>>
      %dma_wait3A_243 = tpu.memref_squeeze %dma_wait3A_242 : memref<1x64xi32, #tpu.memory_space<vmem>> -> memref<64xi32, #tpu.memory_space<vmem>>
      %dma_wait3A_244 = arith.constant 0 : i32
      %dma_wait3A_245 = arith.constant 0 : i32
      %dma_wait3A_246 = tpu.memref_slice %arg2[%dma_wait3A_244, %dma_wait3A_245] : memref<10240x128xf32, #tpu.memory_space<hbm>> -> memref<10240x128xf32, #tpu.memory_space<hbm>>
      tpu.wait_indirect_dma semaphore(%arg10 : memref<!tpu.dma_semaphore, #tpu.memory_space<semaphore_mem>>) src(%dma_wait3A_246 : memref<10240x128xf32, #tpu.memory_space<hbm>>) dst(%dma_wait3A_240 : memref<64x128xf32, #tpu.memory_space<vmem>>)
      %dma_wait3A_247 = arith.constant 0 : i32
      %dma_wait3A_248 = arith.constant 64 : i32
      %dma_wait3A_249 = arith.constant 0 : i32
      %dma_wait3A_250 = tpu.memref_slice %arg8[%dma_wait3A_247, %dma_wait3A_248, %dma_wait3A_249] : memref<2x128x128xf32, #tpu.memory_space<vmem>> -> memref<1x64x128xf32, #tpu.memory_space<vmem>>
      %dma_wait3A_251 = tpu.memref_squeeze %dma_wait3A_250 : memref<1x64x128xf32, #tpu.memory_space<vmem>> -> memref<64x128xf32, #tpu.memory_space<vmem>>
      %dma_wait3A_252 = arith.constant 64 : i32
      %dma_wait3A_253 = tpu.memref_slice %arg6[%add3A_235, %dma_wait3A_252] : memref<40x128xi32, #tpu.memory_space<vmem>> -> memref<1x64xi32, #tpu.memory_space<vmem>>
      %dma_wait3A_254 = tpu.memref_squeeze %dma_wait3A_253 : memref<1x64xi32, #tpu.memory_space<vmem>> -> memref<64xi32, #tpu.memory_space<vmem>>
      %dma_wait3A_255 = arith.constant 0 : i32
      %dma_wait3A_256 = arith.constant 0 : i32
      %dma_wait3A_257 = tpu.memref_slice %arg2[%dma_wait3A_255, %dma_wait3A_256] : memref<10240x128xf32, #tpu.memory_space<hbm>> -> memref<10240x128xf32, #tpu.memory_space<hbm>>
      tpu.wait_indirect_dma semaphore(%arg10 : memref<!tpu.dma_semaphore, #tpu.memory_space<semaphore_mem>>) src(%dma_wait3A_257 : memref<10240x128xf32, #tpu.memory_space<hbm>>) dst(%dma_wait3A_251 : memref<64x128xf32, #tpu.memory_space<vmem>>)
      %run_scoped3A_258 = arith.constant 0 : i32
      "tpu.region"() ({
        %run_scoped3A_332 = tpu.sem_alloc : memref<!tpu.dma_semaphore, #tpu.memory_space<semaphore_mem>>
        %dma_start3A_333 = arith.constant 0 : i32
        %dma_start3A_334 = arith.constant 0 : i32
        %dma_start3A_335 = tpu.memref_slice %arg8[%run_scoped3A_258, %dma_start3A_333, %dma_start3A_334] : memref<2x128x128xf32, #tpu.memory_space<vmem>> -> memref<1x128x128xf32, #tpu.memory_space<vmem>>
        %dma_start3A_336 = tpu.memref_squeeze %dma_start3A_335 : memref<1x128x128xf32, #tpu.memory_space<vmem>> -> memref<128x128xf32, #tpu.memory_space<vmem>>
        %dma_start3A_337 = arith.constant 0 : i32
        %dma_start3A_338 = tpu.memref_slice %arg7[%add3A_235, %dma_start3A_337] : memref<40x128xi32, #tpu.memory_space<vmem>> -> memref<1x128xi32, #tpu.memory_space<vmem>>
        %dma_start3A_339 = tpu.memref_squeeze %dma_start3A_338 : memref<1x128xi32, #tpu.memory_space<vmem>> -> memref<128xi32, #tpu.memory_space<vmem>>
        %dma_start3A_340 = arith.constant 0 : i32
        %dma_start3A_341 = arith.constant 0 : i32
        %dma_start3A_342 = tpu.memref_slice %arg9[%dma_start3A_340, %dma_start3A_341] : memref<10240x128xf32, #tpu.memory_space<vmem_shared>> -> memref<10240x128xf32, #tpu.memory_space<vmem_shared>>
        tpu.enqueue_indirect_dma source(%dma_start3A_336 : memref<128x128xf32, #tpu.memory_space<vmem>>) target(%dma_start3A_342 : memref<10240x128xf32, #tpu.memory_space<vmem_shared>>) offsets(%dma_start3A_339 : memref<128xi32, #tpu.memory_space<vmem>>) semaphore(%run_scoped3A_332 : memref<!tpu.dma_semaphore, #tpu.memory_space<semaphore_mem>>) {add = true}
        %dma_wait3A_343 = arith.constant 0 : i32
        %dma_wait3A_344 = arith.constant 0 : i32
        %dma_wait3A_345 = tpu.memref_slice %arg8[%run_scoped3A_258, %dma_wait3A_343, %dma_wait3A_344] : memref<2x128x128xf32, #tpu.memory_space<vmem>> -> memref<1x128x128xf32, #tpu.memory_space<vmem>>
        %dma_wait3A_346 = tpu.memref_squeeze %dma_wait3A_345 : memref<1x128x128xf32, #tpu.memory_space<vmem>> -> memref<128x128xf32, #tpu.memory_space<vmem>>
        %dma_wait3A_347 = arith.constant 0 : i32
        %dma_wait3A_348 = tpu.memref_slice %arg7[%add3A_235, %dma_wait3A_347] : memref<40x128xi32, #tpu.memory_space<vmem>> -> memref<1x128xi32, #tpu.memory_space<vmem>>
        %dma_wait3A_349 = tpu.memref_squeeze %dma_wait3A_348 : memref<1x128xi32, #tpu.memory_space<vmem>> -> memref<128xi32, #tpu.memory_space<vmem>>
        %dma_wait3A_350 = arith.constant 0 : i32
        %dma_wait3A_351 = arith.constant 0 : i32
        %dma_wait3A_352 = tpu.memref_slice %arg9[%dma_wait3A_350, %dma_wait3A_351] : memref<10240x128xf32, #tpu.memory_space<vmem_shared>> -> memref<10240x128xf32, #tpu.memory_space<vmem_shared>>
        tpu.wait_indirect_dma semaphore(%run_scoped3A_332 : memref<!tpu.dma_semaphore, #tpu.memory_space<semaphore_mem>>) src(%dma_wait3A_346 : memref<128x128xf32, #tpu.memory_space<vmem>>) dst(%dma_wait3A_352 : memref<10240x128xf32, #tpu.memory_space<vmem_shared>>)
        tpu.yield
      }) : () -> ()
      %add3A_259 = arith.constant 2 : i32
      %add3A_260 = arith.addi %add3A_235, %add3A_259 : i32
      %dma_start3A_261 = arith.constant 0 : i32
      %dma_start3A_262 = arith.constant 0 : i32
      %dma_start3A_263 = arith.constant 0 : i32
      %dma_start3A_264 = tpu.memref_slice %arg8[%dma_start3A_261, %dma_start3A_262, %dma_start3A_263] : memref<2x128x128xf32, #tpu.memory_space<vmem>> -> memref<1x64x128xf32, #tpu.memory_space<vmem>>
      %dma_start3A_265 = tpu.memref_squeeze %dma_start3A_264 : memref<1x64x128xf32, #tpu.memory_space<vmem>> -> memref<64x128xf32, #tpu.memory_space<vmem>>
      %dma_start3A_266 = arith.constant 0 : i32
      %dma_start3A_267 = tpu.memref_slice %arg6[%add3A_260, %dma_start3A_266] : memref<40x128xi32, #tpu.memory_space<vmem>> -> memref<1x64xi32, #tpu.memory_space<vmem>>
      %dma_start3A_268 = tpu.memref_squeeze %dma_start3A_267 : memref<1x64xi32, #tpu.memory_space<vmem>> -> memref<64xi32, #tpu.memory_space<vmem>>
      %dma_start3A_269 = arith.constant 0 : i32
      %dma_start3A_270 = arith.constant 0 : i32
      %dma_start3A_271 = tpu.memref_slice %arg2[%dma_start3A_269, %dma_start3A_270] : memref<10240x128xf32, #tpu.memory_space<hbm>> -> memref<10240x128xf32, #tpu.memory_space<hbm>>
      tpu.enqueue_indirect_dma source(%dma_start3A_271 : memref<10240x128xf32, #tpu.memory_space<hbm>>) target(%dma_start3A_265 : memref<64x128xf32, #tpu.memory_space<vmem>>) offsets(%dma_start3A_268 : memref<64xi32, #tpu.memory_space<vmem>>) semaphore(%arg10 : memref<!tpu.dma_semaphore, #tpu.memory_space<semaphore_mem>>)
      %dma_start3A_272 = arith.constant 0 : i32
      %dma_start3A_273 = arith.constant 64 : i32
      %dma_start3A_274 = arith.constant 0 : i32
      %dma_start3A_275 = tpu.memref_slice %arg8[%dma_start3A_272, %dma_start3A_273, %dma_start3A_274] : memref<2x128x128xf32, #tpu.memory_space<vmem>> -> memref<1x64x128xf32, #tpu.memory_space<vmem>>
      %dma_start3A_276 = tpu.memref_squeeze %dma_start3A_275 : memref<1x64x128xf32, #tpu.memory_space<vmem>> -> memref<64x128xf32, #tpu.memory_space<vmem>>
      %dma_start3A_277 = arith.constant 64 : i32
      %dma_start3A_278 = tpu.memref_slice %arg6[%add3A_260, %dma_start3A_277] : memref<40x128xi32, #tpu.memory_space<vmem>> -> memref<1x64xi32, #tpu.memory_space<vmem>>
      %dma_start3A_279 = tpu.memref_squeeze %dma_start3A_278 : memref<1x64xi32, #tpu.memory_space<vmem>> -> memref<64xi32, #tpu.memory_space<vmem>>
      %dma_start3A_280 = arith.constant 0 : i32
      %dma_start3A_281 = arith.constant 0 : i32
      %dma_start3A_282 = tpu.memref_slice %arg2[%dma_start3A_280, %dma_start3A_281] : memref<10240x128xf32, #tpu.memory_space<hbm>> -> memref<10240x128xf32, #tpu.memory_space<hbm>>
      tpu.enqueue_indirect_dma source(%dma_start3A_282 : memref<10240x128xf32, #tpu.memory_space<hbm>>) target(%dma_start3A_276 : memref<64x128xf32, #tpu.memory_space<vmem>>) offsets(%dma_start3A_279 : memref<64xi32, #tpu.memory_space<vmem>>) semaphore(%arg10 : memref<!tpu.dma_semaphore, #tpu.memory_space<semaphore_mem>>)
      %add3A_283 = arith.constant 1 : i32
      %add3A_284 = arith.addi %mul3A_233, %add3A_283 : i32
      %dma_wait3A_285 = arith.constant 1 : i32
      %dma_wait3A_286 = arith.constant 0 : i32
      %dma_wait3A_287 = arith.constant 0 : i32
      %dma_wait3A_288 = tpu.memref_slice %arg8[%dma_wait3A_285, %dma_wait3A_286, %dma_wait3A_287] : memref<2x128x128xf32, #tpu.memory_space<vmem>> -> memref<1x64x128xf32, #tpu.memory_space<vmem>>
      %dma_wait3A_289 = tpu.memref_squeeze %dma_wait3A_288 : memref<1x64x128xf32, #tpu.memory_space<vmem>> -> memref<64x128xf32, #tpu.memory_space<vmem>>
      %dma_wait3A_290 = arith.constant 0 : i32
      %dma_wait3A_291 = tpu.memref_slice %arg6[%add3A_284, %dma_wait3A_290] : memref<40x128xi32, #tpu.memory_space<vmem>> -> memref<1x64xi32, #tpu.memory_space<vmem>>
      %dma_wait3A_292 = tpu.memref_squeeze %dma_wait3A_291 : memref<1x64xi32, #tpu.memory_space<vmem>> -> memref<64xi32, #tpu.memory_space<vmem>>
      %dma_wait3A_293 = arith.constant 0 : i32
      %dma_wait3A_294 = arith.constant 0 : i32
      %dma_wait3A_295 = tpu.memref_slice %arg2[%dma_wait3A_293, %dma_wait3A_294] : memref<10240x128xf32, #tpu.memory_space<hbm>> -> memref<10240x128xf32, #tpu.memory_space<hbm>>
      tpu.wait_indirect_dma semaphore(%arg11 : memref<!tpu.dma_semaphore, #tpu.memory_space<semaphore_mem>>) src(%dma_wait3A_295 : memref<10240x128xf32, #tpu.memory_space<hbm>>) dst(%dma_wait3A_289 : memref<64x128xf32, #tpu.memory_space<vmem>>)
      %dma_wait3A_296 = arith.constant 1 : i32
      %dma_wait3A_297 = arith.constant 64 : i32
      %dma_wait3A_298 = arith.constant 0 : i32
      %dma_wait3A_299 = tpu.memref_slice %arg8[%dma_wait3A_296, %dma_wait3A_297, %dma_wait3A_298] : memref<2x128x128xf32, #tpu.memory_space<vmem>> -> memref<1x64x128xf32, #tpu.memory_space<vmem>>
      %dma_wait3A_300 = tpu.memref_squeeze %dma_wait3A_299 : memref<1x64x128xf32, #tpu.memory_space<vmem>> -> memref<64x128xf32, #tpu.memory_space<vmem>>
      %dma_wait3A_301 = arith.constant 64 : i32
      %dma_wait3A_302 = tpu.memref_slice %arg6[%add3A_284, %dma_wait3A_301] : memref<40x128xi32, #tpu.memory_space<vmem>> -> memref<1x64xi32, #tpu.memory_space<vmem>>
      %dma_wait3A_303 = tpu.memref_squeeze %dma_wait3A_302 : memref<1x64xi32, #tpu.memory_space<vmem>> -> memref<64xi32, #tpu.memory_space<vmem>>
      %dma_wait3A_304 = arith.constant 0 : i32
      %dma_wait3A_305 = arith.constant 0 : i32
      %dma_wait3A_306 = tpu.memref_slice %arg2[%dma_wait3A_304, %dma_wait3A_305] : memref<10240x128xf32, #tpu.memory_space<hbm>> -> memref<10240x128xf32, #tpu.memory_space<hbm>>
      tpu.wait_indirect_dma semaphore(%arg11 : memref<!tpu.dma_semaphore, #tpu.memory_space<semaphore_mem>>) src(%dma_wait3A_306 : memref<10240x128xf32, #tpu.memory_space<hbm>>) dst(%dma_wait3A_300 : memref<64x128xf32, #tpu.memory_space<vmem>>)
      %run_scoped3A_307 = arith.constant 1 : i32
      "tpu.region"() ({
        %run_scoped3A_332 = tpu.sem_alloc : memref<!tpu.dma_semaphore, #tpu.memory_space<semaphore_mem>>
        %dma_start3A_333 = arith.constant 0 : i32
        %dma_start3A_334 = arith.constant 0 : i32
        %dma_start3A_335 = tpu.memref_slice %arg8[%run_scoped3A_307, %dma_start3A_333, %dma_start3A_334] : memref<2x128x128xf32, #tpu.memory_space<vmem>> -> memref<1x128x128xf32, #tpu.memory_space<vmem>>
        %dma_start3A_336 = tpu.memref_squeeze %dma_start3A_335 : memref<1x128x128xf32, #tpu.memory_space<vmem>> -> memref<128x128xf32, #tpu.memory_space<vmem>>
        %dma_start3A_337 = arith.constant 0 : i32
        %dma_start3A_338 = tpu.memref_slice %arg7[%add3A_284, %dma_start3A_337] : memref<40x128xi32, #tpu.memory_space<vmem>> -> memref<1x128xi32, #tpu.memory_space<vmem>>
        %dma_start3A_339 = tpu.memref_squeeze %dma_start3A_338 : memref<1x128xi32, #tpu.memory_space<vmem>> -> memref<128xi32, #tpu.memory_space<vmem>>
        %dma_start3A_340 = arith.constant 0 : i32
        %dma_start3A_341 = arith.constant 0 : i32
        %dma_start3A_342 = tpu.memref_slice %arg9[%dma_start3A_340, %dma_start3A_341] : memref<10240x128xf32, #tpu.memory_space<vmem_shared>> -> memref<10240x128xf32, #tpu.memory_space<vmem_shared>>
        tpu.enqueue_indirect_dma source(%dma_start3A_336 : memref<128x128xf32, #tpu.memory_space<vmem>>) target(%dma_start3A_342 : memref<10240x128xf32, #tpu.memory_space<vmem_shared>>) offsets(%dma_start3A_339 : memref<128xi32, #tpu.memory_space<vmem>>) semaphore(%run_scoped3A_332 : memref<!tpu.dma_semaphore, #tpu.memory_space<semaphore_mem>>) {add = true}
        %dma_wait3A_343 = arith.constant 0 : i32
        %dma_wait3A_344 = arith.constant 0 : i32
        %dma_wait3A_345 = tpu.memref_slice %arg8[%run_scoped3A_307, %dma_wait3A_343, %dma_wait3A_344] : memref<2x128x128xf32, #tpu.memory_space<vmem>> -> memref<1x128x128xf32, #tpu.memory_space<vmem>>
        %dma_wait3A_346 = tpu.memref_squeeze %dma_wait3A_345 : memref<1x128x128xf32, #tpu.memory_space<vmem>> -> memref<128x128xf32, #tpu.memory_space<vmem>>
        %dma_wait3A_347 = arith.constant 0 : i32
        %dma_wait3A_348 = tpu.memref_slice %arg7[%add3A_284, %dma_wait3A_347] : memref<40x128xi32, #tpu.memory_space<vmem>> -> memref<1x128xi32, #tpu.memory_space<vmem>>
        %dma_wait3A_349 = tpu.memref_squeeze %dma_wait3A_348 : memref<1x128xi32, #tpu.memory_space<vmem>> -> memref<128xi32, #tpu.memory_space<vmem>>
        %dma_wait3A_350 = arith.constant 0 : i32
        %dma_wait3A_351 = arith.constant 0 : i32
        %dma_wait3A_352 = tpu.memref_slice %arg9[%dma_wait3A_350, %dma_wait3A_351] : memref<10240x128xf32, #tpu.memory_space<vmem_shared>> -> memref<10240x128xf32, #tpu.memory_space<vmem_shared>>
        tpu.wait_indirect_dma semaphore(%run_scoped3A_332 : memref<!tpu.dma_semaphore, #tpu.memory_space<semaphore_mem>>) src(%dma_wait3A_346 : memref<128x128xf32, #tpu.memory_space<vmem>>) dst(%dma_wait3A_352 : memref<10240x128xf32, #tpu.memory_space<vmem_shared>>)
        tpu.yield
      }) : () -> ()
      %add3A_308 = arith.constant 2 : i32
      %add3A_309 = arith.addi %add3A_284, %add3A_308 : i32
      %dma_start3A_310 = arith.constant 1 : i32
      %dma_start3A_311 = arith.constant 0 : i32
      %dma_start3A_312 = arith.constant 0 : i32
      %dma_start3A_313 = tpu.memref_slice %arg8[%dma_start3A_310, %dma_start3A_311, %dma_start3A_312] : memref<2x128x128xf32, #tpu.memory_space<vmem>> -> memref<1x64x128xf32, #tpu.memory_space<vmem>>
      %dma_start3A_314 = tpu.memref_squeeze %dma_start3A_313 : memref<1x64x128xf32, #tpu.memory_space<vmem>> -> memref<64x128xf32, #tpu.memory_space<vmem>>
      %dma_start3A_315 = arith.constant 0 : i32
      %dma_start3A_316 = tpu.memref_slice %arg6[%add3A_309, %dma_start3A_315] : memref<40x128xi32, #tpu.memory_space<vmem>> -> memref<1x64xi32, #tpu.memory_space<vmem>>
      %dma_start3A_317 = tpu.memref_squeeze %dma_start3A_316 : memref<1x64xi32, #tpu.memory_space<vmem>> -> memref<64xi32, #tpu.memory_space<vmem>>
      %dma_start3A_318 = arith.constant 0 : i32
      %dma_start3A_319 = arith.constant 0 : i32
      %dma_start3A_320 = tpu.memref_slice %arg2[%dma_start3A_318, %dma_start3A_319] : memref<10240x128xf32, #tpu.memory_space<hbm>> -> memref<10240x128xf32, #tpu.memory_space<hbm>>
      tpu.enqueue_indirect_dma source(%dma_start3A_320 : memref<10240x128xf32, #tpu.memory_space<hbm>>) target(%dma_start3A_314 : memref<64x128xf32, #tpu.memory_space<vmem>>) offsets(%dma_start3A_317 : memref<64xi32, #tpu.memory_space<vmem>>) semaphore(%arg11 : memref<!tpu.dma_semaphore, #tpu.memory_space<semaphore_mem>>)
      %dma_start3A_321 = arith.constant 1 : i32
      %dma_start3A_322 = arith.constant 64 : i32
      %dma_start3A_323 = arith.constant 0 : i32
      %dma_start3A_324 = tpu.memref_slice %arg8[%dma_start3A_321, %dma_start3A_322, %dma_start3A_323] : memref<2x128x128xf32, #tpu.memory_space<vmem>> -> memref<1x64x128xf32, #tpu.memory_space<vmem>>
      %dma_start3A_325 = tpu.memref_squeeze %dma_start3A_324 : memref<1x64x128xf32, #tpu.memory_space<vmem>> -> memref<64x128xf32, #tpu.memory_space<vmem>>
      %dma_start3A_326 = arith.constant 64 : i32
      %dma_start3A_327 = tpu.memref_slice %arg6[%add3A_309, %dma_start3A_326] : memref<40x128xi32, #tpu.memory_space<vmem>> -> memref<1x64xi32, #tpu.memory_space<vmem>>
      %dma_start3A_328 = tpu.memref_squeeze %dma_start3A_327 : memref<1x64xi32, #tpu.memory_space<vmem>> -> memref<64xi32, #tpu.memory_space<vmem>>
      %dma_start3A_329 = arith.constant 0 : i32
      %dma_start3A_330 = arith.constant 0 : i32
      %dma_start3A_331 = tpu.memref_slice %arg2[%dma_start3A_329, %dma_start3A_330] : memref<10240x128xf32, #tpu.memory_space<hbm>> -> memref<10240x128xf32, #tpu.memory_space<hbm>>
      tpu.enqueue_indirect_dma source(%dma_start3A_331 : memref<10240x128xf32, #tpu.memory_space<hbm>>) target(%dma_start3A_325 : memref<64x128xf32, #tpu.memory_space<vmem>>) offsets(%dma_start3A_328 : memref<64xi32, #tpu.memory_space<vmem>>) semaphore(%arg11 : memref<!tpu.dma_semaphore, #tpu.memory_space<semaphore_mem>>)
    }
    %scan3A_62 = arith.constant 19 : i32
    %dma_wait3A = arith.constant 38 : i32
    %dma_wait3A_63 = arith.constant 0 : i32
    %dma_wait3A_64 = arith.constant 0 : i32
    %dma_wait3A_65 = arith.constant 0 : i32
    %dma_wait3A_66 = tpu.memref_slice %arg8[%dma_wait3A_63, %dma_wait3A_64, %dma_wait3A_65] : memref<2x128x128xf32, #tpu.memory_space<vmem>> -> memref<1x64x128xf32, #tpu.memory_space<vmem>>
    %dma_wait3A_67 = tpu.memref_squeeze %dma_wait3A_66 : memref<1x64x128xf32, #tpu.memory_space<vmem>> -> memref<64x128xf32, #tpu.memory_space<vmem>>
    %dma_wait3A_68 = arith.constant 0 : i32
    %dma_wait3A_69 = tpu.memref_slice %arg6[%dma_wait3A, %dma_wait3A_68] : memref<40x128xi32, #tpu.memory_space<vmem>> -> memref<1x64xi32, #tpu.memory_space<vmem>>
    %dma_wait3A_70 = tpu.memref_squeeze %dma_wait3A_69 : memref<1x64xi32, #tpu.memory_space<vmem>> -> memref<64xi32, #tpu.memory_space<vmem>>
    %dma_wait3A_71 = arith.constant 0 : i32
    %dma_wait3A_72 = arith.constant 0 : i32
    %dma_wait3A_73 = tpu.memref_slice %arg2[%dma_wait3A_71, %dma_wait3A_72] : memref<10240x128xf32, #tpu.memory_space<hbm>> -> memref<10240x128xf32, #tpu.memory_space<hbm>>
    tpu.wait_indirect_dma semaphore(%arg10 : memref<!tpu.dma_semaphore, #tpu.memory_space<semaphore_mem>>) src(%dma_wait3A_73 : memref<10240x128xf32, #tpu.memory_space<hbm>>) dst(%dma_wait3A_67 : memref<64x128xf32, #tpu.memory_space<vmem>>)
    %dma_wait3A_74 = arith.constant 38 : i32
    %dma_wait3A_75 = arith.constant 0 : i32
    %dma_wait3A_76 = arith.constant 64 : i32
    %dma_wait3A_77 = arith.constant 0 : i32
    %dma_wait3A_78 = tpu.memref_slice %arg8[%dma_wait3A_75, %dma_wait3A_76, %dma_wait3A_77] : memref<2x128x128xf32, #tpu.memory_space<vmem>> -> memref<1x64x128xf32, #tpu.memory_space<vmem>>
    %dma_wait3A_79 = tpu.memref_squeeze %dma_wait3A_78 : memref<1x64x128xf32, #tpu.memory_space<vmem>> -> memref<64x128xf32, #tpu.memory_space<vmem>>
    %dma_wait3A_80 = arith.constant 64 : i32
    %dma_wait3A_81 = tpu.memref_slice %arg6[%dma_wait3A_74, %dma_wait3A_80] : memref<40x128xi32, #tpu.memory_space<vmem>> -> memref<1x64xi32, #tpu.memory_space<vmem>>
    %dma_wait3A_82 = tpu.memref_squeeze %dma_wait3A_81 : memref<1x64xi32, #tpu.memory_space<vmem>> -> memref<64xi32, #tpu.memory_space<vmem>>
    %dma_wait3A_83 = arith.constant 0 : i32
    %dma_wait3A_84 = arith.constant 0 : i32
    %dma_wait3A_85 = tpu.memref_slice %arg2[%dma_wait3A_83, %dma_wait3A_84] : memref<10240x128xf32, #tpu.memory_space<hbm>> -> memref<10240x128xf32, #tpu.memory_space<hbm>>
    tpu.wait_indirect_dma semaphore(%arg10 : memref<!tpu.dma_semaphore, #tpu.memory_space<semaphore_mem>>) src(%dma_wait3A_85 : memref<10240x128xf32, #tpu.memory_space<hbm>>) dst(%dma_wait3A_79 : memref<64x128xf32, #tpu.memory_space<vmem>>)
    %run_scoped3A = arith.constant 0 : i32
    %run_scoped3A_86 = arith.constant 38 : i32
    "tpu.region"() ({
      %run_scoped3A_231 = tpu.sem_alloc : memref<!tpu.dma_semaphore, #tpu.memory_space<semaphore_mem>>
      %dma_start3A_232 = arith.constant 0 : i32
      %dma_start3A_233 = arith.constant 0 : i32
      %dma_start3A_234 = tpu.memref_slice %arg8[%run_scoped3A, %dma_start3A_232, %dma_start3A_233] : memref<2x128x128xf32, #tpu.memory_space<vmem>> -> memref<1x128x128xf32, #tpu.memory_space<vmem>>
      %dma_start3A_235 = tpu.memref_squeeze %dma_start3A_234 : memref<1x128x128xf32, #tpu.memory_space<vmem>> -> memref<128x128xf32, #tpu.memory_space<vmem>>
      %dma_start3A_236 = arith.constant 0 : i32
      %dma_start3A_237 = tpu.memref_slice %arg7[%run_scoped3A_86, %dma_start3A_236] : memref<40x128xi32, #tpu.memory_space<vmem>> -> memref<1x128xi32, #tpu.memory_space<vmem>>
      %dma_start3A_238 = tpu.memref_squeeze %dma_start3A_237 : memref<1x128xi32, #tpu.memory_space<vmem>> -> memref<128xi32, #tpu.memory_space<vmem>>
      %dma_start3A_239 = arith.constant 0 : i32
      %dma_start3A_240 = arith.constant 0 : i32
      %dma_start3A_241 = tpu.memref_slice %arg9[%dma_start3A_239, %dma_start3A_240] : memref<10240x128xf32, #tpu.memory_space<vmem_shared>> -> memref<10240x128xf32, #tpu.memory_space<vmem_shared>>
      tpu.enqueue_indirect_dma source(%dma_start3A_235 : memref<128x128xf32, #tpu.memory_space<vmem>>) target(%dma_start3A_241 : memref<10240x128xf32, #tpu.memory_space<vmem_shared>>) offsets(%dma_start3A_238 : memref<128xi32, #tpu.memory_space<vmem>>) semaphore(%run_scoped3A_231 : memref<!tpu.dma_semaphore, #tpu.memory_space<semaphore_mem>>) {add = true}
      %dma_wait3A_242 = arith.constant 0 : i32
      %dma_wait3A_243 = arith.constant 0 : i32
      %dma_wait3A_244 = tpu.memref_slice %arg8[%run_scoped3A, %dma_wait3A_242, %dma_wait3A_243] : memref<2x128x128xf32, #tpu.memory_space<vmem>> -> memref<1x128x128xf32, #tpu.memory_space<vmem>>
      %dma_wait3A_245 = tpu.memref_squeeze %dma_wait3A_244 : memref<1x128x128xf32, #tpu.memory_space<vmem>> -> memref<128x128xf32, #tpu.memory_space<vmem>>
      %dma_wait3A_246 = arith.constant 0 : i32
      %dma_wait3A_247 = tpu.memref_slice %arg7[%run_scoped3A_86, %dma_wait3A_246] : memref<40x128xi32, #tpu.memory_space<vmem>> -> memref<1x128xi32, #tpu.memory_space<vmem>>
      %dma_wait3A_248 = tpu.memref_squeeze %dma_wait3A_247 : memref<1x128xi32, #tpu.memory_space<vmem>> -> memref<128xi32, #tpu.memory_space<vmem>>
      %dma_wait3A_249 = arith.constant 0 : i32
      %dma_wait3A_250 = arith.constant 0 : i32
      %dma_wait3A_251 = tpu.memref_slice %arg9[%dma_wait3A_249, %dma_wait3A_250] : memref<10240x128xf32, #tpu.memory_space<vmem_shared>> -> memref<10240x128xf32, #tpu.memory_space<vmem_shared>>
      tpu.wait_indirect_dma semaphore(%run_scoped3A_231 : memref<!tpu.dma_semaphore, #tpu.memory_space<semaphore_mem>>) src(%dma_wait3A_245 : memref<128x128xf32, #tpu.memory_space<vmem>>) dst(%dma_wait3A_251 : memref<10240x128xf32, #tpu.memory_space<vmem_shared>>)
      tpu.yield
    }) : () -> ()
    %dma_wait3A_87 = arith.constant 39 : i32
    %dma_wait3A_88 = arith.constant 1 : i32
    %dma_wait3A_89 = arith.constant 0 : i32
    %dma_wait3A_90 = arith.constant 0 : i32
    %dma_wait3A_91 = tpu.memref_slice %arg8[%dma_wait3A_88, %dma_wait3A_89, %dma_wait3A_90] : memref<2x128x128xf32, #tpu.memory_space<vmem>> -> memref<1x64x128xf32, #tpu.memory_space<vmem>>
    %dma_wait3A_92 = tpu.memref_squeeze %dma_wait3A_91 : memref<1x64x128xf32, #tpu.memory_space<vmem>> -> memref<64x128xf32, #tpu.memory_space<vmem>>
    %dma_wait3A_93 = arith.constant 0 : i32
    %dma_wait3A_94 = tpu.memref_slice %arg6[%dma_wait3A_87, %dma_wait3A_93] : memref<40x128xi32, #tpu.memory_space<vmem>> -> memref<1x64xi32, #tpu.memory_space<vmem>>
    %dma_wait3A_95 = tpu.memref_squeeze %dma_wait3A_94 : memref<1x64xi32, #tpu.memory_space<vmem>> -> memref<64xi32, #tpu.memory_space<vmem>>
    %dma_wait3A_96 = arith.constant 0 : i32
    %dma_wait3A_97 = arith.constant 0 : i32
    %dma_wait3A_98 = tpu.memref_slice %arg2[%dma_wait3A_96, %dma_wait3A_97] : memref<10240x128xf32, #tpu.memory_space<hbm>> -> memref<10240x128xf32, #tpu.memory_space<hbm>>
    tpu.wait_indirect_dma semaphore(%arg11 : memref<!tpu.dma_semaphore, #tpu.memory_space<semaphore_mem>>) src(%dma_wait3A_98 : memref<10240x128xf32, #tpu.memory_space<hbm>>) dst(%dma_wait3A_92 : memref<64x128xf32, #tpu.memory_space<vmem>>)
    %dma_wait3A_99 = arith.constant 39 : i32
    %dma_wait3A_100 = arith.constant 1 : i32
    %dma_wait3A_101 = arith.constant 64 : i32
    %dma_wait3A_102 = arith.constant 0 : i32
    %dma_wait3A_103 = tpu.memref_slice %arg8[%dma_wait3A_100, %dma_wait3A_101, %dma_wait3A_102] : memref<2x128x128xf32, #tpu.memory_space<vmem>> -> memref<1x64x128xf32, #tpu.memory_space<vmem>>
    %dma_wait3A_104 = tpu.memref_squeeze %dma_wait3A_103 : memref<1x64x128xf32, #tpu.memory_space<vmem>> -> memref<64x128xf32, #tpu.memory_space<vmem>>
    %dma_wait3A_105 = arith.constant 64 : i32
    %dma_wait3A_106 = tpu.memref_slice %arg6[%dma_wait3A_99, %dma_wait3A_105] : memref<40x128xi32, #tpu.memory_space<vmem>> -> memref<1x64xi32, #tpu.memory_space<vmem>>
    %dma_wait3A_107 = tpu.memref_squeeze %dma_wait3A_106 : memref<1x64xi32, #tpu.memory_space<vmem>> -> memref<64xi32, #tpu.memory_space<vmem>>
    %dma_wait3A_108 = arith.constant 0 : i32
    %dma_wait3A_109 = arith.constant 0 : i32
    %dma_wait3A_110 = tpu.memref_slice %arg2[%dma_wait3A_108, %dma_wait3A_109] : memref<10240x128xf32, #tpu.memory_space<hbm>> -> memref<10240x128xf32, #tpu.memory_space<hbm>>
    tpu.wait_indirect_dma semaphore(%arg11 : memref<!tpu.dma_semaphore, #tpu.memory_space<semaphore_mem>>) src(%dma_wait3A_110 : memref<10240x128xf32, #tpu.memory_space<hbm>>) dst(%dma_wait3A_104 : memref<64x128xf32, #tpu.memory_space<vmem>>)
    %run_scoped3A_111 = arith.constant 1 : i32
    %run_scoped3A_112 = arith.constant 39 : i32
    "tpu.region"() ({
      %run_scoped3A_231 = tpu.sem_alloc : memref<!tpu.dma_semaphore, #tpu.memory_space<semaphore_mem>>
      %dma_start3A_232 = arith.constant 0 : i32
      %dma_start3A_233 = arith.constant 0 : i32
      %dma_start3A_234 = tpu.memref_slice %arg8[%run_scoped3A_111, %dma_start3A_232, %dma_start3A_233] : memref<2x128x128xf32, #tpu.memory_space<vmem>> -> memref<1x128x128xf32, #tpu.memory_space<vmem>>
      %dma_start3A_235 = tpu.memref_squeeze %dma_start3A_234 : memref<1x128x128xf32, #tpu.memory_space<vmem>> -> memref<128x128xf32, #tpu.memory_space<vmem>>
      %dma_start3A_236 = arith.constant 0 : i32
      %dma_start3A_237 = tpu.memref_slice %arg7[%run_scoped3A_112, %dma_start3A_236] : memref<40x128xi32, #tpu.memory_space<vmem>> -> memref<1x128xi32, #tpu.memory_space<vmem>>
      %dma_start3A_238 = tpu.memref_squeeze %dma_start3A_237 : memref<1x128xi32, #tpu.memory_space<vmem>> -> memref<128xi32, #tpu.memory_space<vmem>>
      %dma_start3A_239 = arith.constant 0 : i32
      %dma_start3A_240 = arith.constant 0 : i32
      %dma_start3A_241 = tpu.memref_slice %arg9[%dma_start3A_239, %dma_start3A_240] : memref<10240x128xf32, #tpu.memory_space<vmem_shared>> -> memref<10240x128xf32, #tpu.memory_space<vmem_shared>>
      tpu.enqueue_indirect_dma source(%dma_start3A_235 : memref<128x128xf32, #tpu.memory_space<vmem>>) target(%dma_start3A_241 : memref<10240x128xf32, #tpu.memory_space<vmem_shared>>) offsets(%dma_start3A_238 : memref<128xi32, #tpu.memory_space<vmem>>) semaphore(%run_scoped3A_231 : memref<!tpu.dma_semaphore, #tpu.memory_space<semaphore_mem>>) {add = true}
      %dma_wait3A_242 = arith.constant 0 : i32
      %dma_wait3A_243 = arith.constant 0 : i32
      %dma_wait3A_244 = tpu.memref_slice %arg8[%run_scoped3A_111, %dma_wait3A_242, %dma_wait3A_243] : memref<2x128x128xf32, #tpu.memory_space<vmem>> -> memref<1x128x128xf32, #tpu.memory_space<vmem>>
      %dma_wait3A_245 = tpu.memref_squeeze %dma_wait3A_244 : memref<1x128x128xf32, #tpu.memory_space<vmem>> -> memref<128x128xf32, #tpu.memory_space<vmem>>
      %dma_wait3A_246 = arith.constant 0 : i32
      %dma_wait3A_247 = tpu.memref_slice %arg7[%run_scoped3A_112, %dma_wait3A_246] : memref<40x128xi32, #tpu.memory_space<vmem>> -> memref<1x128xi32, #tpu.memory_space<vmem>>
      %dma_wait3A_248 = tpu.memref_squeeze %dma_wait3A_247 : memref<1x128xi32, #tpu.memory_space<vmem>> -> memref<128xi32, #tpu.memory_space<vmem>>
      %dma_wait3A_249 = arith.constant 0 : i32
      %dma_wait3A_250 = arith.constant 0 : i32
      %dma_wait3A_251 = tpu.memref_slice %arg9[%dma_wait3A_249, %dma_wait3A_250] : memref<10240x128xf32, #tpu.memory_space<vmem_shared>> -> memref<10240x128xf32, #tpu.memory_space<vmem_shared>>
      tpu.wait_indirect_dma semaphore(%run_scoped3A_231 : memref<!tpu.dma_semaphore, #tpu.memory_space<semaphore_mem>>) src(%dma_wait3A_245 : memref<128x128xf32, #tpu.memory_space<vmem>>) dst(%dma_wait3A_251 : memref<10240x128xf32, #tpu.memory_space<vmem_shared>>)
      tpu.yield
    }) : () -> ()
    %mul3A_113 = arith.constant 80 : i32
    %mul3A_114 = arith.muli %add3A, %mul3A_113 : i32
    %add3A_115 = arith.constant 40 : i32
    %add3A_116 = arith.addi %mul3A_114, %add3A_115 : i32
    "tpu.region"() ({
      %run_scoped3A_231 = tpu.sem_alloc : memref<!tpu.dma_semaphore, #tpu.memory_space<semaphore_mem>>
      %dma_start3A_232 = arith.constant 0 : i32
      %dma_start3A_233 = tpu.memref_slice %arg3[%add3A_116, %dma_start3A_232] : memref<2560x128xi32, #tpu.memory_space<hbm>> -> memref<40x128xi32, #tpu.memory_space<hbm>>
      %dma_start3A_234 = arith.constant 0 : i32
      %dma_start3A_235 = tpu.memref_slice %arg3[%add3A_116, %dma_start3A_234] : memref<2560x128xi32, #tpu.memory_space<hbm>> -> memref<40x128xi32, #tpu.memory_space<hbm>>
      tpu.enqueue_dma source(%dma_start3A_235 : memref<40x128xi32, #tpu.memory_space<hbm>>) target(%arg6 : memref<40x128xi32, #tpu.memory_space<vmem>>) target_semaphore(%run_scoped3A_231 : memref<!tpu.dma_semaphore, #tpu.memory_space<semaphore_mem>>)
      %dma_wait3A_236 = arith.constant 0 : i32
      %dma_wait3A_237 = tpu.memref_slice %arg3[%add3A_116, %dma_wait3A_236] : memref<2560x128xi32, #tpu.memory_space<hbm>> -> memref<40x128xi32, #tpu.memory_space<hbm>>
      %dma_wait3A_238 = arith.constant 0 : i32
      %dma_wait3A_239 = tpu.memref_slice %arg3[%add3A_116, %dma_wait3A_238] : memref<2560x128xi32, #tpu.memory_space<hbm>> -> memref<40x128xi32, #tpu.memory_space<hbm>>
      tpu.wait_dma2 semaphore(%run_scoped3A_231 : memref<!tpu.dma_semaphore, #tpu.memory_space<semaphore_mem>>) src(%dma_wait3A_239 : memref<40x128xi32, #tpu.memory_space<hbm>>) dst(%arg6 : memref<40x128xi32, #tpu.memory_space<vmem>>)
      tpu.yield
    }) : () -> ()
    %mul3A_117 = arith.constant 80 : i32
    %mul3A_118 = arith.muli %add3A, %mul3A_117 : i32
    %add3A_119 = arith.constant 40 : i32
    %add3A_120 = arith.addi %mul3A_118, %add3A_119 : i32
    "tpu.region"() ({
      %run_scoped3A_231 = tpu.sem_alloc : memref<!tpu.dma_semaphore, #tpu.memory_space<semaphore_mem>>
      %dma_start3A_232 = arith.constant 0 : i32
      %dma_start3A_233 = tpu.memref_slice %arg4[%add3A_120, %dma_start3A_232] : memref<2560x128xi32, #tpu.memory_space<hbm>> -> memref<40x128xi32, #tpu.memory_space<hbm>>
      %dma_start3A_234 = arith.constant 0 : i32
      %dma_start3A_235 = tpu.memref_slice %arg4[%add3A_120, %dma_start3A_234] : memref<2560x128xi32, #tpu.memory_space<hbm>> -> memref<40x128xi32, #tpu.memory_space<hbm>>
      tpu.enqueue_dma source(%dma_start3A_235 : memref<40x128xi32, #tpu.memory_space<hbm>>) target(%arg7 : memref<40x128xi32, #tpu.memory_space<vmem>>) target_semaphore(%run_scoped3A_231 : memref<!tpu.dma_semaphore, #tpu.memory_space<semaphore_mem>>)
      %dma_wait3A_236 = arith.constant 0 : i32
      %dma_wait3A_237 = tpu.memref_slice %arg4[%add3A_120, %dma_wait3A_236] : memref<2560x128xi32, #tpu.memory_space<hbm>> -> memref<40x128xi32, #tpu.memory_space<hbm>>
      %dma_wait3A_238 = arith.constant 0 : i32
      %dma_wait3A_239 = tpu.memref_slice %arg4[%add3A_120, %dma_wait3A_238] : memref<2560x128xi32, #tpu.memory_space<hbm>> -> memref<40x128xi32, #tpu.memory_space<hbm>>
      tpu.wait_dma2 semaphore(%run_scoped3A_231 : memref<!tpu.dma_semaphore, #tpu.memory_space<semaphore_mem>>) src(%dma_wait3A_239 : memref<40x128xi32, #tpu.memory_space<hbm>>) dst(%arg7 : memref<40x128xi32, #tpu.memory_space<vmem>>)
      tpu.yield
    }) : () -> ()
    %dma_start3A_121 = arith.constant 0 : i32
    %dma_start3A_122 = arith.constant 0 : i32
    %dma_start3A_123 = arith.constant 0 : i32
    %dma_start3A_124 = arith.constant 0 : i32
    %dma_start3A_125 = tpu.memref_slice %arg8[%dma_start3A_122, %dma_start3A_123, %dma_start3A_124] : memref<2x128x128xf32, #tpu.memory_space<vmem>> -> memref<1x64x128xf32, #tpu.memory_space<vmem>>
    %dma_start3A_126 = tpu.memref_squeeze %dma_start3A_125 : memref<1x64x128xf32, #tpu.memory_space<vmem>> -> memref<64x128xf32, #tpu.memory_space<vmem>>
    %dma_start3A_127 = arith.constant 0 : i32
    %dma_start3A_128 = tpu.memref_slice %arg6[%dma_start3A_121, %dma_start3A_127] : memref<40x128xi32, #tpu.memory_space<vmem>> -> memref<1x64xi32, #tpu.memory_space<vmem>>
    %dma_start3A_129 = tpu.memref_squeeze %dma_start3A_128 : memref<1x64xi32, #tpu.memory_space<vmem>> -> memref<64xi32, #tpu.memory_space<vmem>>
    %dma_start3A_130 = arith.constant 0 : i32
    %dma_start3A_131 = arith.constant 0 : i32
    %dma_start3A_132 = tpu.memref_slice %arg2[%dma_start3A_130, %dma_start3A_131] : memref<10240x128xf32, #tpu.memory_space<hbm>> -> memref<10240x128xf32, #tpu.memory_space<hbm>>
    tpu.enqueue_indirect_dma source(%dma_start3A_132 : memref<10240x128xf32, #tpu.memory_space<hbm>>) target(%dma_start3A_126 : memref<64x128xf32, #tpu.memory_space<vmem>>) offsets(%dma_start3A_129 : memref<64xi32, #tpu.memory_space<vmem>>) semaphore(%arg10 : memref<!tpu.dma_semaphore, #tpu.memory_space<semaphore_mem>>)
    %dma_start3A_133 = arith.constant 0 : i32
    %dma_start3A_134 = arith.constant 0 : i32
    %dma_start3A_135 = arith.constant 64 : i32
    %dma_start3A_136 = arith.constant 0 : i32
    %dma_start3A_137 = tpu.memref_slice %arg8[%dma_start3A_134, %dma_start3A_135, %dma_start3A_136] : memref<2x128x128xf32, #tpu.memory_space<vmem>> -> memref<1x64x128xf32, #tpu.memory_space<vmem>>
    %dma_start3A_138 = tpu.memref_squeeze %dma_start3A_137 : memref<1x64x128xf32, #tpu.memory_space<vmem>> -> memref<64x128xf32, #tpu.memory_space<vmem>>
    %dma_start3A_139 = arith.constant 64 : i32
    %dma_start3A_140 = tpu.memref_slice %arg6[%dma_start3A_133, %dma_start3A_139] : memref<40x128xi32, #tpu.memory_space<vmem>> -> memref<1x64xi32, #tpu.memory_space<vmem>>
    %dma_start3A_141 = tpu.memref_squeeze %dma_start3A_140 : memref<1x64xi32, #tpu.memory_space<vmem>> -> memref<64xi32, #tpu.memory_space<vmem>>
    %dma_start3A_142 = arith.constant 0 : i32
    %dma_start3A_143 = arith.constant 0 : i32
    %dma_start3A_144 = tpu.memref_slice %arg2[%dma_start3A_142, %dma_start3A_143] : memref<10240x128xf32, #tpu.memory_space<hbm>> -> memref<10240x128xf32, #tpu.memory_space<hbm>>
    tpu.enqueue_indirect_dma source(%dma_start3A_144 : memref<10240x128xf32, #tpu.memory_space<hbm>>) target(%dma_start3A_138 : memref<64x128xf32, #tpu.memory_space<vmem>>) offsets(%dma_start3A_141 : memref<64xi32, #tpu.memory_space<vmem>>) semaphore(%arg10 : memref<!tpu.dma_semaphore, #tpu.memory_space<semaphore_mem>>)
    %dma_start3A_145 = arith.constant 1 : i32
    %dma_start3A_146 = arith.constant 1 : i32
    %dma_start3A_147 = arith.constant 0 : i32
    %dma_start3A_148 = arith.constant 0 : i32
    %dma_start3A_149 = tpu.memref_slice %arg8[%dma_start3A_146, %dma_start3A_147, %dma_start3A_148] : memref<2x128x128xf32, #tpu.memory_space<vmem>> -> memref<1x64x128xf32, #tpu.memory_space<vmem>>
    %dma_start3A_150 = tpu.memref_squeeze %dma_start3A_149 : memref<1x64x128xf32, #tpu.memory_space<vmem>> -> memref<64x128xf32, #tpu.memory_space<vmem>>
    %dma_start3A_151 = arith.constant 0 : i32
    %dma_start3A_152 = tpu.memref_slice %arg6[%dma_start3A_145, %dma_start3A_151] : memref<40x128xi32, #tpu.memory_space<vmem>> -> memref<1x64xi32, #tpu.memory_space<vmem>>
    %dma_start3A_153 = tpu.memref_squeeze %dma_start3A_152 : memref<1x64xi32, #tpu.memory_space<vmem>> -> memref<64xi32, #tpu.memory_space<vmem>>
    %dma_start3A_154 = arith.constant 0 : i32
    %dma_start3A_155 = arith.constant 0 : i32
    %dma_start3A_156 = tpu.memref_slice %arg2[%dma_start3A_154, %dma_start3A_155] : memref<10240x128xf32, #tpu.memory_space<hbm>> -> memref<10240x128xf32, #tpu.memory_space<hbm>>
    tpu.enqueue_indirect_dma source(%dma_start3A_156 : memref<10240x128xf32, #tpu.memory_space<hbm>>) target(%dma_start3A_150 : memref<64x128xf32, #tpu.memory_space<vmem>>) offsets(%dma_start3A_153 : memref<64xi32, #tpu.memory_space<vmem>>) semaphore(%arg11 : memref<!tpu.dma_semaphore, #tpu.memory_space<semaphore_mem>>)
    %dma_start3A_157 = arith.constant 1 : i32
    %dma_start3A_158 = arith.constant 1 : i32
    %dma_start3A_159 = arith.constant 64 : i32
    %dma_start3A_160 = arith.constant 0 : i32
    %dma_start3A_161 = tpu.memref_slice %arg8[%dma_start3A_158, %dma_start3A_159, %dma_start3A_160] : memref<2x128x128xf32, #tpu.memory_space<vmem>> -> memref<1x64x128xf32, #tpu.memory_space<vmem>>
    %dma_start3A_162 = tpu.memref_squeeze %dma_start3A_161 : memref<1x64x128xf32, #tpu.memory_space<vmem>> -> memref<64x128xf32, #tpu.memory_space<vmem>>
    %dma_start3A_163 = arith.constant 64 : i32
    %dma_start3A_164 = tpu.memref_slice %arg6[%dma_start3A_157, %dma_start3A_163] : memref<40x128xi32, #tpu.memory_space<vmem>> -> memref<1x64xi32, #tpu.memory_space<vmem>>
    %dma_start3A_165 = tpu.memref_squeeze %dma_start3A_164 : memref<1x64xi32, #tpu.memory_space<vmem>> -> memref<64xi32, #tpu.memory_space<vmem>>
    %dma_start3A_166 = arith.constant 0 : i32
    %dma_start3A_167 = arith.constant 0 : i32
    %dma_start3A_168 = tpu.memref_slice %arg2[%dma_start3A_166, %dma_start3A_167] : memref<10240x128xf32, #tpu.memory_space<hbm>> -> memref<10240x128xf32, #tpu.memory_space<hbm>>
    tpu.enqueue_indirect_dma source(%dma_start3A_168 : memref<10240x128xf32, #tpu.memory_space<hbm>>) target(%dma_start3A_162 : memref<64x128xf32, #tpu.memory_space<vmem>>) offsets(%dma_start3A_165 : memref<64xi32, #tpu.memory_space<vmem>>) semaphore(%arg11 : memref<!tpu.dma_semaphore, #tpu.memory_space<semaphore_mem>>)
    %scan3A_169 = arith.constant 0 : i32
    %scan3A_170 = arith.constant 0 : i32
    %scan3A_171 = arith.constant 19 : i32
    %scan3A_172 = arith.addi %scan3A_170, %scan3A_171 : i32
    %scan3A_173 = arith.constant 1 : i32
    scf.for %scan3A_231 = %scan3A_170 to %scan3A_172 step %scan3A_173  : i32 {
      %mul3A_232 = arith.constant 2 : i32
      %mul3A_233 = arith.muli %scan3A_231, %mul3A_232 : i32
      %add3A_234 = arith.constant 0 : i32
      %add3A_235 = arith.addi %mul3A_233, %add3A_234 : i32
      %dma_wait3A_236 = arith.constant 0 : i32
      %dma_wait3A_237 = arith.constant 0 : i32
      %dma_wait3A_238 = arith.constant 0 : i32
      %dma_wait3A_239 = tpu.memref_slice %arg8[%dma_wait3A_236, %dma_wait3A_237, %dma_wait3A_238] : memref<2x128x128xf32, #tpu.memory_space<vmem>> -> memref<1x64x128xf32, #tpu.memory_space<vmem>>
      %dma_wait3A_240 = tpu.memref_squeeze %dma_wait3A_239 : memref<1x64x128xf32, #tpu.memory_space<vmem>> -> memref<64x128xf32, #tpu.memory_space<vmem>>
      %dma_wait3A_241 = arith.constant 0 : i32
      %dma_wait3A_242 = tpu.memref_slice %arg6[%add3A_235, %dma_wait3A_241] : memref<40x128xi32, #tpu.memory_space<vmem>> -> memref<1x64xi32, #tpu.memory_space<vmem>>
      %dma_wait3A_243 = tpu.memref_squeeze %dma_wait3A_242 : memref<1x64xi32, #tpu.memory_space<vmem>> -> memref<64xi32, #tpu.memory_space<vmem>>
      %dma_wait3A_244 = arith.constant 0 : i32
      %dma_wait3A_245 = arith.constant 0 : i32
      %dma_wait3A_246 = tpu.memref_slice %arg2[%dma_wait3A_244, %dma_wait3A_245] : memref<10240x128xf32, #tpu.memory_space<hbm>> -> memref<10240x128xf32, #tpu.memory_space<hbm>>
      tpu.wait_indirect_dma semaphore(%arg10 : memref<!tpu.dma_semaphore, #tpu.memory_space<semaphore_mem>>) src(%dma_wait3A_246 : memref<10240x128xf32, #tpu.memory_space<hbm>>) dst(%dma_wait3A_240 : memref<64x128xf32, #tpu.memory_space<vmem>>)
      %dma_wait3A_247 = arith.constant 0 : i32
      %dma_wait3A_248 = arith.constant 64 : i32
      %dma_wait3A_249 = arith.constant 0 : i32
      %dma_wait3A_250 = tpu.memref_slice %arg8[%dma_wait3A_247, %dma_wait3A_248, %dma_wait3A_249] : memref<2x128x128xf32, #tpu.memory_space<vmem>> -> memref<1x64x128xf32, #tpu.memory_space<vmem>>
      %dma_wait3A_251 = tpu.memref_squeeze %dma_wait3A_250 : memref<1x64x128xf32, #tpu.memory_space<vmem>> -> memref<64x128xf32, #tpu.memory_space<vmem>>
      %dma_wait3A_252 = arith.constant 64 : i32
      %dma_wait3A_253 = tpu.memref_slice %arg6[%add3A_235, %dma_wait3A_252] : memref<40x128xi32, #tpu.memory_space<vmem>> -> memref<1x64xi32, #tpu.memory_space<vmem>>
      %dma_wait3A_254 = tpu.memref_squeeze %dma_wait3A_253 : memref<1x64xi32, #tpu.memory_space<vmem>> -> memref<64xi32, #tpu.memory_space<vmem>>
      %dma_wait3A_255 = arith.constant 0 : i32
      %dma_wait3A_256 = arith.constant 0 : i32
      %dma_wait3A_257 = tpu.memref_slice %arg2[%dma_wait3A_255, %dma_wait3A_256] : memref<10240x128xf32, #tpu.memory_space<hbm>> -> memref<10240x128xf32, #tpu.memory_space<hbm>>
      tpu.wait_indirect_dma semaphore(%arg10 : memref<!tpu.dma_semaphore, #tpu.memory_space<semaphore_mem>>) src(%dma_wait3A_257 : memref<10240x128xf32, #tpu.memory_space<hbm>>) dst(%dma_wait3A_251 : memref<64x128xf32, #tpu.memory_space<vmem>>)
      %run_scoped3A_258 = arith.constant 0 : i32
      "tpu.region"() ({
        %run_scoped3A_332 = tpu.sem_alloc : memref<!tpu.dma_semaphore, #tpu.memory_space<semaphore_mem>>
        %dma_start3A_333 = arith.constant 0 : i32
        %dma_start3A_334 = arith.constant 0 : i32
        %dma_start3A_335 = tpu.memref_slice %arg8[%run_scoped3A_258, %dma_start3A_333, %dma_start3A_334] : memref<2x128x128xf32, #tpu.memory_space<vmem>> -> memref<1x128x128xf32, #tpu.memory_space<vmem>>
        %dma_start3A_336 = tpu.memref_squeeze %dma_start3A_335 : memref<1x128x128xf32, #tpu.memory_space<vmem>> -> memref<128x128xf32, #tpu.memory_space<vmem>>
        %dma_start3A_337 = arith.constant 0 : i32
        %dma_start3A_338 = tpu.memref_slice %arg7[%add3A_235, %dma_start3A_337] : memref<40x128xi32, #tpu.memory_space<vmem>> -> memref<1x128xi32, #tpu.memory_space<vmem>>
        %dma_start3A_339 = tpu.memref_squeeze %dma_start3A_338 : memref<1x128xi32, #tpu.memory_space<vmem>> -> memref<128xi32, #tpu.memory_space<vmem>>
        %dma_start3A_340 = arith.constant 0 : i32
        %dma_start3A_341 = arith.constant 0 : i32
        %dma_start3A_342 = tpu.memref_slice %arg9[%dma_start3A_340, %dma_start3A_341] : memref<10240x128xf32, #tpu.memory_space<vmem_shared>> -> memref<10240x128xf32, #tpu.memory_space<vmem_shared>>
        tpu.enqueue_indirect_dma source(%dma_start3A_336 : memref<128x128xf32, #tpu.memory_space<vmem>>) target(%dma_start3A_342 : memref<10240x128xf32, #tpu.memory_space<vmem_shared>>) offsets(%dma_start3A_339 : memref<128xi32, #tpu.memory_space<vmem>>) semaphore(%run_scoped3A_332 : memref<!tpu.dma_semaphore, #tpu.memory_space<semaphore_mem>>) {add = true}
        %dma_wait3A_343 = arith.constant 0 : i32
        %dma_wait3A_344 = arith.constant 0 : i32
        %dma_wait3A_345 = tpu.memref_slice %arg8[%run_scoped3A_258, %dma_wait3A_343, %dma_wait3A_344] : memref<2x128x128xf32, #tpu.memory_space<vmem>> -> memref<1x128x128xf32, #tpu.memory_space<vmem>>
        %dma_wait3A_346 = tpu.memref_squeeze %dma_wait3A_345 : memref<1x128x128xf32, #tpu.memory_space<vmem>> -> memref<128x128xf32, #tpu.memory_space<vmem>>
        %dma_wait3A_347 = arith.constant 0 : i32
        %dma_wait3A_348 = tpu.memref_slice %arg7[%add3A_235, %dma_wait3A_347] : memref<40x128xi32, #tpu.memory_space<vmem>> -> memref<1x128xi32, #tpu.memory_space<vmem>>
        %dma_wait3A_349 = tpu.memref_squeeze %dma_wait3A_348 : memref<1x128xi32, #tpu.memory_space<vmem>> -> memref<128xi32, #tpu.memory_space<vmem>>
        %dma_wait3A_350 = arith.constant 0 : i32
        %dma_wait3A_351 = arith.constant 0 : i32
        %dma_wait3A_352 = tpu.memref_slice %arg9[%dma_wait3A_350, %dma_wait3A_351] : memref<10240x128xf32, #tpu.memory_space<vmem_shared>> -> memref<10240x128xf32, #tpu.memory_space<vmem_shared>>
        tpu.wait_indirect_dma semaphore(%run_scoped3A_332 : memref<!tpu.dma_semaphore, #tpu.memory_space<semaphore_mem>>) src(%dma_wait3A_346 : memref<128x128xf32, #tpu.memory_space<vmem>>) dst(%dma_wait3A_352 : memref<10240x128xf32, #tpu.memory_space<vmem_shared>>)
        tpu.yield
      }) : () -> ()
      %add3A_259 = arith.constant 2 : i32
      %add3A_260 = arith.addi %add3A_235, %add3A_259 : i32
      %dma_start3A_261 = arith.constant 0 : i32
      %dma_start3A_262 = arith.constant 0 : i32
      %dma_start3A_263 = arith.constant 0 : i32
      %dma_start3A_264 = tpu.memref_slice %arg8[%dma_start3A_261, %dma_start3A_262, %dma_start3A_263] : memref<2x128x128xf32, #tpu.memory_space<vmem>> -> memref<1x64x128xf32, #tpu.memory_space<vmem>>
      %dma_start3A_265 = tpu.memref_squeeze %dma_start3A_264 : memref<1x64x128xf32, #tpu.memory_space<vmem>> -> memref<64x128xf32, #tpu.memory_space<vmem>>
      %dma_start3A_266 = arith.constant 0 : i32
      %dma_start3A_267 = tpu.memref_slice %arg6[%add3A_260, %dma_start3A_266] : memref<40x128xi32, #tpu.memory_space<vmem>> -> memref<1x64xi32, #tpu.memory_space<vmem>>
      %dma_start3A_268 = tpu.memref_squeeze %dma_start3A_267 : memref<1x64xi32, #tpu.memory_space<vmem>> -> memref<64xi32, #tpu.memory_space<vmem>>
      %dma_start3A_269 = arith.constant 0 : i32
      %dma_start3A_270 = arith.constant 0 : i32
      %dma_start3A_271 = tpu.memref_slice %arg2[%dma_start3A_269, %dma_start3A_270] : memref<10240x128xf32, #tpu.memory_space<hbm>> -> memref<10240x128xf32, #tpu.memory_space<hbm>>
      tpu.enqueue_indirect_dma source(%dma_start3A_271 : memref<10240x128xf32, #tpu.memory_space<hbm>>) target(%dma_start3A_265 : memref<64x128xf32, #tpu.memory_space<vmem>>) offsets(%dma_start3A_268 : memref<64xi32, #tpu.memory_space<vmem>>) semaphore(%arg10 : memref<!tpu.dma_semaphore, #tpu.memory_space<semaphore_mem>>)
      %dma_start3A_272 = arith.constant 0 : i32
      %dma_start3A_273 = arith.constant 64 : i32
      %dma_start3A_274 = arith.constant 0 : i32
      %dma_start3A_275 = tpu.memref_slice %arg8[%dma_start3A_272, %dma_start3A_273, %dma_start3A_274] : memref<2x128x128xf32, #tpu.memory_space<vmem>> -> memref<1x64x128xf32, #tpu.memory_space<vmem>>
      %dma_start3A_276 = tpu.memref_squeeze %dma_start3A_275 : memref<1x64x128xf32, #tpu.memory_space<vmem>> -> memref<64x128xf32, #tpu.memory_space<vmem>>
      %dma_start3A_277 = arith.constant 64 : i32
      %dma_start3A_278 = tpu.memref_slice %arg6[%add3A_260, %dma_start3A_277] : memref<40x128xi32, #tpu.memory_space<vmem>> -> memref<1x64xi32, #tpu.memory_space<vmem>>
      %dma_start3A_279 = tpu.memref_squeeze %dma_start3A_278 : memref<1x64xi32, #tpu.memory_space<vmem>> -> memref<64xi32, #tpu.memory_space<vmem>>
      %dma_start3A_280 = arith.constant 0 : i32
      %dma_start3A_281 = arith.constant 0 : i32
      %dma_start3A_282 = tpu.memref_slice %arg2[%dma_start3A_280, %dma_start3A_281] : memref<10240x128xf32, #tpu.memory_space<hbm>> -> memref<10240x128xf32, #tpu.memory_space<hbm>>
      tpu.enqueue_indirect_dma source(%dma_start3A_282 : memref<10240x128xf32, #tpu.memory_space<hbm>>) target(%dma_start3A_276 : memref<64x128xf32, #tpu.memory_space<vmem>>) offsets(%dma_start3A_279 : memref<64xi32, #tpu.memory_space<vmem>>) semaphore(%arg10 : memref<!tpu.dma_semaphore, #tpu.memory_space<semaphore_mem>>)
      %add3A_283 = arith.constant 1 : i32
      %add3A_284 = arith.addi %mul3A_233, %add3A_283 : i32
      %dma_wait3A_285 = arith.constant 1 : i32
      %dma_wait3A_286 = arith.constant 0 : i32
      %dma_wait3A_287 = arith.constant 0 : i32
      %dma_wait3A_288 = tpu.memref_slice %arg8[%dma_wait3A_285, %dma_wait3A_286, %dma_wait3A_287] : memref<2x128x128xf32, #tpu.memory_space<vmem>> -> memref<1x64x128xf32, #tpu.memory_space<vmem>>
      %dma_wait3A_289 = tpu.memref_squeeze %dma_wait3A_288 : memref<1x64x128xf32, #tpu.memory_space<vmem>> -> memref<64x128xf32, #tpu.memory_space<vmem>>
      %dma_wait3A_290 = arith.constant 0 : i32
      %dma_wait3A_291 = tpu.memref_slice %arg6[%add3A_284, %dma_wait3A_290] : memref<40x128xi32, #tpu.memory_space<vmem>> -> memref<1x64xi32, #tpu.memory_space<vmem>>
      %dma_wait3A_292 = tpu.memref_squeeze %dma_wait3A_291 : memref<1x64xi32, #tpu.memory_space<vmem>> -> memref<64xi32, #tpu.memory_space<vmem>>
      %dma_wait3A_293 = arith.constant 0 : i32
      %dma_wait3A_294 = arith.constant 0 : i32
      %dma_wait3A_295 = tpu.memref_slice %arg2[%dma_wait3A_293, %dma_wait3A_294] : memref<10240x128xf32, #tpu.memory_space<hbm>> -> memref<10240x128xf32, #tpu.memory_space<hbm>>
      tpu.wait_indirect_dma semaphore(%arg11 : memref<!tpu.dma_semaphore, #tpu.memory_space<semaphore_mem>>) src(%dma_wait3A_295 : memref<10240x128xf32, #tpu.memory_space<hbm>>) dst(%dma_wait3A_289 : memref<64x128xf32, #tpu.memory_space<vmem>>)
      %dma_wait3A_296 = arith.constant 1 : i32
      %dma_wait3A_297 = arith.constant 64 : i32
      %dma_wait3A_298 = arith.constant 0 : i32
      %dma_wait3A_299 = tpu.memref_slice %arg8[%dma_wait3A_296, %dma_wait3A_297, %dma_wait3A_298] : memref<2x128x128xf32, #tpu.memory_space<vmem>> -> memref<1x64x128xf32, #tpu.memory_space<vmem>>
      %dma_wait3A_300 = tpu.memref_squeeze %dma_wait3A_299 : memref<1x64x128xf32, #tpu.memory_space<vmem>> -> memref<64x128xf32, #tpu.memory_space<vmem>>
      %dma_wait3A_301 = arith.constant 64 : i32
      %dma_wait3A_302 = tpu.memref_slice %arg6[%add3A_284, %dma_wait3A_301] : memref<40x128xi32, #tpu.memory_space<vmem>> -> memref<1x64xi32, #tpu.memory_space<vmem>>
      %dma_wait3A_303 = tpu.memref_squeeze %dma_wait3A_302 : memref<1x64xi32, #tpu.memory_space<vmem>> -> memref<64xi32, #tpu.memory_space<vmem>>
      %dma_wait3A_304 = arith.constant 0 : i32
      %dma_wait3A_305 = arith.constant 0 : i32
      %dma_wait3A_306 = tpu.memref_slice %arg2[%dma_wait3A_304, %dma_wait3A_305] : memref<10240x128xf32, #tpu.memory_space<hbm>> -> memref<10240x128xf32, #tpu.memory_space<hbm>>
      tpu.wait_indirect_dma semaphore(%arg11 : memref<!tpu.dma_semaphore, #tpu.memory_space<semaphore_mem>>) src(%dma_wait3A_306 : memref<10240x128xf32, #tpu.memory_space<hbm>>) dst(%dma_wait3A_300 : memref<64x128xf32, #tpu.memory_space<vmem>>)
      %run_scoped3A_307 = arith.constant 1 : i32
      "tpu.region"() ({
        %run_scoped3A_332 = tpu.sem_alloc : memref<!tpu.dma_semaphore, #tpu.memory_space<semaphore_mem>>
        %dma_start3A_333 = arith.constant 0 : i32
        %dma_start3A_334 = arith.constant 0 : i32
        %dma_start3A_335 = tpu.memref_slice %arg8[%run_scoped3A_307, %dma_start3A_333, %dma_start3A_334] : memref<2x128x128xf32, #tpu.memory_space<vmem>> -> memref<1x128x128xf32, #tpu.memory_space<vmem>>
        %dma_start3A_336 = tpu.memref_squeeze %dma_start3A_335 : memref<1x128x128xf32, #tpu.memory_space<vmem>> -> memref<128x128xf32, #tpu.memory_space<vmem>>
        %dma_start3A_337 = arith.constant 0 : i32
        %dma_start3A_338 = tpu.memref_slice %arg7[%add3A_284, %dma_start3A_337] : memref<40x128xi32, #tpu.memory_space<vmem>> -> memref<1x128xi32, #tpu.memory_space<vmem>>
        %dma_start3A_339 = tpu.memref_squeeze %dma_start3A_338 : memref<1x128xi32, #tpu.memory_space<vmem>> -> memref<128xi32, #tpu.memory_space<vmem>>
        %dma_start3A_340 = arith.constant 0 : i32
        %dma_start3A_341 = arith.constant 0 : i32
        %dma_start3A_342 = tpu.memref_slice %arg9[%dma_start3A_340, %dma_start3A_341] : memref<10240x128xf32, #tpu.memory_space<vmem_shared>> -> memref<10240x128xf32, #tpu.memory_space<vmem_shared>>
        tpu.enqueue_indirect_dma source(%dma_start3A_336 : memref<128x128xf32, #tpu.memory_space<vmem>>) target(%dma_start3A_342 : memref<10240x128xf32, #tpu.memory_space<vmem_shared>>) offsets(%dma_start3A_339 : memref<128xi32, #tpu.memory_space<vmem>>) semaphore(%run_scoped3A_332 : memref<!tpu.dma_semaphore, #tpu.memory_space<semaphore_mem>>) {add = true}
        %dma_wait3A_343 = arith.constant 0 : i32
        %dma_wait3A_344 = arith.constant 0 : i32
        %dma_wait3A_345 = tpu.memref_slice %arg8[%run_scoped3A_307, %dma_wait3A_343, %dma_wait3A_344] : memref<2x128x128xf32, #tpu.memory_space<vmem>> -> memref<1x128x128xf32, #tpu.memory_space<vmem>>
        %dma_wait3A_346 = tpu.memref_squeeze %dma_wait3A_345 : memref<1x128x128xf32, #tpu.memory_space<vmem>> -> memref<128x128xf32, #tpu.memory_space<vmem>>
        %dma_wait3A_347 = arith.constant 0 : i32
        %dma_wait3A_348 = tpu.memref_slice %arg7[%add3A_284, %dma_wait3A_347] : memref<40x128xi32, #tpu.memory_space<vmem>> -> memref<1x128xi32, #tpu.memory_space<vmem>>
        %dma_wait3A_349 = tpu.memref_squeeze %dma_wait3A_348 : memref<1x128xi32, #tpu.memory_space<vmem>> -> memref<128xi32, #tpu.memory_space<vmem>>
        %dma_wait3A_350 = arith.constant 0 : i32
        %dma_wait3A_351 = arith.constant 0 : i32
        %dma_wait3A_352 = tpu.memref_slice %arg9[%dma_wait3A_350, %dma_wait3A_351] : memref<10240x128xf32, #tpu.memory_space<vmem_shared>> -> memref<10240x128xf32, #tpu.memory_space<vmem_shared>>
        tpu.wait_indirect_dma semaphore(%run_scoped3A_332 : memref<!tpu.dma_semaphore, #tpu.memory_space<semaphore_mem>>) src(%dma_wait3A_346 : memref<128x128xf32, #tpu.memory_space<vmem>>) dst(%dma_wait3A_352 : memref<10240x128xf32, #tpu.memory_space<vmem_shared>>)
        tpu.yield
      }) : () -> ()
      %add3A_308 = arith.constant 2 : i32
      %add3A_309 = arith.addi %add3A_284, %add3A_308 : i32
      %dma_start3A_310 = arith.constant 1 : i32
      %dma_start3A_311 = arith.constant 0 : i32
      %dma_start3A_312 = arith.constant 0 : i32
      %dma_start3A_313 = tpu.memref_slice %arg8[%dma_start3A_310, %dma_start3A_311, %dma_start3A_312] : memref<2x128x128xf32, #tpu.memory_space<vmem>> -> memref<1x64x128xf32, #tpu.memory_space<vmem>>
      %dma_start3A_314 = tpu.memref_squeeze %dma_start3A_313 : memref<1x64x128xf32, #tpu.memory_space<vmem>> -> memref<64x128xf32, #tpu.memory_space<vmem>>
      %dma_start3A_315 = arith.constant 0 : i32
      %dma_start3A_316 = tpu.memref_slice %arg6[%add3A_309, %dma_start3A_315] : memref<40x128xi32, #tpu.memory_space<vmem>> -> memref<1x64xi32, #tpu.memory_space<vmem>>
      %dma_start3A_317 = tpu.memref_squeeze %dma_start3A_316 : memref<1x64xi32, #tpu.memory_space<vmem>> -> memref<64xi32, #tpu.memory_space<vmem>>
      %dma_start3A_318 = arith.constant 0 : i32
      %dma_start3A_319 = arith.constant 0 : i32
      %dma_start3A_320 = tpu.memref_slice %arg2[%dma_start3A_318, %dma_start3A_319] : memref<10240x128xf32, #tpu.memory_space<hbm>> -> memref<10240x128xf32, #tpu.memory_space<hbm>>
      tpu.enqueue_indirect_dma source(%dma_start3A_320 : memref<10240x128xf32, #tpu.memory_space<hbm>>) target(%dma_start3A_314 : memref<64x128xf32, #tpu.memory_space<vmem>>) offsets(%dma_start3A_317 : memref<64xi32, #tpu.memory_space<vmem>>) semaphore(%arg11 : memref<!tpu.dma_semaphore, #tpu.memory_space<semaphore_mem>>)
      %dma_start3A_321 = arith.constant 1 : i32
      %dma_start3A_322 = arith.constant 64 : i32
      %dma_start3A_323 = arith.constant 0 : i32
      %dma_start3A_324 = tpu.memref_slice %arg8[%dma_start3A_321, %dma_start3A_322, %dma_start3A_323] : memref<2x128x128xf32, #tpu.memory_space<vmem>> -> memref<1x64x128xf32, #tpu.memory_space<vmem>>
      %dma_start3A_325 = tpu.memref_squeeze %dma_start3A_324 : memref<1x64x128xf32, #tpu.memory_space<vmem>> -> memref<64x128xf32, #tpu.memory_space<vmem>>
      %dma_start3A_326 = arith.constant 64 : i32
      %dma_start3A_327 = tpu.memref_slice %arg6[%add3A_309, %dma_start3A_326] : memref<40x128xi32, #tpu.memory_space<vmem>> -> memref<1x64xi32, #tpu.memory_space<vmem>>
      %dma_start3A_328 = tpu.memref_squeeze %dma_start3A_327 : memref<1x64xi32, #tpu.memory_space<vmem>> -> memref<64xi32, #tpu.memory_space<vmem>>
      %dma_start3A_329 = arith.constant 0 : i32
      %dma_start3A_330 = arith.constant 0 : i32
      %dma_start3A_331 = tpu.memref_slice %arg2[%dma_start3A_329, %dma_start3A_330] : memref<10240x128xf32, #tpu.memory_space<hbm>> -> memref<10240x128xf32, #tpu.memory_space<hbm>>
      tpu.enqueue_indirect_dma source(%dma_start3A_331 : memref<10240x128xf32, #tpu.memory_space<hbm>>) target(%dma_start3A_325 : memref<64x128xf32, #tpu.memory_space<vmem>>) offsets(%dma_start3A_328 : memref<64xi32, #tpu.memory_space<vmem>>) semaphore(%arg11 : memref<!tpu.dma_semaphore, #tpu.memory_space<semaphore_mem>>)
    }
    %scan3A_174 = arith.constant 19 : i32
    %dma_wait3A_175 = arith.constant 38 : i32
    %dma_wait3A_176 = arith.constant 0 : i32
    %dma_wait3A_177 = arith.constant 0 : i32
    %dma_wait3A_178 = arith.constant 0 : i32
    %dma_wait3A_179 = tpu.memref_slice %arg8[%dma_wait3A_176, %dma_wait3A_177, %dma_wait3A_178] : memref<2x128x128xf32, #tpu.memory_space<vmem>> -> memref<1x64x128xf32, #tpu.memory_space<vmem>>
    %dma_wait3A_180 = tpu.memref_squeeze %dma_wait3A_179 : memref<1x64x128xf32, #tpu.memory_space<vmem>> -> memref<64x128xf32, #tpu.memory_space<vmem>>
    %dma_wait3A_181 = arith.constant 0 : i32
    %dma_wait3A_182 = tpu.memref_slice %arg6[%dma_wait3A_175, %dma_wait3A_181] : memref<40x128xi32, #tpu.memory_space<vmem>> -> memref<1x64xi32, #tpu.memory_space<vmem>>
    %dma_wait3A_183 = tpu.memref_squeeze %dma_wait3A_182 : memref<1x64xi32, #tpu.memory_space<vmem>> -> memref<64xi32, #tpu.memory_space<vmem>>
    %dma_wait3A_184 = arith.constant 0 : i32
    %dma_wait3A_185 = arith.constant 0 : i32
    %dma_wait3A_186 = tpu.memref_slice %arg2[%dma_wait3A_184, %dma_wait3A_185] : memref<10240x128xf32, #tpu.memory_space<hbm>> -> memref<10240x128xf32, #tpu.memory_space<hbm>>
    tpu.wait_indirect_dma semaphore(%arg10 : memref<!tpu.dma_semaphore, #tpu.memory_space<semaphore_mem>>) src(%dma_wait3A_186 : memref<10240x128xf32, #tpu.memory_space<hbm>>) dst(%dma_wait3A_180 : memref<64x128xf32, #tpu.memory_space<vmem>>)
    %dma_wait3A_187 = arith.constant 38 : i32
    %dma_wait3A_188 = arith.constant 0 : i32
    %dma_wait3A_189 = arith.constant 64 : i32
    %dma_wait3A_190 = arith.constant 0 : i32
    %dma_wait3A_191 = tpu.memref_slice %arg8[%dma_wait3A_188, %dma_wait3A_189, %dma_wait3A_190] : memref<2x128x128xf32, #tpu.memory_space<vmem>> -> memref<1x64x128xf32, #tpu.memory_space<vmem>>
    %dma_wait3A_192 = tpu.memref_squeeze %dma_wait3A_191 : memref<1x64x128xf32, #tpu.memory_space<vmem>> -> memref<64x128xf32, #tpu.memory_space<vmem>>
    %dma_wait3A_193 = arith.constant 64 : i32
    %dma_wait3A_194 = tpu.memref_slice %arg6[%dma_wait3A_187, %dma_wait3A_193] : memref<40x128xi32, #tpu.memory_space<vmem>> -> memref<1x64xi32, #tpu.memory_space<vmem>>
    %dma_wait3A_195 = tpu.memref_squeeze %dma_wait3A_194 : memref<1x64xi32, #tpu.memory_space<vmem>> -> memref<64xi32, #tpu.memory_space<vmem>>
    %dma_wait3A_196 = arith.constant 0 : i32
    %dma_wait3A_197 = arith.constant 0 : i32
    %dma_wait3A_198 = tpu.memref_slice %arg2[%dma_wait3A_196, %dma_wait3A_197] : memref<10240x128xf32, #tpu.memory_space<hbm>> -> memref<10240x128xf32, #tpu.memory_space<hbm>>
    tpu.wait_indirect_dma semaphore(%arg10 : memref<!tpu.dma_semaphore, #tpu.memory_space<semaphore_mem>>) src(%dma_wait3A_198 : memref<10240x128xf32, #tpu.memory_space<hbm>>) dst(%dma_wait3A_192 : memref<64x128xf32, #tpu.memory_space<vmem>>)
    %run_scoped3A_199 = arith.constant 0 : i32
    %run_scoped3A_200 = arith.constant 38 : i32
    "tpu.region"() ({
      %run_scoped3A_231 = tpu.sem_alloc : memref<!tpu.dma_semaphore, #tpu.memory_space<semaphore_mem>>
      %dma_start3A_232 = arith.constant 0 : i32
      %dma_start3A_233 = arith.constant 0 : i32
      %dma_start3A_234 = tpu.memref_slice %arg8[%run_scoped3A_199, %dma_start3A_232, %dma_start3A_233] : memref<2x128x128xf32, #tpu.memory_space<vmem>> -> memref<1x128x128xf32, #tpu.memory_space<vmem>>
      %dma_start3A_235 = tpu.memref_squeeze %dma_start3A_234 : memref<1x128x128xf32, #tpu.memory_space<vmem>> -> memref<128x128xf32, #tpu.memory_space<vmem>>
      %dma_start3A_236 = arith.constant 0 : i32
      %dma_start3A_237 = tpu.memref_slice %arg7[%run_scoped3A_200, %dma_start3A_236] : memref<40x128xi32, #tpu.memory_space<vmem>> -> memref<1x128xi32, #tpu.memory_space<vmem>>
      %dma_start3A_238 = tpu.memref_squeeze %dma_start3A_237 : memref<1x128xi32, #tpu.memory_space<vmem>> -> memref<128xi32, #tpu.memory_space<vmem>>
      %dma_start3A_239 = arith.constant 0 : i32
      %dma_start3A_240 = arith.constant 0 : i32
      %dma_start3A_241 = tpu.memref_slice %arg9[%dma_start3A_239, %dma_start3A_240] : memref<10240x128xf32, #tpu.memory_space<vmem_shared>> -> memref<10240x128xf32, #tpu.memory_space<vmem_shared>>
      tpu.enqueue_indirect_dma source(%dma_start3A_235 : memref<128x128xf32, #tpu.memory_space<vmem>>) target(%dma_start3A_241 : memref<10240x128xf32, #tpu.memory_space<vmem_shared>>) offsets(%dma_start3A_238 : memref<128xi32, #tpu.memory_space<vmem>>) semaphore(%run_scoped3A_231 : memref<!tpu.dma_semaphore, #tpu.memory_space<semaphore_mem>>) {add = true}
      %dma_wait3A_242 = arith.constant 0 : i32
      %dma_wait3A_243 = arith.constant 0 : i32
      %dma_wait3A_244 = tpu.memref_slice %arg8[%run_scoped3A_199, %dma_wait3A_242, %dma_wait3A_243] : memref<2x128x128xf32, #tpu.memory_space<vmem>> -> memref<1x128x128xf32, #tpu.memory_space<vmem>>
      %dma_wait3A_245 = tpu.memref_squeeze %dma_wait3A_244 : memref<1x128x128xf32, #tpu.memory_space<vmem>> -> memref<128x128xf32, #tpu.memory_space<vmem>>
      %dma_wait3A_246 = arith.constant 0 : i32
      %dma_wait3A_247 = tpu.memref_slice %arg7[%run_scoped3A_200, %dma_wait3A_246] : memref<40x128xi32, #tpu.memory_space<vmem>> -> memref<1x128xi32, #tpu.memory_space<vmem>>
      %dma_wait3A_248 = tpu.memref_squeeze %dma_wait3A_247 : memref<1x128xi32, #tpu.memory_space<vmem>> -> memref<128xi32, #tpu.memory_space<vmem>>
      %dma_wait3A_249 = arith.constant 0 : i32
      %dma_wait3A_250 = arith.constant 0 : i32
      %dma_wait3A_251 = tpu.memref_slice %arg9[%dma_wait3A_249, %dma_wait3A_250] : memref<10240x128xf32, #tpu.memory_space<vmem_shared>> -> memref<10240x128xf32, #tpu.memory_space<vmem_shared>>
      tpu.wait_indirect_dma semaphore(%run_scoped3A_231 : memref<!tpu.dma_semaphore, #tpu.memory_space<semaphore_mem>>) src(%dma_wait3A_245 : memref<128x128xf32, #tpu.memory_space<vmem>>) dst(%dma_wait3A_251 : memref<10240x128xf32, #tpu.memory_space<vmem_shared>>)
      tpu.yield
    }) : () -> ()
    %dma_wait3A_201 = arith.constant 39 : i32
    %dma_wait3A_202 = arith.constant 1 : i32
    %dma_wait3A_203 = arith.constant 0 : i32
    %dma_wait3A_204 = arith.constant 0 : i32
    %dma_wait3A_205 = tpu.memref_slice %arg8[%dma_wait3A_202, %dma_wait3A_203, %dma_wait3A_204] : memref<2x128x128xf32, #tpu.memory_space<vmem>> -> memref<1x64x128xf32, #tpu.memory_space<vmem>>
    %dma_wait3A_206 = tpu.memref_squeeze %dma_wait3A_205 : memref<1x64x128xf32, #tpu.memory_space<vmem>> -> memref<64x128xf32, #tpu.memory_space<vmem>>
    %dma_wait3A_207 = arith.constant 0 : i32
    %dma_wait3A_208 = tpu.memref_slice %arg6[%dma_wait3A_201, %dma_wait3A_207] : memref<40x128xi32, #tpu.memory_space<vmem>> -> memref<1x64xi32, #tpu.memory_space<vmem>>
    %dma_wait3A_209 = tpu.memref_squeeze %dma_wait3A_208 : memref<1x64xi32, #tpu.memory_space<vmem>> -> memref<64xi32, #tpu.memory_space<vmem>>
    %dma_wait3A_210 = arith.constant 0 : i32
    %dma_wait3A_211 = arith.constant 0 : i32
    %dma_wait3A_212 = tpu.memref_slice %arg2[%dma_wait3A_210, %dma_wait3A_211] : memref<10240x128xf32, #tpu.memory_space<hbm>> -> memref<10240x128xf32, #tpu.memory_space<hbm>>
    tpu.wait_indirect_dma semaphore(%arg11 : memref<!tpu.dma_semaphore, #tpu.memory_space<semaphore_mem>>) src(%dma_wait3A_212 : memref<10240x128xf32, #tpu.memory_space<hbm>>) dst(%dma_wait3A_206 : memref<64x128xf32, #tpu.memory_space<vmem>>)
    %dma_wait3A_213 = arith.constant 39 : i32
    %dma_wait3A_214 = arith.constant 1 : i32
    %dma_wait3A_215 = arith.constant 64 : i32
    %dma_wait3A_216 = arith.constant 0 : i32
    %dma_wait3A_217 = tpu.memref_slice %arg8[%dma_wait3A_214, %dma_wait3A_215, %dma_wait3A_216] : memref<2x128x128xf32, #tpu.memory_space<vmem>> -> memref<1x64x128xf32, #tpu.memory_space<vmem>>
    %dma_wait3A_218 = tpu.memref_squeeze %dma_wait3A_217 : memref<1x64x128xf32, #tpu.memory_space<vmem>> -> memref<64x128xf32, #tpu.memory_space<vmem>>
    %dma_wait3A_219 = arith.constant 64 : i32
    %dma_wait3A_220 = tpu.memref_slice %arg6[%dma_wait3A_213, %dma_wait3A_219] : memref<40x128xi32, #tpu.memory_space<vmem>> -> memref<1x64xi32, #tpu.memory_space<vmem>>
    %dma_wait3A_221 = tpu.memref_squeeze %dma_wait3A_220 : memref<1x64xi32, #tpu.memory_space<vmem>> -> memref<64xi32, #tpu.memory_space<vmem>>
    %dma_wait3A_222 = arith.constant 0 : i32
    %dma_wait3A_223 = arith.constant 0 : i32
    %dma_wait3A_224 = tpu.memref_slice %arg2[%dma_wait3A_222, %dma_wait3A_223] : memref<10240x128xf32, #tpu.memory_space<hbm>> -> memref<10240x128xf32, #tpu.memory_space<hbm>>
    tpu.wait_indirect_dma semaphore(%arg11 : memref<!tpu.dma_semaphore, #tpu.memory_space<semaphore_mem>>) src(%dma_wait3A_224 : memref<10240x128xf32, #tpu.memory_space<hbm>>) dst(%dma_wait3A_218 : memref<64x128xf32, #tpu.memory_space<vmem>>)
    %run_scoped3A_225 = arith.constant 1 : i32
    %run_scoped3A_226 = arith.constant 39 : i32
    "tpu.region"() ({
      %run_scoped3A_231 = tpu.sem_alloc : memref<!tpu.dma_semaphore, #tpu.memory_space<semaphore_mem>>
      %dma_start3A_232 = arith.constant 0 : i32
      %dma_start3A_233 = arith.constant 0 : i32
      %dma_start3A_234 = tpu.memref_slice %arg8[%run_scoped3A_225, %dma_start3A_232, %dma_start3A_233] : memref<2x128x128xf32, #tpu.memory_space<vmem>> -> memref<1x128x128xf32, #tpu.memory_space<vmem>>
      %dma_start3A_235 = tpu.memref_squeeze %dma_start3A_234 : memref<1x128x128xf32, #tpu.memory_space<vmem>> -> memref<128x128xf32, #tpu.memory_space<vmem>>
      %dma_start3A_236 = arith.constant 0 : i32
      %dma_start3A_237 = tpu.memref_slice %arg7[%run_scoped3A_226, %dma_start3A_236] : memref<40x128xi32, #tpu.memory_space<vmem>> -> memref<1x128xi32, #tpu.memory_space<vmem>>
      %dma_start3A_238 = tpu.memref_squeeze %dma_start3A_237 : memref<1x128xi32, #tpu.memory_space<vmem>> -> memref<128xi32, #tpu.memory_space<vmem>>
      %dma_start3A_239 = arith.constant 0 : i32
      %dma_start3A_240 = arith.constant 0 : i32
      %dma_start3A_241 = tpu.memref_slice %arg9[%dma_start3A_239, %dma_start3A_240] : memref<10240x128xf32, #tpu.memory_space<vmem_shared>> -> memref<10240x128xf32, #tpu.memory_space<vmem_shared>>
      tpu.enqueue_indirect_dma source(%dma_start3A_235 : memref<128x128xf32, #tpu.memory_space<vmem>>) target(%dma_start3A_241 : memref<10240x128xf32, #tpu.memory_space<vmem_shared>>) offsets(%dma_start3A_238 : memref<128xi32, #tpu.memory_space<vmem>>) semaphore(%run_scoped3A_231 : memref<!tpu.dma_semaphore, #tpu.memory_space<semaphore_mem>>) {add = true}
      %dma_wait3A_242 = arith.constant 0 : i32
      %dma_wait3A_243 = arith.constant 0 : i32
      %dma_wait3A_244 = tpu.memref_slice %arg8[%run_scoped3A_225, %dma_wait3A_242, %dma_wait3A_243] : memref<2x128x128xf32, #tpu.memory_space<vmem>> -> memref<1x128x128xf32, #tpu.memory_space<vmem>>
      %dma_wait3A_245 = tpu.memref_squeeze %dma_wait3A_244 : memref<1x128x128xf32, #tpu.memory_space<vmem>> -> memref<128x128xf32, #tpu.memory_space<vmem>>
      %dma_wait3A_246 = arith.constant 0 : i32
      %dma_wait3A_247 = tpu.memref_slice %arg7[%run_scoped3A_226, %dma_wait3A_246] : memref<40x128xi32, #tpu.memory_space<vmem>> -> memref<1x128xi32, #tpu.memory_space<vmem>>
      %dma_wait3A_248 = tpu.memref_squeeze %dma_wait3A_247 : memref<1x128xi32, #tpu.memory_space<vmem>> -> memref<128xi32, #tpu.memory_space<vmem>>
      %dma_wait3A_249 = arith.constant 0 : i32
      %dma_wait3A_250 = arith.constant 0 : i32
      %dma_wait3A_251 = tpu.memref_slice %arg9[%dma_wait3A_249, %dma_wait3A_250] : memref<10240x128xf32, #tpu.memory_space<vmem_shared>> -> memref<10240x128xf32, #tpu.memory_space<vmem_shared>>
      tpu.wait_indirect_dma semaphore(%run_scoped3A_231 : memref<!tpu.dma_semaphore, #tpu.memory_space<semaphore_mem>>) src(%dma_wait3A_245 : memref<128x128xf32, #tpu.memory_space<vmem>>) dst(%dma_wait3A_251 : memref<10240x128xf32, #tpu.memory_space<vmem_shared>>)
      tpu.yield
    }) : () -> ()
    %barrier3A_227 = arith.constant 0 : index
    tpu.barrier barrier_id(%barrier3A_227)
    %mul3A_228 = arith.constant 10240 : i32
    %mul3A_229 = arith.muli %arg0, %mul3A_228 : i32
    %add3A_230 = arith.addi %mul3A_229, %mul3A_2 : i32
    "tpu.region"() ({
      %run_scoped3A_231 = tpu.sem_alloc : memref<!tpu.dma_semaphore, #tpu.memory_space<semaphore_mem>>
      %dma_start3A_232 = arith.constant 0 : i32
      %dma_start3A_233 = tpu.memref_slice %arg5[%add3A_230, %dma_start3A_232] : memref<20480x128xf32, #tpu.memory_space<hbm>> -> memref<640x128xf32, #tpu.memory_space<hbm>>
      %dma_start3A_234 = arith.constant 0 : i32
      %dma_start3A_235 = tpu.memref_slice %arg9[%mul3A_2, %dma_start3A_234] : memref<10240x128xf32, #tpu.memory_space<vmem_shared>> -> memref<640x128xf32, #tpu.memory_space<vmem_shared>>
      tpu.enqueue_dma source(%dma_start3A_235 : memref<640x128xf32, #tpu.memory_space<vmem_shared>>) target(%dma_start3A_233 : memref<640x128xf32, #tpu.memory_space<hbm>>) target_semaphore(%run_scoped3A_231 : memref<!tpu.dma_semaphore, #tpu.memory_space<semaphore_mem>>)
      %dma_wait3A_236 = arith.constant 0 : i32
      %dma_wait3A_237 = tpu.memref_slice %arg5[%add3A_230, %dma_wait3A_236] : memref<20480x128xf32, #tpu.memory_space<hbm>> -> memref<640x128xf32, #tpu.memory_space<hbm>>
      %dma_wait3A_238 = arith.constant 0 : i32
      %dma_wait3A_239 = tpu.memref_slice %arg9[%mul3A_2, %dma_wait3A_238] : memref<10240x128xf32, #tpu.memory_space<vmem_shared>> -> memref<640x128xf32, #tpu.memory_space<vmem_shared>>
      tpu.wait_dma2 semaphore(%run_scoped3A_231 : memref<!tpu.dma_semaphore, #tpu.memory_space<semaphore_mem>>) src(%dma_wait3A_239 : memref<640x128xf32, #tpu.memory_space<vmem_shared>>) dst(%dma_wait3A_237 : memref<640x128xf32, #tpu.memory_space<hbm>>)
      tpu.yield
    }) : () -> ()
    return
  }
}

module attributes {stable_mosaic.version = 14 : i64} {
  func.func @_tc2_body(%arg0: i32, %arg1: memref<2048x128xf32, #tpu.memory_space<vmem>>, %arg2: memref<2048x128xf32, #tpu.memory_space<vmem>>, %arg3: memref<2048x128xf32, #tpu.memory_space<vmem>>, %arg4: memref<2048x1xf32, #tpu.memory_space<vmem>>, %arg5: memref<1x128xf32, #tpu.memory_space<vmem>>, %arg6: memref<128x128xf32, #tpu.memory_space<vmem>>, %arg7: memref<2048x128xf32, #tpu.memory_space<vmem>>) attributes {dimension_semantics = [#tpu.dimension_semantics<arbitrary>], iteration_bounds = array<i64: 5>, scalar_prefetch = 0 : i64, scratch_operands = 0 : i64, tpu.core_type = #tpu.core_type<tc>, window_params = [{transform_indices = @transform_0, window_bounds = array<i64: 2048, 128>}, {transform_indices = @transform_1, window_bounds = array<i64: 2048, 128>}, {transform_indices = @transform_2, window_bounds = array<i64: 2048, 128>}, {transform_indices = @transform_3, window_bounds = array<i64: 2048, 1>}, {pipeline_mode = #tpu.pipeline_mode<synchronous>, transform_indices = @transform_4, window_bounds = array<i64: 1, 128>}, {pipeline_mode = #tpu.pipeline_mode<synchronous>, transform_indices = @transform_5, window_bounds = array<i64: 128, 128>}, {transform_indices = @transform_6, window_bounds = array<i64: 2048, 128>}]} {
    %get3A = arith.constant 0 : index
    %get3A_0 = arith.constant 0 : index
    %get3A_1 = vector.load %arg4[%get3A, %get3A_0] : memref<2048x1xf32, #tpu.memory_space<vmem>>, vector<2048x1xf32>
    %get3A_2 = arith.constant 0 : index
    %get3A_3 = arith.constant 0 : index
    %get3A_4 = vector.load %arg1[%get3A_2, %get3A_3] : memref<2048x128xf32, #tpu.memory_space<vmem>>, vector<2048x128xf32>
    %get3A_5 = arith.constant 0 : index
    %get3A_6 = arith.constant 0 : index
    %get3A_7 = vector.load %arg2[%get3A_5, %get3A_6] : memref<2048x128xf32, #tpu.memory_space<vmem>>, vector<2048x128xf32>
    %add3A = arith.addf %get3A_4, %get3A_7 : vector<2048x128xf32>
    %get3A_8 = arith.constant 0 : index
    %get3A_9 = arith.constant 0 : index
    %get3A_10 = vector.load %arg3[%get3A_8, %get3A_9] : memref<2048x128xf32, #tpu.memory_space<vmem>>, vector<2048x128xf32>
    %sub3A = arith.subf %add3A, %get3A_10 : vector<2048x128xf32>
    %mul3A = vector.broadcast %get3A_1 : vector<2048x1xf32> to vector<2048x128xf32>
    %mul3A_11 = arith.mulf %mul3A, %sub3A : vector<2048x128xf32>
    %get3A_12 = arith.constant 0 : index
    %get3A_13 = arith.constant 0 : index
    %get3A_14 = vector.load %arg5[%get3A_12, %get3A_13] : memref<1x128xf32, #tpu.memory_space<vmem>>, vector<1x128xf32>
    %add3A_15 = vector.broadcast %get3A_14 : vector<1x128xf32> to vector<2048x128xf32>
    %add3A_16 = arith.addf %mul3A_11, %add3A_15 : vector<2048x128xf32>
    %max3A = arith.constant 0.000000e+00 : f32
    %max3A_17 = vector.broadcast %max3A : f32 to vector<2048x128xf32>
    %max3A_18 = arith.maximumf %add3A_16, %max3A_17 : vector<2048x128xf32>
    %get3A_19 = arith.constant 0 : index
    %get3A_20 = arith.constant 0 : index
    %get3A_21 = vector.load %arg4[%get3A_19, %get3A_20] : memref<2048x1xf32, #tpu.memory_space<vmem>>, vector<2048x1xf32>
    %get3A_22 = arith.constant 0 : index
    %get3A_23 = arith.constant 0 : index
    %get3A_24 = vector.load %arg6[%get3A_22, %get3A_23] : memref<128x128xf32, #tpu.memory_space<vmem>>, vector<128x128xf32>
    %dot_general3A = arith.constant dense<0.000000e+00> : vector<2048x128xf32>
    %dot_general3A_25 = tpu.matmul %max3A_18, %get3A_24, %dot_general3A {dimension_numbers = #tpu.dot_dimension_numbers<[1], [0], [0], [1], [0, 0, 1, 1], [], []>, transpose_lhs_hint = false} : vector<2048x128xf32>, vector<128x128xf32>, vector<2048x128xf32> -> vector<2048x128xf32>
    %mul3A_26 = vector.broadcast %get3A_21 : vector<2048x1xf32> to vector<2048x128xf32>
    %mul3A_27 = arith.mulf %mul3A_26, %dot_general3A_25 : vector<2048x128xf32>
    %swap3A = arith.constant 0 : index
    %swap3A_28 = arith.constant 0 : index
    %swap3A_29 = vector.load %arg7[%swap3A, %swap3A_28] : memref<2048x128xf32, #tpu.memory_space<vmem>>, vector<2048x128xf32>
    tpu.vector_store %arg7[%swap3A, %swap3A_28], %mul3A_27 {strides = array<i32>} : memref<2048x128xf32, #tpu.memory_space<vmem>>, vector<2048x128xf32>,
    return
  }
  func.func @transform_0(%arg0: i32) -> (i32, i32) {
    %c0_i32 = arith.constant 0 : i32
    %c0_i32_0 = arith.constant 0 : i32
    return %arg0, %c0_i32 : i32, i32
  }
  func.func @transform_1(%arg0: i32) -> (i32, i32) {
    %add3A = arith.constant 5 : i32
    %add3A_0 = arith.addi %arg0, %add3A : i32
    %c0_i32 = arith.constant 0 : i32
    %c0_i32_1 = arith.constant 0 : i32
    return %add3A_0, %c0_i32 : i32, i32
  }
  func.func @transform_2(%arg0: i32) -> (i32, i32) {
    %c0_i32 = arith.constant 0 : i32
    %c0_i32_0 = arith.constant 0 : i32
    return %arg0, %c0_i32 : i32, i32
  }
  func.func @transform_3(%arg0: i32) -> (i32, i32) {
    %c0_i32 = arith.constant 0 : i32
    %c0_i32_0 = arith.constant 0 : i32
    return %arg0, %c0_i32 : i32, i32
  }
  func.func @transform_4(%arg0: i32) -> (i32, i32) {
    %c0_i32 = arith.constant 0 : i32
    %c0_i32_0 = arith.constant 0 : i32
    %c0_i32_1 = arith.constant 0 : i32
    return %c0_i32, %c0_i32_0 : i32, i32
  }
  func.func @transform_5(%arg0: i32) -> (i32, i32) {
    %c0_i32 = arith.constant 0 : i32
    %c0_i32_0 = arith.constant 0 : i32
    %c0_i32_1 = arith.constant 0 : i32
    return %c0_i32, %c0_i32_0 : i32, i32
  }
  func.func @transform_6(%arg0: i32) -> (i32, i32) {
    %c0_i32 = arith.constant 0 : i32
    %c0_i32_0 = arith.constant 0 : i32
    return %arg0, %c0_i32 : i32, i32
  }
}

module attributes {stable_mosaic.version = 14 : i64} {
  func.func @_tc1_body(%arg0: i32, %arg1: memref<2048x1xf32, #tpu.memory_space<vmem>>, %arg2: memref<2048x1xf32, #tpu.memory_space<vmem>>, %arg3: memref<2048x128xf32, #tpu.memory_space<vmem>>, %arg4: memref<128x128xf32, #tpu.memory_space<vmem>>, %arg5: memref<2048x1xf32, #tpu.memory_space<vmem>>, %arg6: memref<2048x128xf32, #tpu.memory_space<vmem>>) attributes {dimension_semantics = [#tpu.dimension_semantics<arbitrary>], iteration_bounds = array<i64: 5>, scalar_prefetch = 0 : i64, scratch_operands = 0 : i64, tpu.core_type = #tpu.core_type<tc>, window_params = [{transform_indices = @transform_0, window_bounds = array<i64: 2048, 1>}, {transform_indices = @transform_1, window_bounds = array<i64: 2048, 1>}, {transform_indices = @transform_2, window_bounds = array<i64: 2048, 128>}, {pipeline_mode = #tpu.pipeline_mode<synchronous>, transform_indices = @transform_3, window_bounds = array<i64: 128, 128>}, {transform_indices = @transform_4, window_bounds = array<i64: 2048, 1>}, {transform_indices = @transform_5, window_bounds = array<i64: 2048, 128>}]} {
    %get3A = arith.constant 0 : index
    %get3A_0 = arith.constant 0 : index
    %get3A_1 = vector.load %arg1[%get3A, %get3A_0] : memref<2048x1xf32, #tpu.memory_space<vmem>>, vector<2048x1xf32>
    %get3A_2 = arith.constant 0 : index
    %get3A_3 = arith.constant 0 : index
    %get3A_4 = vector.load %arg2[%get3A_2, %get3A_3] : memref<2048x1xf32, #tpu.memory_space<vmem>>, vector<2048x1xf32>
    %add3A = arith.addf %get3A_1, %get3A_4 : vector<2048x1xf32>
    %add3A_5 = arith.constant 1.000000e+00 : f32
    %add3A_6 = vector.broadcast %add3A_5 : f32 to vector<2048x1xf32>
    %add3A_7 = arith.addf %add3A, %add3A_6 : vector<2048x1xf32>
    %rsqrt3A = math.rsqrt %add3A_7 : vector<2048x1xf32>
    %swap3A = arith.constant 0 : index
    %swap3A_8 = arith.constant 0 : index
    %swap3A_9 = vector.load %arg5[%swap3A, %swap3A_8] : memref<2048x1xf32, #tpu.memory_space<vmem>>, vector<2048x1xf32>
    tpu.vector_store %arg5[%swap3A, %swap3A_8], %rsqrt3A {strides = array<i32>} : memref<2048x1xf32, #tpu.memory_space<vmem>>, vector<2048x1xf32>,
    %get3A_10 = arith.constant 0 : index
    %get3A_11 = arith.constant 0 : index
    %get3A_12 = vector.load %arg3[%get3A_10, %get3A_11] : memref<2048x128xf32, #tpu.memory_space<vmem>>, vector<2048x128xf32>
    %get3A_13 = arith.constant 0 : index
    %get3A_14 = arith.constant 0 : index
    %get3A_15 = vector.load %arg4[%get3A_13, %get3A_14] : memref<128x128xf32, #tpu.memory_space<vmem>>, vector<128x128xf32>
    %dot_general3A = arith.constant dense<0.000000e+00> : vector<2048x128xf32>
    %dot_general3A_16 = tpu.matmul %get3A_12, %get3A_15, %dot_general3A {dimension_numbers = #tpu.dot_dimension_numbers<[1], [0], [0], [1], [0, 0, 1, 1], [], []>, transpose_lhs_hint = false} : vector<2048x128xf32>, vector<128x128xf32>, vector<2048x128xf32> -> vector<2048x128xf32>
    %mul3A = vector.broadcast %rsqrt3A : vector<2048x1xf32> to vector<2048x128xf32>
    %mul3A_17 = arith.mulf %mul3A, %dot_general3A_16 : vector<2048x128xf32>
    %swap3A_18 = arith.constant 0 : index
    %swap3A_19 = arith.constant 0 : index
    %swap3A_20 = vector.load %arg6[%swap3A_18, %swap3A_19] : memref<2048x128xf32, #tpu.memory_space<vmem>>, vector<2048x128xf32>
    tpu.vector_store %arg6[%swap3A_18, %swap3A_19], %mul3A_17 {strides = array<i32>} : memref<2048x128xf32, #tpu.memory_space<vmem>>, vector<2048x128xf32>,
    return
  }
  func.func @transform_0(%arg0: i32) -> (i32, i32) {
    %c0_i32 = arith.constant 0 : i32
    %c0_i32_0 = arith.constant 0 : i32
    return %arg0, %c0_i32 : i32, i32
  }
  func.func @transform_1(%arg0: i32) -> (i32, i32) {
    %add3A = arith.constant 5 : i32
    %add3A_0 = arith.addi %arg0, %add3A : i32
    %c0_i32 = arith.constant 0 : i32
    %c0_i32_1 = arith.constant 0 : i32
    return %add3A_0, %c0_i32 : i32, i32
  }
  func.func @transform_2(%arg0: i32) -> (i32, i32) {
    %c0_i32 = arith.constant 0 : i32
    %c0_i32_0 = arith.constant 0 : i32
    return %arg0, %c0_i32 : i32, i32
  }
  func.func @transform_3(%arg0: i32) -> (i32, i32) {
    %c0_i32 = arith.constant 0 : i32
    %c0_i32_0 = arith.constant 0 : i32
    %c0_i32_1 = arith.constant 0 : i32
    return %c0_i32, %c0_i32_0 : i32, i32
  }
  func.func @transform_4(%arg0: i32) -> (i32, i32) {
    %c0_i32 = arith.constant 0 : i32
    %c0_i32_0 = arith.constant 0 : i32
    return %arg0, %c0_i32 : i32, i32
  }
  func.func @transform_5(%arg0: i32) -> (i32, i32) {
    %c0_i32 = arith.constant 0 : i32
    %c0_i32_0 = arith.constant 0 : i32
    return %arg0, %c0_i32 : i32, i32
  }
}

module attributes {stable_mosaic.version = 14 : i64} {
  func.func @_tc3_body(%arg0: i32, %arg1: memref<2048x128xf32, #tpu.memory_space<vmem>>, %arg2: memref<2048x128xf32, #tpu.memory_space<vmem>>, %arg3: memref<2048x128xf32, #tpu.memory_space<vmem>>, %arg4: memref<2048x1xf32, #tpu.memory_space<vmem>>, %arg5: memref<1x128xf32, #tpu.memory_space<vmem>>, %arg6: memref<2048x128xf32, #tpu.memory_space<vmem>>) attributes {dimension_semantics = [#tpu.dimension_semantics<arbitrary>], iteration_bounds = array<i64: 5>, scalar_prefetch = 0 : i64, scratch_operands = 0 : i64, tpu.core_type = #tpu.core_type<tc>, window_params = [{transform_indices = @transform_0, window_bounds = array<i64: 2048, 128>}, {transform_indices = @transform_1, window_bounds = array<i64: 2048, 128>}, {transform_indices = @transform_2, window_bounds = array<i64: 2048, 128>}, {transform_indices = @transform_3, window_bounds = array<i64: 2048, 1>}, {pipeline_mode = #tpu.pipeline_mode<synchronous>, transform_indices = @transform_4, window_bounds = array<i64: 1, 128>}, {transform_indices = @transform_5, window_bounds = array<i64: 2048, 128>}]} {
    %get3A = arith.constant 0 : index
    %get3A_0 = arith.constant 0 : index
    %get3A_1 = vector.load %arg4[%get3A, %get3A_0] : memref<2048x1xf32, #tpu.memory_space<vmem>>, vector<2048x1xf32>
    %get3A_2 = arith.constant 0 : index
    %get3A_3 = arith.constant 0 : index
    %get3A_4 = vector.load %arg1[%get3A_2, %get3A_3] : memref<2048x128xf32, #tpu.memory_space<vmem>>, vector<2048x128xf32>
    %get3A_5 = arith.constant 0 : index
    %get3A_6 = arith.constant 0 : index
    %get3A_7 = vector.load %arg2[%get3A_5, %get3A_6] : memref<2048x128xf32, #tpu.memory_space<vmem>>, vector<2048x128xf32>
    %add3A = arith.addf %get3A_4, %get3A_7 : vector<2048x128xf32>
    %get3A_8 = arith.constant 0 : index
    %get3A_9 = arith.constant 0 : index
    %get3A_10 = vector.load %arg3[%get3A_8, %get3A_9] : memref<2048x128xf32, #tpu.memory_space<vmem>>, vector<2048x128xf32>
    %sub3A = arith.subf %add3A, %get3A_10 : vector<2048x128xf32>
    %mul3A = vector.broadcast %get3A_1 : vector<2048x1xf32> to vector<2048x128xf32>
    %mul3A_11 = arith.mulf %mul3A, %sub3A : vector<2048x128xf32>
    %get3A_12 = arith.constant 0 : index
    %get3A_13 = arith.constant 0 : index
    %get3A_14 = vector.load %arg5[%get3A_12, %get3A_13] : memref<1x128xf32, #tpu.memory_space<vmem>>, vector<1x128xf32>
    %add3A_15 = vector.broadcast %get3A_14 : vector<1x128xf32> to vector<2048x128xf32>
    %add3A_16 = arith.addf %mul3A_11, %add3A_15 : vector<2048x128xf32>
    %swap3A = arith.constant 0 : index
    %swap3A_17 = arith.constant 0 : index
    %swap3A_18 = vector.load %arg6[%swap3A, %swap3A_17] : memref<2048x128xf32, #tpu.memory_space<vmem>>, vector<2048x128xf32>
    tpu.vector_store %arg6[%swap3A, %swap3A_17], %add3A_16 {strides = array<i32>} : memref<2048x128xf32, #tpu.memory_space<vmem>>, vector<2048x128xf32>,
    return
  }
  func.func @transform_0(%arg0: i32) -> (i32, i32) {
    %c0_i32 = arith.constant 0 : i32
    %c0_i32_0 = arith.constant 0 : i32
    return %arg0, %c0_i32 : i32, i32
  }
  func.func @transform_1(%arg0: i32) -> (i32, i32) {
    %add3A = arith.constant 5 : i32
    %add3A_0 = arith.addi %arg0, %add3A : i32
    %c0_i32 = arith.constant 0 : i32
    %c0_i32_1 = arith.constant 0 : i32
    return %add3A_0, %c0_i32 : i32, i32
  }
  func.func @transform_2(%arg0: i32) -> (i32, i32) {
    %c0_i32 = arith.constant 0 : i32
    %c0_i32_0 = arith.constant 0 : i32
    return %arg0, %c0_i32 : i32, i32
  }
  func.func @transform_3(%arg0: i32) -> (i32, i32) {
    %c0_i32 = arith.constant 0 : i32
    %c0_i32_0 = arith.constant 0 : i32
    return %arg0, %c0_i32 : i32, i32
  }
  func.func @transform_4(%arg0: i32) -> (i32, i32) {
    %c0_i32 = arith.constant 0 : i32
    %c0_i32_0 = arith.constant 0 : i32
    %c0_i32_1 = arith.constant 0 : i32
    return %c0_i32, %c0_i32_0 : i32, i32
  }
  func.func @transform_5(%arg0: i32) -> (i32, i32) {
    %c0_i32 = arith.constant 0 : i32
    %c0_i32_0 = arith.constant 0 : i32
    return %arg0, %c0_i32 : i32, i32
  }
}

</mosaic_0001>

<sc_bundles>
// kernel: kernel.11.cloned.1.call-start
scs
__scs_entry_jumppad:
0x0: {  	(pc) =	sbr.rel $0x88, $3  }
0x1: {  	(tag) =	ssettag $0x0;
	lr =	simm.s32 $0x1  }
0x2: {  	[smem:$0x3F9B] =	sst lr;
	_ =	strace $0xD0000000  }
0x3: {  	_ = 	snop  }
0x4: {  	_ = 	snop  }
0x5: {  	_ = 	snop  }
0x6: {  	_ = 	snop  }
0x7: {  	_ = 	snop  }
__scs_overlays_trampoline_lowered:
0x8: {  	[smem:$0x3FAA] =	sst s0  }
0x9: {  	[smem:$0x3FAB] =	sst s1  }
0xa: {  	[smem:$0x3FAC] =	sst s2  }
0xb: {  	[smem:$0x3FAD] =	sst s3  }
0xc: {  	[smem:$0x3FAE] =	sst s4  }
0xd: {  	[smem:$0x3FAF] =	sst s5  }
0xe: {  	[smem:$0x3FB0] =	sst s6  }
0xf: {  	[smem:$0x3FB1] =	sst s7  }
0x10: {  	[smem:$0x3FB2] =	sst s8  }
0x11: {  	[smem:$0x3FB3] =	sst s9;
	s0 =	simm.s32 @!p0 $0x0  }
0x12: {  	s1 =	sld [smem:$0x3F99];
	s0 =	simm.s32 @p0 $0x1  }
0x13: {  	[smem:$0x3FB4] =	sst s0;
	s0 =	simm.s32 @!p1 $0x0  }
0x14: {  	s2 =	sld [smem:$0x3F98];
	s0 =	simm.s32 @p1 $0x1  }
0x15: {  	[smem:$0x3FB5] =	sst s0;
	s0 =	simm.s32 @!p2 $0x0  }
0x16: {  	s3 =	sld [smem:$0x3FDB];
	s0 =	simm.s32 @p2 $0x1  }
0x17: {  	s4 =	simm.s32 $0x1BF5;
	[smem:$0x3FB7] =	sst s0  }
0x18: {  	s0 =	sld [smem:$0x3F9A];
	_ =	swait.ge [sflag:s4], $0x0  }
0x19: {  	s7 =	sld [smem:$0x3F9B]  }
0x1a: {  	s8 =	sadd.s32 $0xFFFFE003, lr  }
0x1b: {  	s9 =	sadd.s32 $0xFFFFFEF7, lr;
	s5 =	simm.s32 $0xFFFFFFFF;
	p2 =	slt.u32 s8, $0xFFFFF086  }
0x1c: {  	p1 =	slt.u32 s9, $0xF7A;
	s5 =	simm.s32 @!p2 $0x0  }
0x1d: {  	s5 =	simm.s32 @p1 $0x1;
	p0 =	seq.s32 s7, s2  }
0x1e: {  	s7 =	smul.u32 @!p0 $0xF7A, s2;
	p2 =	seq.s32 @!p0 s5, $0x0  }
0x1f: {  	s9 =	smul.u32 $0xF7A, s1;
	s8 =	simm.s32 @!p0 $0x1BF5;
	p2 =	por !p2, p0  }
0x20: {  	[sflag:s8] =	ssyncset.s32 @!p0 $0xFFFFF086;
	s6 =	sadd.s32 @!p0 s3, s7;
	s7 =	simm.s32 @!p0 $0x108  }
0x21: {  	s3 =	sadd.s32 s3, s9;
	s6 =	sadd.s32 @!p0 $0x88, s6;
	s7 =	simm.s32 @p2 $0x1082  }
0x22: {  	[simem:s7], [sflag:s8] =	dma.local @!p0 [hbm:s6], $0xF7A  }
0x23: {  	s9 =	sor.u32 $0xD0000000, s2;
	s6 =	simm.s32 $0x108;
	_ =	swait.ge @!p0 [sflag:s8], $0x0  }
0x24: {  	s3 =	sadd.s32 $0x88, s3;
	s6 =	simm.s32 @!p1 $0x1082;
	[sflag:s4] =	ssyncset.s32 $0xFFFFF086  }
0x25: {  	[simem:s6], [sflag:s4] =	dma.local [hbm:s3], $0xF7A  }
0x26: {  	[smem:$0x3F9B] =	sst s1;
	(tag) =	ssettag s2;
	_ =	strace s9  }
0x27: {  	s1 =	sld [smem:$0x3FAB]  }
0x28: {  	s2 =	sld [smem:$0x3FAC]  }
0x29: {  	s4 =	sld [smem:$0x3FAE]  }
0x2a: {  	p0 =	seq.s32 s5, $0x0;
	s5 =	sld [smem:$0x3FAF]  }
0x2b: {  	s6 =	sld [smem:$0x3FB0]  }
0x2c: {  	s7 =	sld [smem:$0x3FB1]  }
0x2d: {  	s3 =	simm.s32 $0x108;
	s8 =	sld [smem:$0x3FB2]  }
0x2e: {  	s3 =	simm.s32 @!p0 $0x1082;
	s9 =	sld [smem:$0x3FB3]  }
0x2f: {  	lr =	sadd.s32 s0, s3;
	s0 =	sld [smem:$0x3FAA]  }
0x30: {  	s3 =	sld [smem:$0x3FAD]  }
0x31: {  	[smem:$0x3FB6] =	sst s10  }
0x32: {  	s10 =	sld [smem:$0x3FB4];
	_ =	sdelay $0x3  }
0x33: {  	p0 =	seq.s32 s10, $0x1;
	s10 =	sld [smem:$0x3FB6];
	_ =	sdelay $0x3  }
0x34: {  	[smem:$0x3FB6] =	sst s10  }
0x35: {  	s10 =	sld [smem:$0x3FB5];
	_ =	sdelay $0x3  }
0x36: {  	p1 =	seq.s32 s10, $0x1;
	s10 =	sld [smem:$0x3FB6];
	_ =	sdelay $0x3  }
0x37: {  	[smem:$0x3FB6] =	sst s10  }
0x38: {  	s10 =	sld [smem:$0x3FB7]  }
0x39: {  	_ = 	snop;
	(pc) =	sbr.ind lr, $3  }
0x3a: {  	_ = 	snop  }
0x3b: {  	_ = 	snop  }
0x3c: {  	p2 =	seq.s32 s10, $0x1;
	s10 =	sld [smem:$0x3FB6]  }
0x3d: {  	_ =	shalt  }
0x3e: {  	_ =	shalt  }
0x3f: {  	_ =	shalt  }
0x40: {  	_ =	shalt  }
0x41: {  	_ =	shalt  }
0x42: {  	_ =	shalt  }
0x43: {  	_ =	shalt  }
0x44: {  	_ =	shalt  }
0x45: {  	_ =	shalt  }
0x46: {  	_ =	shalt  }
0x47: {  	_ =	shalt  }
0x48: {  	_ =	shalt  }
0x49: {  	_ =	shalt  }
0x4a: {  	_ =	shalt  }
0x4b: {  	_ =	shalt  }
0x4c: {  	_ =	shalt  }
0x4d: {  	_ =	shalt  }
0x4e: {  	_ =	shalt  }
0x4f: {  	_ =	shalt  }
0x50: {  	_ =	shalt  }
0x51: {  	_ =	shalt  }
0x52: {  	_ =	shalt  }
0x53: {  	_ =	shalt  }
0x54: {  	_ =	shalt  }
0x55: {  	_ =	shalt  }
0x56: {  	_ =	shalt  }
0x57: {  	_ =	shalt  }
0x58: {  	_ =	shalt  }
0x59: {  	_ =	shalt  }
0x5a: {  	_ =	shalt  }
0x5b: {  	_ =	shalt  }
0x5c: {  	_ =	shalt  }
0x5d: {  	_ =	shalt  }
0x5e: {  	_ =	shalt  }
0x5f: {  	_ =	shalt  }
0x60: {  	_ =	shalt  }
0x61: {  	_ =	shalt  }
0x62: {  	_ =	shalt  }
0x63: {  	_ =	shalt  }
0x64: {  	_ =	shalt  }
0x65: {  	_ =	shalt  }
0x66: {  	_ =	shalt  }
0x67: {  	_ =	shalt  }
0x68: {  	_ =	shalt  }
0x69: {  	_ =	shalt  }
0x6a: {  	_ =	shalt  }
0x6b: {  	_ =	shalt  }
0x6c: {  	_ =	shalt  }
0x6d: {  	_ =	shalt  }
0x6e: {  	_ =	shalt  }
0x6f: {  	_ =	shalt  }
0x70: {  	_ =	shalt  }
0x71: {  	_ =	shalt  }
0x72: {  	_ =	shalt  }
0x73: {  	_ =	shalt  }
0x74: {  	_ =	shalt  }
0x75: {  	_ =	shalt  }
0x76: {  	_ =	shalt  }
0x77: {  	_ =	shalt  }
0x78: {  	_ =	shalt  }
0x79: {  	_ =	shalt  }
0x7a: {  	_ =	shalt  }
0x7b: {  	_ =	shalt  }
0x7c: {  	_ =	shalt  }
0x7d: {  	_ =	shalt  }
0x7e: {  	_ =	shalt  }
0x7f: {  	_ =	shalt  }
0x80: {  	_ =	shalt  }
0x81: {  	_ =	shalt  }
0x82: {  	_ =	shalt  }
0x83: {  	_ =	shalt  }
0x84: {  	_ =	shalt  }
0x85: {  	_ =	shalt  }
0x86: {  	_ =	shalt  }
0x87: {  	_ =	shalt  }
.Lfunc_end0:
.L_simem_size_0:
called_computation.1_lowered:
.L_overlay_start_0:
0x88: {  	s2 =	sld [smem:$0x3FD9]  }
0x89: {  	s3 =	sld [smem:$0x3FFE];
	_ =	sdelay $0x1  }
0x8a: {  	s1 =	srdreg.scid  }
0x8b: {  	s0 =	sand.u32 $0x1, s1  }
0x8c: {  	s17 =	sshll.u32 s0, $0xA;
	s2 =	sadd.s32 s3, s2  }
0x8d: {  	s2 =	sadd.s32 s2, s17  }
0x8e: {  	[smem:$0x3FC2] =	sst s2  }
0x8f: {  	_ = 	snop  }
0x90: {  	s2 =	sld [smem:$0x3FD0];
	(tm) =	ssettm $0x1  }
0x91: {  	s18 =	sld [smem:$0x3FFB];
	_ =	sdelay $0x3  }
0x92: {  	_ =	strace s18  }
0x93: {  	s3 =	sld [smem:$0x3FFC];
	_ =	sdelay $0x3  }
0x94: {  	_ =	strace s3  }
0x95: {  	s3 =	sld [smem:$0x3FFD];
	_ =	sdelay $0x3  }
0x96: {  	_ =	strace s3  }
0x97: {  	_ =	strace $0x8FFFFFFF  }
0x98: {  	s19 =	sld [smem:$0x3FDB];
	_ =	sdelay $0x1  }
0x99: {  	s4 =	simm.s32 $_scs_section_size  }
0x9a: {  	s5 =	simm.s32 $_size__tile_overlayer_lowered;
	s6 =	simm.s32 $_tile_overlayer_lowered  }
0x9b: {  	s22 =	simm.s32 $0x1BFF;
	s21 =	sshll.u32 s6, $0x1;
	s3 =	sadd.s32 s4, s19  }
0x9c: {  	s7 =	simm.s32 $0x0;
	s20 =	sshll.u32 s5, $0x1;
	s5 =	sadd.s32 s21, s3  }
0x9d: {  	[timem:s7], [sflag:s22] =	dma.local [hbm:s5], s20  }
0x9e: {  	_ =	swait.ge [sflag:s22], s20  }
0x9f: {  	s4 =	ssub.s32 $0x0, s20;
	[sflag:s22] =	ssyncset.done $0x0  }
0xa0: {  	[sflag:s22] =	ssyncadd.s32 s4;
	_ =	sdelay $0x1  }
0xa1: {  	s23 =	simm.s32 $0x1B8B  }
0xa2: {  	_ =	swait.ge [sflag:s23], $0x1  }
0xa3: {  	[sflag:s23] =	ssyncset.done $0x0  }
0xa4: {  	s25 =	simm.s32 $0x1B8E;
	s24 =	sld [smem:$0x3FFE];
	[sflag:s23] =	ssyncadd.s32 $0xFFFFFFFF  }
0xa5: {  	s26 =	simm.s32 $execute0_lowered;
	[smem:$0x3FD2] =	sst s25  }
0xa6: {  	s5 =	sshll.u32 s26, $0x1;
	_ =	strace $0x80000049;
	[dreg:$0x1] =	wrdreg $0xFFFFFFFF  }
0xa7: {  	s28 =	simm.s32 $_size_execute0_lowered;
	s3 =	sadd.s32 s3, s5;
	[dreg:$0x0] =	wrdreg $0x0  }
0xa8: {  	s5 =	sshll.u32 s28, $0x1;
	[dreg:$0x2] =	wrdreg s3  }
0xa9: {  	[dreg:$0x3] =	wrdreg s5  }
0xaa: {  	[dreg:$0x4] =	wrdreg $0xC0  }
0xab: {  	_ =	task [dreg:s7], $0x5FFFF  }
0xac: {  	[dreg:$0x1] =	wrdreg $0xFFFFFFFF  }
0xad: {  	[dreg:$0x0] =	wrdreg $0x60  }
0xae: {  	[dreg:$0x2] =	wrdreg s24  }
0xaf: {  	[dreg:$0x3] =	wrdreg s2  }
0xb0: {  	[dreg:$0x4] =	wrdreg $0xA8000  }
0xb1: {  	[dreg:$0x5] =	wrdreg $0x9  }
0xb2: {  	_ =	task.clear_ibuf [dreg:s7], $0x6FFFF;
	_ =	strace $0x90000049  }
0xb3: {  	s29 =	simm.s32 $0x9;
	_ =	strace $0x8000004B  }
0xb4: {  	_ =	swait.ge [sflag:s29], $0x1  }
0xb5: {  	[sflag:s29] =	ssyncadd.s32 $0xFFFFFFFF  }
0xb6: {  	_ =	strace $0x9000004B  }
0xb7: {  	_ =	sfence  }
0xb8: {  	s30 =	sld [smem:$0x0];
	_ =	sdelay $0x2  }
0xb9: {  	s31 =	sshll.u32 s1, $0xD;
	s1 =	sshrl.u32 s1, $0x2  }
0xba: {  	s3 =	sand.u32 $0x4000, s31;
	s1 =	sadd.s32 s1, s30  }
0xbb: {  	s0 =	sor.u32 s3, s0;
	s1 =	sshll.u32 s1, $0x11  }
0xbc: {  	s0 =	sor.u32 s1, s0  }
0xbd: {  	s0 =	sadd.s32 $0x8F2B, s0  }
0xbe: {  	[sflag:s0] =	ssyncadd.remote.s32 $0x1  }
0xbf: {  	_ =	sfence.sel $0xFFFF  }
0xc0: {  	[dreg:$0x0] =	wrdreg $0xFFFFFFFF;
	(pc) =	sbr.abs _section_cstart, $3  }
0xc1: {  	[dreg:$0x1] =	wrdreg $0xFFFFFFFF  }
0xc2: {  	_ =	task.clear_ibuf [dreg:s7], $0x2FFFF;
	_ =	strace $0x9FFFFFFF  }
0xc3: {  	(tm) =	ssettm $0x7FFFFFFF  }
tec
execute0_lowered:
.L_overlay_start_1:
0x0: {  	(tag) =	ssettag $0x1  }
0x1: {  	s5 =	rddreg [dreg:$0x0]  }
0x2: {  	s9 =	rddreg [dreg:$0x1]  }
0x3: {  	s2 =	rddreg [dreg:$0x2]  }
0x4: {  	s0 =	rddreg [dreg:$0x3]  }
0x5: {  	s3 =	simm.s32 $0x0;
	s4 =	srdreg.scid;
	s1 =	stileid.u32  }
0x6: {  	s17 =	simm.s32 $0x2800;
	s18 =	simm.s32 $0x4800;
	s19 =	simm.s32 $0x80  }
0x7: {  	s20 =	simm.s32 $0x6800;
	s21 =	simm.s32 $0xC0;
	s22 =	simm.s32 $0x8800  }
0x8: {  	s23 =	simm.s32 $0x1;
	s24 =	simm.s32 $0x2;
	s25 =	simm.s32 $0x2700  }
0x9: {  	s26 =	simm.s32 $0x2780;
	s28 =	simm.s32 $0x0;
	[smem:$0x7FF] =	sst s3  }
0xa: {  	s6 =	sand.u32 $0x1, s4;
	s7 =	smul.u32 $0x2800, s1;
	s4 =	sadd.s32 $0xC800, s5  }
0xb: {  	s10 =	sadd.s32 $0x2800, s5;
	s12 =	smul.u32 $0x50000, s1;
	s29 =	sshll.u32 s1, $0x6  }
0xc: {  	s8 =	smul.u32 $0x28000, s6;
	s11 =	sshll.u32 s6, $0x4;
	s6 =	ssub.s32 $0x2, s6  }
0xd: {  	_ =	strace $0x8000004A;
	s11 =	sor.u32 s1, s11;
	s13 =	sshrl.u32 s6, $0x1  }
0xe: {  	s12 =	sshrl.u32 s12, $0x2;
	s8 =	sadd.s32 s7, s8;
	s14 =	smul.u32 $0x2800, s11  }
0xf: {  	s13 =	ssub.s32 s6, s13;
	s16 =	sadd.s32 s12, s2;
	s30 =	smul.u32 $0x500, s11  }
0x10: {  	s6 =	sor.u32 $0x1C03, s29;
	s15 =	sadd.s32 s8, s5;
	s5 =	sadd.s32 s4, s7  }
0x11: {  	s12 =	smax.u32 s13, $0x1;
	s13 =	sshrl.u32 s16, $0x3;
	s31 =	sshrl.u32 s14, $0x3  }
0x12: {  	s16 =	simm.s32 $0x40;
	s7 =	sadd.s32 s9, s30;
	s11 =	sadd.s32 $0x280, s31  }
0x13: {  	s8 =	sadd.s32 s10, s30;
	s14 =	simm.s32 $0x3;
	s9 =	sadd.s32 s9, s11  }
0x14: {  	s10 =	sadd.s32 s10, s11;
	s11 =	sadd.s32 $0x34800, s15;
	s15 =	simm.s32 $0x1400  }
.LBB2_1:
0x15: {  	[spmem:s13], [sflag:s6] =	dma.local [hbm:s5], $0x2800  }
0x16: {  	_ =	swait.ge [sflag:s14], $0x2800  }
0x17: {  	[sflag:s14] =	ssyncset.done $0x0  }
0x18: {  	[sflag:s14] =	ssyncadd.s32 $0xFFFFD800  }
0x19: {  	[bflag:$0x0] =	sbarrier.arrive $0xFFFF  }
0x1a: {  	[tilespmem:s3], [sflag:$0x3] =	stream.linear.gather [hbm4b:s7+s3], $0x1400, $0x38;
	[tilespmem:$0x1E800] =	vst v63  }
0x1b: {  	_ =	swait.ge [sflag:s14], $0x1400  }
0x1c: {  	[sflag:s14] =	ssyncset.done $0x0  }
0x1d: {  	[sflag:s14] =	ssyncadd.s32 $0xFFFFEC00  }
0x1e: {  	[tilespmem:s15], [sflag:$0x3] =	stream.linear.gather [hbm4b:s8+s3], $0x1400, $0x38;
	[tilespmem:$0x1E800] =	vst v63  }
0x1f: {  	_ =	swait.ge [sflag:s14], $0x1400  }
0x20: {  	[sflag:s14] =	ssyncset.done $0x0  }
0x21: {  	[sflag:s14] =	ssyncadd.s32 $0xFFFFEC00  }
0x22: {  	[tilespmem:s17], [sflag:$0x1] =	stream.indirect.gather [hbm4b:s4+s16], $0x80, s3, s16, $0xb8;
	[tilespmem:$0x1E800] =	vst v63  }
0x23: {  	_ = 	snop  }
0x24: {  	[tilespmem:s18], [sflag:$0x1] =	stream.indirect.gather [hbm4b:s4+s16], $0x80, s16, s16, $0xb8;
	[tilespmem:$0x1E800] =	vst v63  }
0x25: {  	_ = 	snop  }
0x26: {  	[tilespmem:s20], [sflag:$0x2] =	stream.indirect.gather [hbm4b:s4+s16], $0x80, s19, s16, $0xb8;
	[tilespmem:$0x1E800] =	vst v63  }
0x27: {  	_ = 	snop  }
0x28: {  	[tilespmem:s22], [sflag:$0x2] =	stream.indirect.gather [hbm4b:s4+s16], $0x80, s21, s16, $0xb8;
	[tilespmem:$0x1E800] =	vst v63  }
0x29: {  	_ =	swait.ge [sflag:s23], $0x2000  }
0x2a: {  	[sflag:s23] =	ssyncset.done $0x0  }
0x2b: {  	[sflag:s23] =	ssyncadd.s32 $0xFFFFE000  }
0x2c: {  	_ =	swait.ge [sflag:s23], $0x2000  }
0x2d: {  	[sflag:s23] =	ssyncset.done $0x0  }
0x2e: {  	s29 =	simm.s32 $0x1400;
	[sflag:s23] =	ssyncadd.s32 $0xFFFFE000  }
0x2f: {  	[spmem:s2] =	stream.indirect.scatter.add.f32 [tilespmem:s17], [sflag:$0x3], $0x80, s29, s19, $0xb8;
	[tilespmem:$0x1E800] =	vst v63  }
0x30: {  	_ =	swait.ge [sflag:s14], $0x4000  }
0x31: {  	[sflag:s14] =	ssyncset.done $0x0  }
0x32: {  	s29 =	simm.s32 $0x100;
	[sflag:s14] =	ssyncadd.s32 $0xFFFFC000  }
0x33: {  	[tilespmem:s17], [sflag:$0x1] =	stream.indirect.gather [hbm4b:s4+s16], $0x80, s29, s16, $0xb8;
	[tilespmem:$0x1E800] =	vst v63  }
0x34: {  	s29 =	simm.s32 $0x140  }
0x35: {  	[tilespmem:s18], [sflag:$0x1] =	stream.indirect.gather [hbm4b:s4+s16], $0x80, s29, s16, $0xb8;
	[tilespmem:$0x1E800] =	vst v63  }
0x36: {  	_ =	swait.ge [sflag:s24], $0x2000  }
0x37: {  	[sflag:s24] =	ssyncset.done $0x0  }
0x38: {  	[sflag:s24] =	ssyncadd.s32 $0xFFFFE000  }
0x39: {  	_ =	swait.ge [sflag:s24], $0x2000  }
0x3a: {  	[sflag:s24] =	ssyncset.done $0x0  }
0x3b: {  	s29 =	simm.s32 $0x1480;
	[sflag:s24] =	ssyncadd.s32 $0xFFFFE000  }
0x3c: {  	[spmem:s2] =	stream.indirect.scatter.add.f32 [tilespmem:s20], [sflag:$0x3], $0x80, s29, s19, $0xb8;
	[tilespmem:$0x1E800] =	vst v63  }
0x3d: {  	_ =	swait.ge [sflag:s14], $0x4000  }
0x3e: {  	[sflag:s14] =	ssyncset.done $0x0  }
0x3f: {  	s29 =	simm.s32 $0x180;
	[sflag:s14] =	ssyncadd.s32 $0xFFFFC000  }
0x40: {  	[tilespmem:s20], [sflag:$0x2] =	stream.indirect.gather [hbm4b:s4+s16], $0x80, s29, s16, $0xb8;
	[tilespmem:$0x1E800] =	vst v63  }
0x41: {  	s30 =	simm.s32 $0x1C0;
	s29 =	simm.s32 $0x400  }
.LBB2_2:
0x42: {  	[tilespmem:s22], [sflag:$0x2] =	stream.indirect.gather [hbm4b:s4+s16], $0x80, s30, s16, $0xb8;
	[tilespmem:$0x1E800] =	vst v63  }
0x43: {  	s30 =	smov.u32 s29  }
0x44: {  	p0 =	sne.s32 s29, $0x4800;
	s29 =	sadd.s32 $0x400, s29;
	_ =	swait.ge [sflag:s23], $0x2000  }
0x45: {  	[sflag:s23] =	ssyncset.done $0x0  }
0x46: {  	[sflag:s23] =	ssyncadd.s32 $0xFFFFE000  }
0x47: {  	_ =	swait.ge [sflag:s23], $0x2000  }
0x48: {  	s30 =	sshra.s32 s30, $0x2;
	[sflag:s23] =	ssyncset.done $0x0  }
0x49: {  	s31 =	sadd.s32 $0x1400, s30;
	[sflag:s23] =	ssyncadd.s32 $0xFFFFE000  }
0x4a: {  	[spmem:s2] =	stream.indirect.scatter.add.f32 [tilespmem:s17], [sflag:$0x3], $0x80, s31, s19, $0xb8;
	[tilespmem:$0x1E800] =	vst v63  }
0x4b: {  	_ =	swait.ge [sflag:s14], $0x4000  }
0x4c: {  	[sflag:s14] =	ssyncset.done $0x0  }
0x4d: {  	s31 =	sadd.s32 $0x100, s30;
	[sflag:s14] =	ssyncadd.s32 $0xFFFFC000  }
0x4e: {  	[tilespmem:s17], [sflag:$0x1] =	stream.indirect.gather [hbm4b:s4+s16], $0x80, s31, s16, $0xb8;
	[tilespmem:$0x1E800] =	vst v63  }
0x4f: {  	s31 =	sadd.s32 $0x140, s30  }
0x50: {  	[tilespmem:s18], [sflag:$0x1] =	stream.indirect.gather [hbm4b:s4+s16], $0x80, s31, s16, $0xb8;
	[tilespmem:$0x1E800] =	vst v63  }
0x51: {  	_ =	swait.ge [sflag:s24], $0x2000  }
0x52: {  	[sflag:s24] =	ssyncset.done $0x0  }
0x53: {  	[sflag:s24] =	ssyncadd.s32 $0xFFFFE000  }
0x54: {  	_ =	swait.ge [sflag:s24], $0x2000  }
0x55: {  	[sflag:s24] =	ssyncset.done $0x0  }
0x56: {  	s31 =	sadd.s32 $0x1480, s30;
	[sflag:s24] =	ssyncadd.s32 $0xFFFFE000  }
0x57: {  	[spmem:s2] =	stream.indirect.scatter.add.f32 [tilespmem:s20], [sflag:$0x3], $0x80, s31, s19, $0xb8;
	[tilespmem:$0x1E800] =	vst v63  }
.Ltmp0:
0x58: {  	_ =	swait.ge [sflag:s14], $0x4000;
	(pc) =	sbr.rel @p0 .LBB2_2-.Ltmp0, $4  }
0x59: {  	[sflag:s14] =	ssyncset.done $0x0  }
0x5a: {  	s31 =	sadd.s32 $0x180, s30;
	[sflag:s14] =	ssyncadd.s32 $0xFFFFC000  }
0x5b: {  	[tilespmem:s20], [sflag:$0x2] =	stream.indirect.gather [hbm4b:s4+s16], $0x80, s31, s16, $0xb8;
	[tilespmem:$0x1E800] =	vst v63  }
0x5c: {  	s30 =	sadd.s32 $0x1C0, s30  }
0x5d: {  	[tilespmem:s22], [sflag:$0x2] =	stream.indirect.gather [hbm4b:s4+s16], $0x80, s30, s16, $0xb8;
	[tilespmem:$0x1E800] =	vst v63  }
0x5e: {  	_ =	swait.ge [sflag:s23], $0x2000  }
0x5f: {  	[sflag:s23] =	ssyncset.done $0x0  }
0x60: {  	[sflag:s23] =	ssyncadd.s32 $0xFFFFE000  }
0x61: {  	_ =	swait.ge [sflag:s23], $0x2000  }
0x62: {  	[sflag:s23] =	ssyncset.done $0x0  }
0x63: {  	[sflag:s23] =	ssyncadd.s32 $0xFFFFE000  }
0x64: {  	[spmem:s2] =	stream.indirect.scatter.add.f32 [tilespmem:s17], [sflag:$0x3], $0x80, s25, s19, $0xb8;
	[tilespmem:$0x1E800] =	vst v63  }
0x65: {  	_ =	swait.ge [sflag:s14], $0x4000  }
0x66: {  	[sflag:s14] =	ssyncset.done $0x0  }
0x67: {  	[sflag:s14] =	ssyncadd.s32 $0xFFFFC000  }
0x68: {  	_ =	swait.ge [sflag:s24], $0x2000  }
0x69: {  	[sflag:s24] =	ssyncset.done $0x0  }
0x6a: {  	[sflag:s24] =	ssyncadd.s32 $0xFFFFE000  }
0x6b: {  	_ =	swait.ge [sflag:s24], $0x2000  }
0x6c: {  	[sflag:s24] =	ssyncset.done $0x0  }
0x6d: {  	[sflag:s24] =	ssyncadd.s32 $0xFFFFE000  }
0x6e: {  	[spmem:s2] =	stream.indirect.scatter.add.f32 [tilespmem:s20], [sflag:$0x3], $0x80, s26, s19, $0xb8;
	[tilespmem:$0x1E800] =	vst v63  }
0x6f: {  	_ =	swait.ge [sflag:s14], $0x4000  }
0x70: {  	[sflag:s14] =	ssyncset.done $0x0  }
0x71: {  	s29 =	simm.s32 $0x0;
	[sflag:s14] =	ssyncadd.s32 $0xFFFFC000  }
0x72: {  	[tilespmem:s29], [sflag:$0x3] =	stream.linear.gather [hbm4b:s9+s29], $0x1400, $0x38;
	[tilespmem:$0x1E800] =	vst v63  }
0x73: {  	_ =	swait.ge [sflag:s14], $0x1400  }
0x74: {  	[sflag:s14] =	ssyncset.done $0x0  }
0x75: {  	[sflag:s14] =	ssyncadd.s32 $0xFFFFEC00  }
0x76: {  	[tilespmem:s15], [sflag:$0x3] =	stream.linear.gather [hbm4b:s10+s29], $0x1400, $0x38;
	[tilespmem:$0x1E800] =	vst v63  }
0x77: {  	_ =	swait.ge [sflag:s14], $0x1400  }
0x78: {  	[sflag:s14] =	ssyncset.done $0x0  }
0x79: {  	[sflag:s14] =	ssyncadd.s32 $0xFFFFEC00  }
0x7a: {  	[tilespmem:s17], [sflag:$0x1] =	stream.indirect.gather [hbm4b:s4+s16], $0x80, s29, s16, $0xb8;
	[tilespmem:$0x1E800] =	vst v63  }
0x7b: {  	_ = 	snop  }
0x7c: {  	[tilespmem:s18], [sflag:$0x1] =	stream.indirect.gather [hbm4b:s4+s16], $0x80, s16, s16, $0xb8;
	[tilespmem:$0x1E800] =	vst v63  }
0x7d: {  	_ = 	snop  }
0x7e: {  	[tilespmem:s20], [sflag:$0x2] =	stream.indirect.gather [hbm4b:s4+s16], $0x80, s19, s16, $0xb8;
	[tilespmem:$0x1E800] =	vst v63  }
0x7f: {  	_ = 	snop  }
0x80: {  	[tilespmem:s22], [sflag:$0x2] =	stream.indirect.gather [hbm4b:s4+s16], $0x80, s21, s16, $0xb8;
	[tilespmem:$0x1E800] =	vst v63  }
0x81: {  	_ =	swait.ge [sflag:s23], $0x2000  }
0x82: {  	[sflag:s23] =	ssyncset.done $0x0  }
0x83: {  	[sflag:s23] =	ssyncadd.s32 $0xFFFFE000  }
0x84: {  	_ =	swait.ge [sflag:s23], $0x2000  }
0x85: {  	[sflag:s23] =	ssyncset.done $0x0  }
0x86: {  	s29 =	simm.s32 $0x1400;
	[sflag:s23] =	ssyncadd.s32 $0xFFFFE000  }
0x87: {  	[spmem:s2] =	stream.indirect.scatter.add.f32 [tilespmem:s17], [sflag:$0x3], $0x80, s29, s19, $0xb8;
	[tilespmem:$0x1E800] =	vst v63  }
0x88: {  	_ =	swait.ge [sflag:s14], $0x4000  }
0x89: {  	[sflag:s14] =	ssyncset.done $0x0  }
0x8a: {  	s29 =	simm.s32 $0x100;
	[sflag:s14] =	ssyncadd.s32 $0xFFFFC000  }
0x8b: {  	[tilespmem:s17], [sflag:$0x1] =	stream.indirect.gather [hbm4b:s4+s16], $0x80, s29, s16, $0xb8;
	[tilespmem:$0x1E800] =	vst v63  }
0x8c: {  	s29 =	simm.s32 $0x140  }
0x8d: {  	[tilespmem:s18], [sflag:$0x1] =	stream.indirect.gather [hbm4b:s4+s16], $0x80, s29, s16, $0xb8;
	[tilespmem:$0x1E800] =	vst v63  }
0x8e: {  	_ =	swait.ge [sflag:s24], $0x2000  }
0x8f: {  	[sflag:s24] =	ssyncset.done $0x0  }
0x90: {  	[sflag:s24] =	ssyncadd.s32 $0xFFFFE000  }
0x91: {  	_ =	swait.ge [sflag:s24], $0x2000  }
0x92: {  	[sflag:s24] =	ssyncset.done $0x0  }
0x93: {  	s29 =	simm.s32 $0x1480;
	[sflag:s24] =	ssyncadd.s32 $0xFFFFE000  }
0x94: {  	[spmem:s2] =	stream.indirect.scatter.add.f32 [tilespmem:s20], [sflag:$0x3], $0x80, s29, s19, $0xb8;
	[tilespmem:$0x1E800] =	vst v63  }
0x95: {  	_ =	swait.ge [sflag:s14], $0x4000  }
0x96: {  	[sflag:s14] =	ssyncset.done $0x0  }
0x97: {  	s29 =	simm.s32 $0x180;
	[sflag:s14] =	ssyncadd.s32 $0xFFFFC000  }
0x98: {  	[tilespmem:s20], [sflag:$0x2] =	stream.indirect.gather [hbm4b:s4+s16], $0x80, s29, s16, $0xb8;
	[tilespmem:$0x1E800] =	vst v63  }
0x99: {  	s30 =	simm.s32 $0x1C0;
	s29 =	simm.s32 $0x400  }
.LBB2_4:
0x9a: {  	[tilespmem:s22], [sflag:$0x2] =	stream.indirect.gather [hbm4b:s4+s16], $0x80, s30, s16, $0xb8;
	[tilespmem:$0x1E800] =	vst v63  }
0x9b: {  	s30 =	smov.u32 s29  }
0x9c: {  	p0 =	sne.s32 s29, $0x4800;
	s29 =	sadd.s32 $0x400, s29;
	_ =	swait.ge [sflag:s23], $0x2000  }
0x9d: {  	[sflag:s23] =	ssyncset.done $0x0  }
0x9e: {  	[sflag:s23] =	ssyncadd.s32 $0xFFFFE000  }
0x9f: {  	_ =	swait.ge [sflag:s23], $0x2000  }
0xa0: {  	s30 =	sshra.s32 s30, $0x2;
	[sflag:s23] =	ssyncset.done $0x0  }
0xa1: {  	s31 =	sadd.s32 $0x1400, s30;
	[sflag:s23] =	ssyncadd.s32 $0xFFFFE000  }
0xa2: {  	[spmem:s2] =	stream.indirect.scatter.add.f32 [tilespmem:s17], [sflag:$0x3], $0x80, s31, s19, $0xb8;
	[tilespmem:$0x1E800] =	vst v63  }
0xa3: {  	_ =	swait.ge [sflag:s14], $0x4000  }
0xa4: {  	[sflag:s14] =	ssyncset.done $0x0  }
0xa5: {  	s31 =	sadd.s32 $0x100, s30;
	[sflag:s14] =	ssyncadd.s32 $0xFFFFC000  }
0xa6: {  	[tilespmem:s17], [sflag:$0x1] =	stream.indirect.gather [hbm4b:s4+s16], $0x80, s31, s16, $0xb8;
	[tilespmem:$0x1E800] =	vst v63  }
0xa7: {  	s31 =	sadd.s32 $0x140, s30  }
0xa8: {  	[tilespmem:s18], [sflag:$0x1] =	stream.indirect.gather [hbm4b:s4+s16], $0x80, s31, s16, $0xb8;
	[tilespmem:$0x1E800] =	vst v63  }
0xa9: {  	_ =	swait.ge [sflag:s24], $0x2000  }
0xaa: {  	[sflag:s24] =	ssyncset.done $0x0  }
0xab: {  	[sflag:s24] =	ssyncadd.s32 $0xFFFFE000  }
0xac: {  	_ =	swait.ge [sflag:s24], $0x2000  }
0xad: {  	[sflag:s24] =	ssyncset.done $0x0  }
0xae: {  	s31 =	sadd.s32 $0x1480, s30;
	[sflag:s24] =	ssyncadd.s32 $0xFFFFE000  }
0xaf: {  	[spmem:s2] =	stream.indirect.scatter.add.f32 [tilespmem:s20], [sflag:$0x3], $0x80, s31, s19, $0xb8;
	[tilespmem:$0x1E800] =	vst v63  }
.Ltmp1:
0xb0: {  	_ =	swait.ge [sflag:s14], $0x4000;
	(pc) =	sbr.rel @p0 .LBB2_4-.Ltmp1, $4  }
0xb1: {  	[sflag:s14] =	ssyncset.done $0x0  }
0xb2: {  	s31 =	sadd.s32 $0x180, s30;
	[sflag:s14] =	ssyncadd.s32 $0xFFFFC000  }
0xb3: {  	[tilespmem:s20], [sflag:$0x2] =	stream.indirect.gather [hbm4b:s4+s16], $0x80, s31, s16, $0xb8;
	[tilespmem:$0x1E800] =	vst v63  }
0xb4: {  	s30 =	sadd.s32 $0x1C0, s30  }
0xb5: {  	[tilespmem:s22], [sflag:$0x2] =	stream.indirect.gather [hbm4b:s4+s16], $0x80, s30, s16, $0xb8;
	[tilespmem:$0x1E800] =	vst v63  }
0xb6: {  	_ =	swait.ge [sflag:s23], $0x2000  }
0xb7: {  	[sflag:s23] =	ssyncset.done $0x0  }
0xb8: {  	[sflag:s23] =	ssyncadd.s32 $0xFFFFE000  }
0xb9: {  	_ =	swait.ge [sflag:s23], $0x2000  }
0xba: {  	[sflag:s23] =	ssyncset.done $0x0  }
0xbb: {  	[sflag:s23] =	ssyncadd.s32 $0xFFFFE000  }
0xbc: {  	[spmem:s2] =	stream.indirect.scatter.add.f32 [tilespmem:s17], [sflag:$0x3], $0x80, s25, s19, $0xb8;
	[tilespmem:$0x1E800] =	vst v63  }
0xbd: {  	_ =	swait.ge [sflag:s14], $0x4000  }
0xbe: {  	[sflag:s14] =	ssyncset.done $0x0  }
0xbf: {  	[sflag:s14] =	ssyncadd.s32 $0xFFFFC000  }
0xc0: {  	_ =	swait.ge [sflag:s24], $0x2000  }
0xc1: {  	[sflag:s24] =	ssyncset.done $0x0  }
0xc2: {  	[sflag:s24] =	ssyncadd.s32 $0xFFFFE000  }
0xc3: {  	_ =	swait.ge [sflag:s24], $0x2000  }
0xc4: {  	[sflag:s24] =	ssyncset.done $0x0  }
0xc5: {  	[sflag:s24] =	ssyncadd.s32 $0xFFFFE000  }
0xc6: {  	[spmem:s2] =	stream.indirect.scatter.add.f32 [tilespmem:s20], [sflag:$0x3], $0x80, s26, s19, $0xb8;
	[tilespmem:$0x1E800] =	vst v63  }
0xc7: {  	_ =	swait.ge [sflag:s14], $0x4000  }
0xc8: {  	s28 =	sadd.s32 $0x1, s28;
	[sflag:s14] =	ssyncset.done $0x0  }
0xc9: {  	p0 =	sne.s32 s28, s12;
	[sflag:s14] =	ssyncadd.s32 $0xFFFFC000  }
.Ltmp2:
0xca: {  	[bflag:$0x0] =	sbarrier.arrive $0xFFFF;
	(pc) =	sbr.rel @p0 .LBB2_1-.Ltmp2, $4  }
0xcb: {  	[hbm:s11], [sflag:s6] =	dma.local [spmem:s13], $0x2800  }
0xcc: {  	_ =	swait.ge [sflag:s14], $0x2800  }
0xcd: {  	[sflag:s14] =	ssyncset.done $0x0  }
0xce: {  	[sflag:s14] =	ssyncadd.s32 $0xFFFFD800  }
0xcf: {  	_ =	sfence.sel $0x180000  }
0xd0: {  	[bflag:$0x0] =	sbarrier.arrive $0xFFFF  }
0xd1: {  	p0 =	sne.s32 s1, $0x0;
	_ =	strace $0x9000004A  }
0xd2: {  	s0 =	sadd.s32 @!p0 $0x100000, s0;
	[bflag:$0x2] =	sbarrier.arrive $0xFFFF  }
0xd3: {  	[sflag:s0] =	ssyncadd.tile.s32 @!p0 $0x1;
	_ =	shalt  }
.Lfunc_end2:
_tile_overlayer_lowered:
.L_overlay_start_2:
0xd4: {  	(tag) =	ssettag $0x2  }
0xd5: {  	s0 =	rddreg [dreg:$0x0];
	s2 =	stileid.u32  }
0xd6: {  	s1 =	rddreg [dreg:$0x1];
	p0 =	sne.s32 s2, $0x0  }
0xd7: {  	s3 =	rddreg [dreg:$0x2];
	[bflag:$0x3] =	sbarrier.arrive $0xFFFF;
	s2 =	simm.s32 @!p0 $0x1C03  }
0xd8: {  	[timem:s3], [sflag:s2] =	dma.local @!p0 [hbm:s0], s1  }
0xd9: {  	s0 =	simm.s32 @!p0 $0x3  }
0xda: {  	_ =	swait.ge @!p0 [sflag:s0], s1  }
0xdb: {  	s1 =	ssub.s32 @!p0 $0x0, s1;
	[sflag:s0] =	ssyncset.done @!p0 $0x0  }
0xdc: {  	[sflag:s0] =	ssyncadd.s32 @!p0 s1  }
0xdd: {  	[bflag:$0x3] =	sbarrier.arrive $0xFFFF  }
0xde: {  	_ =	shalt  }

// kernel: kernel.14.cloned.1.call-start
scs
__scs_entry_jumppad:
0x0: {  	(pc) =	sbr.rel $0x88, $3  }
0x1: {  	(tag) =	ssettag $0x0;
	lr =	simm.s32 $0x1  }
0x2: {  	[smem:$0x3F9B] =	sst lr;
	_ =	strace $0xD0000000  }
0x3: {  	_ = 	snop  }
0x4: {  	_ = 	snop  }
0x5: {  	_ = 	snop  }
0x6: {  	_ = 	snop  }
0x7: {  	_ = 	snop  }
__scs_overlays_trampoline_lowered:
0x8: {  	[smem:$0x3FAA] =	sst s0  }
0x9: {  	[smem:$0x3FAB] =	sst s1  }
0xa: {  	[smem:$0x3FAC] =	sst s2  }
0xb: {  	[smem:$0x3FAD] =	sst s3  }
0xc: {  	[smem:$0x3FAE] =	sst s4  }
0xd: {  	[smem:$0x3FAF] =	sst s5  }
0xe: {  	[smem:$0x3FB0] =	sst s6  }
0xf: {  	[smem:$0x3FB1] =	sst s7  }
0x10: {  	[smem:$0x3FB2] =	sst s8  }
0x11: {  	[smem:$0x3FB3] =	sst s9;
	s0 =	simm.s32 @!p0 $0x0  }
0x12: {  	s1 =	sld [smem:$0x3F99];
	s0 =	simm.s32 @p0 $0x1  }
0x13: {  	[smem:$0x3FB4] =	sst s0;
	s0 =	simm.s32 @!p1 $0x0  }
0x14: {  	s2 =	sld [smem:$0x3F98];
	s0 =	simm.s32 @p1 $0x1  }
0x15: {  	[smem:$0x3FB5] =	sst s0;
	s0 =	simm.s32 @!p2 $0x0  }
0x16: {  	s3 =	sld [smem:$0x3FDB];
	s0 =	simm.s32 @p2 $0x1  }
0x17: {  	s4 =	simm.s32 $0x1BF5;
	[smem:$0x3FB7] =	sst s0  }
0x18: {  	s0 =	sld [smem:$0x3F9A];
	_ =	swait.ge [sflag:s4], $0x0  }
0x19: {  	s7 =	sld [smem:$0x3F9B]  }
0x1a: {  	s8 =	sadd.s32 $0xFFFFE003, lr  }
0x1b: {  	s9 =	sadd.s32 $0xFFFFFEF7, lr;
	s5 =	simm.s32 $0xFFFFFFFF;
	p2 =	slt.u32 s8, $0xFFFFF086  }
0x1c: {  	p1 =	slt.u32 s9, $0xF7A;
	s5 =	simm.s32 @!p2 $0x0  }
0x1d: {  	s5 =	simm.s32 @p1 $0x1;
	p0 =	seq.s32 s7, s2  }
0x1e: {  	s7 =	smul.u32 @!p0 $0xF7A, s2;
	p2 =	seq.s32 @!p0 s5, $0x0  }
0x1f: {  	s9 =	smul.u32 $0xF7A, s1;
	s8 =	simm.s32 @!p0 $0x1BF5;
	p2 =	por !p2, p0  }
0x20: {  	[sflag:s8] =	ssyncset.s32 @!p0 $0xFFFFF086;
	s6 =	sadd.s32 @!p0 s3, s7;
	s7 =	simm.s32 @!p0 $0x108  }
0x21: {  	s3 =	sadd.s32 s3, s9;
	s6 =	sadd.s32 @!p0 $0x88, s6;
	s7 =	simm.s32 @p2 $0x1082  }
0x22: {  	[simem:s7], [sflag:s8] =	dma.local @!p0 [hbm:s6], $0xF7A  }
0x23: {  	s9 =	sor.u32 $0xD0000000, s2;
	s6 =	simm.s32 $0x108;
	_ =	swait.ge @!p0 [sflag:s8], $0x0  }
0x24: {  	s3 =	sadd.s32 $0x88, s3;
	s6 =	simm.s32 @!p1 $0x1082;
	[sflag:s4] =	ssyncset.s32 $0xFFFFF086  }
0x25: {  	[simem:s6], [sflag:s4] =	dma.local [hbm:s3], $0xF7A  }
0x26: {  	[smem:$0x3F9B] =	sst s1;
	(tag) =	ssettag s2;
	_ =	strace s9  }
0x27: {  	s1 =	sld [smem:$0x3FAB]  }
0x28: {  	s2 =	sld [smem:$0x3FAC]  }
0x29: {  	s4 =	sld [smem:$0x3FAE]  }
0x2a: {  	p0 =	seq.s32 s5, $0x0;
	s5 =	sld [smem:$0x3FAF]  }
0x2b: {  	s6 =	sld [smem:$0x3FB0]  }
0x2c: {  	s7 =	sld [smem:$0x3FB1]  }
0x2d: {  	s3 =	simm.s32 $0x108;
	s8 =	sld [smem:$0x3FB2]  }
0x2e: {  	s3 =	simm.s32 @!p0 $0x1082;
	s9 =	sld [smem:$0x3FB3]  }
0x2f: {  	lr =	sadd.s32 s0, s3;
	s0 =	sld [smem:$0x3FAA]  }
0x30: {  	s3 =	sld [smem:$0x3FAD]  }
0x31: {  	[smem:$0x3FB6] =	sst s10  }
0x32: {  	s10 =	sld [smem:$0x3FB4];
	_ =	sdelay $0x3  }
0x33: {  	p0 =	seq.s32 s10, $0x1;
	s10 =	sld [smem:$0x3FB6];
	_ =	sdelay $0x3  }
0x34: {  	[smem:$0x3FB6] =	sst s10  }
0x35: {  	s10 =	sld [smem:$0x3FB5];
	_ =	sdelay $0x3  }
0x36: {  	p1 =	seq.s32 s10, $0x1;
	s10 =	sld [smem:$0x3FB6];
	_ =	sdelay $0x3  }
0x37: {  	[smem:$0x3FB6] =	sst s10  }
0x38: {  	s10 =	sld [smem:$0x3FB7]  }
0x39: {  	_ = 	snop;
	(pc) =	sbr.ind lr, $3  }
0x3a: {  	_ = 	snop  }
0x3b: {  	_ = 	snop  }
0x3c: {  	p2 =	seq.s32 s10, $0x1;
	s10 =	sld [smem:$0x3FB6]  }
0x3d: {  	_ =	shalt  }
0x3e: {  	_ =	shalt  }
0x3f: {  	_ =	shalt  }
0x40: {  	_ =	shalt  }
0x41: {  	_ =	shalt  }
0x42: {  	_ =	shalt  }
0x43: {  	_ =	shalt  }
0x44: {  	_ =	shalt  }
0x45: {  	_ =	shalt  }
0x46: {  	_ =	shalt  }
0x47: {  	_ =	shalt  }
0x48: {  	_ =	shalt  }
0x49: {  	_ =	shalt  }
0x4a: {  	_ =	shalt  }
0x4b: {  	_ =	shalt  }
0x4c: {  	_ =	shalt  }
0x4d: {  	_ =	shalt  }
0x4e: {  	_ =	shalt  }
0x4f: {  	_ =	shalt  }
0x50: {  	_ =	shalt  }
0x51: {  	_ =	shalt  }
0x52: {  	_ =	shalt  }
0x53: {  	_ =	shalt  }
0x54: {  	_ =	shalt  }
0x55: {  	_ =	shalt  }
0x56: {  	_ =	shalt  }
0x57: {  	_ =	shalt  }
0x58: {  	_ =	shalt  }
0x59: {  	_ =	shalt  }
0x5a: {  	_ =	shalt  }
0x5b: {  	_ =	shalt  }
0x5c: {  	_ =	shalt  }
0x5d: {  	_ =	shalt  }
0x5e: {  	_ =	shalt  }
0x5f: {  	_ =	shalt  }
0x60: {  	_ =	shalt  }
0x61: {  	_ =	shalt  }
0x62: {  	_ =	shalt  }
0x63: {  	_ =	shalt  }
0x64: {  	_ =	shalt  }
0x65: {  	_ =	shalt  }
0x66: {  	_ =	shalt  }
0x67: {  	_ =	shalt  }
0x68: {  	_ =	shalt  }
0x69: {  	_ =	shalt  }
0x6a: {  	_ =	shalt  }
0x6b: {  	_ =	shalt  }
0x6c: {  	_ =	shalt  }
0x6d: {  	_ =	shalt  }
0x6e: {  	_ =	shalt  }
0x6f: {  	_ =	shalt  }
0x70: {  	_ =	shalt  }
0x71: {  	_ =	shalt  }
0x72: {  	_ =	shalt  }
0x73: {  	_ =	shalt  }
0x74: {  	_ =	shalt  }
0x75: {  	_ =	shalt  }
0x76: {  	_ =	shalt  }
0x77: {  	_ =	shalt  }
0x78: {  	_ =	shalt  }
0x79: {  	_ =	shalt  }
0x7a: {  	_ =	shalt  }
0x7b: {  	_ =	shalt  }
0x7c: {  	_ =	shalt  }
0x7d: {  	_ =	shalt  }
0x7e: {  	_ =	shalt  }
0x7f: {  	_ =	shalt  }
0x80: {  	_ =	shalt  }
0x81: {  	_ =	shalt  }
0x82: {  	_ =	shalt  }
0x83: {  	_ =	shalt  }
0x84: {  	_ =	shalt  }
0x85: {  	_ =	shalt  }
0x86: {  	_ =	shalt  }
0x87: {  	_ =	shalt  }
.Lfunc_end0:
.L_simem_size_0:
called_computation.2_lowered:
.L_overlay_start_0:
0x88: {  	s2 =	sld [smem:$0x3FD9]  }
0x89: {  	s3 =	sld [smem:$0x3FFE];
	_ =	sdelay $0x1  }
0x8a: {  	s1 =	srdreg.scid  }
0x8b: {  	s0 =	sand.u32 $0x1, s1  }
0x8c: {  	s17 =	sshll.u32 s0, $0xA;
	s2 =	sadd.s32 s3, s2  }
0x8d: {  	s2 =	sadd.s32 s2, s17  }
0x8e: {  	[smem:$0x3FC2] =	sst s2  }
0x8f: {  	_ = 	snop  }
0x90: {  	s2 =	sld [smem:$0x3FD0];
	(tm) =	ssettm $0x1  }
0x91: {  	s18 =	sld [smem:$0x3FFB];
	_ =	sdelay $0x3  }
0x92: {  	_ =	strace s18  }
0x93: {  	s3 =	sld [smem:$0x3FFC];
	_ =	sdelay $0x3  }
0x94: {  	_ =	strace s3  }
0x95: {  	s3 =	sld [smem:$0x3FFD];
	_ =	sdelay $0x3  }
0x96: {  	_ =	strace s3  }
0x97: {  	_ =	strace $0x8FFFFFFF  }
0x98: {  	s19 =	sld [smem:$0x3FDB];
	_ =	sdelay $0x1  }
0x99: {  	s4 =	simm.s32 $_scs_section_size  }
0x9a: {  	s5 =	simm.s32 $_size__tile_overlayer_lowered;
	s6 =	simm.s32 $_tile_overlayer_lowered  }
0x9b: {  	s22 =	simm.s32 $0x1BFF;
	s21 =	sshll.u32 s6, $0x1;
	s3 =	sadd.s32 s4, s19  }
0x9c: {  	s7 =	simm.s32 $0x0;
	s20 =	sshll.u32 s5, $0x1;
	s5 =	sadd.s32 s21, s3  }
0x9d: {  	[timem:s7], [sflag:s22] =	dma.local [hbm:s5], s20  }
0x9e: {  	_ =	swait.ge [sflag:s22], s20  }
0x9f: {  	s4 =	ssub.s32 $0x0, s20;
	[sflag:s22] =	ssyncset.done $0x0  }
0xa0: {  	[sflag:s22] =	ssyncadd.s32 s4;
	_ =	sdelay $0x1  }
0xa1: {  	s23 =	simm.s32 $0x1B8B  }
0xa2: {  	_ =	swait.ge [sflag:s23], $0x1  }
0xa3: {  	[sflag:s23] =	ssyncset.done $0x0  }
0xa4: {  	s25 =	simm.s32 $0x1B8E;
	s24 =	sld [smem:$0x3FFE];
	[sflag:s23] =	ssyncadd.s32 $0xFFFFFFFF  }
0xa5: {  	s26 =	simm.s32 $execute0_lowered;
	[smem:$0x3FD2] =	sst s25  }
0xa6: {  	s5 =	sshll.u32 s26, $0x1;
	_ =	strace $0x8000004C;
	[dreg:$0x1] =	wrdreg $0xFFFFFFFF  }
0xa7: {  	s28 =	simm.s32 $_size_execute0_lowered;
	s3 =	sadd.s32 s3, s5;
	[dreg:$0x0] =	wrdreg $0x0  }
0xa8: {  	s5 =	sshll.u32 s28, $0x1;
	[dreg:$0x2] =	wrdreg s3  }
0xa9: {  	[dreg:$0x3] =	wrdreg s5  }
0xaa: {  	[dreg:$0x4] =	wrdreg $0xC0  }
0xab: {  	_ =	task [dreg:s7], $0x5FFFF  }
0xac: {  	[dreg:$0x1] =	wrdreg $0xFFFFFFFF  }
0xad: {  	[dreg:$0x0] =	wrdreg $0x60  }
0xae: {  	[dreg:$0x2] =	wrdreg s24  }
0xaf: {  	[dreg:$0x3] =	wrdreg s2  }
0xb0: {  	[dreg:$0x4] =	wrdreg $0xA8000  }
0xb1: {  	[dreg:$0x5] =	wrdreg $0x9  }
0xb2: {  	_ =	task.clear_ibuf [dreg:s7], $0x6FFFF;
	_ =	strace $0x9000004C  }
0xb3: {  	s29 =	simm.s32 $0x9;
	_ =	strace $0x8000004E  }
0xb4: {  	_ =	swait.ge [sflag:s29], $0x1  }
0xb5: {  	[sflag:s29] =	ssyncadd.s32 $0xFFFFFFFF  }
0xb6: {  	_ =	strace $0x9000004E  }
0xb7: {  	_ =	sfence  }
0xb8: {  	s30 =	sld [smem:$0x0];
	_ =	sdelay $0x2  }
0xb9: {  	s31 =	sshll.u32 s1, $0xD;
	s1 =	sshrl.u32 s1, $0x2  }
0xba: {  	s3 =	sand.u32 $0x4000, s31;
	s1 =	sadd.s32 s1, s30  }
0xbb: {  	s0 =	sor.u32 s3, s0;
	s1 =	sshll.u32 s1, $0x11  }
0xbc: {  	s0 =	sor.u32 s1, s0  }
0xbd: {  	s0 =	sadd.s32 $0x8F2B, s0  }
0xbe: {  	[sflag:s0] =	ssyncadd.remote.s32 $0x1  }
0xbf: {  	_ =	sfence.sel $0xFFFF  }
0xc0: {  	[dreg:$0x0] =	wrdreg $0xFFFFFFFF;
	(pc) =	sbr.abs _section_cstart, $3  }
0xc1: {  	[dreg:$0x1] =	wrdreg $0xFFFFFFFF  }
0xc2: {  	_ =	task.clear_ibuf [dreg:s7], $0x2FFFF;
	_ =	strace $0x9FFFFFFF  }
0xc3: {  	(tm) =	ssettm $0x7FFFFFFF  }
tec
execute0_lowered:
.L_overlay_start_1:
0x0: {  	(tag) =	ssettag $0x1  }
0x1: {  	s5 =	rddreg [dreg:$0x0]  }
0x2: {  	s9 =	rddreg [dreg:$0x1]  }
0x3: {  	s2 =	rddreg [dreg:$0x2]  }
0x4: {  	s0 =	rddreg [dreg:$0x3]  }
0x5: {  	s3 =	simm.s32 $0x0;
	s4 =	srdreg.scid;
	s1 =	stileid.u32  }
0x6: {  	s17 =	simm.s32 $0x2800;
	s18 =	simm.s32 $0x4800;
	s19 =	simm.s32 $0x80  }
0x7: {  	s20 =	simm.s32 $0x6800;
	s21 =	simm.s32 $0xC0;
	s22 =	simm.s32 $0x8800  }
0x8: {  	s23 =	simm.s32 $0x1;
	s24 =	simm.s32 $0x2;
	s25 =	simm.s32 $0x2700  }
0x9: {  	s26 =	simm.s32 $0x2780;
	s28 =	simm.s32 $0x0;
	[smem:$0x7FF] =	sst s3  }
0xa: {  	s6 =	sand.u32 $0x1, s4;
	s7 =	smul.u32 $0x2800, s1;
	s4 =	sadd.s32 $0xC800, s5  }
0xb: {  	s10 =	sadd.s32 $0x2800, s5;
	s12 =	smul.u32 $0x50000, s1;
	s29 =	sshll.u32 s1, $0x6  }
0xc: {  	s8 =	smul.u32 $0x28000, s6;
	s11 =	sshll.u32 s6, $0x4;
	s6 =	ssub.s32 $0x2, s6  }
0xd: {  	_ =	strace $0x8000004D;
	s11 =	sor.u32 s1, s11;
	s13 =	sshrl.u32 s6, $0x1  }
0xe: {  	s12 =	sshrl.u32 s12, $0x2;
	s8 =	sadd.s32 s7, s8;
	s14 =	smul.u32 $0x2800, s11  }
0xf: {  	s13 =	ssub.s32 s6, s13;
	s16 =	sadd.s32 s12, s2;
	s30 =	smul.u32 $0x500, s11  }
0x10: {  	s6 =	sor.u32 $0x1C03, s29;
	s15 =	sadd.s32 s8, s5;
	s5 =	sadd.s32 s4, s7  }
0x11: {  	s12 =	smax.u32 s13, $0x1;
	s13 =	sshrl.u32 s16, $0x3;
	s31 =	sshrl.u32 s14, $0x3  }
0x12: {  	s16 =	simm.s32 $0x40;
	s7 =	sadd.s32 s9, s30;
	s11 =	sadd.s32 $0x280, s31  }
0x13: {  	s8 =	sadd.s32 s10, s30;
	s14 =	simm.s32 $0x3;
	s9 =	sadd.s32 s9, s11  }
0x14: {  	s10 =	sadd.s32 s10, s11;
	s11 =	sadd.s32 $0x34800, s15;
	s15 =	simm.s32 $0x1400  }
.LBB2_1:
0x15: {  	[spmem:s13], [sflag:s6] =	dma.local [hbm:s5], $0x2800  }
0x16: {  	_ =	swait.ge [sflag:s14], $0x2800  }
0x17: {  	[sflag:s14] =	ssyncset.done $0x0  }
0x18: {  	[sflag:s14] =	ssyncadd.s32 $0xFFFFD800  }
0x19: {  	[bflag:$0x0] =	sbarrier.arrive $0xFFFF  }
0x1a: {  	[tilespmem:s3], [sflag:$0x3] =	stream.linear.gather [hbm4b:s7+s3], $0x1400, $0x38;
	[tilespmem:$0x1E800] =	vst v63  }
0x1b: {  	_ =	swait.ge [sflag:s14], $0x1400  }
0x1c: {  	[sflag:s14] =	ssyncset.done $0x0  }
0x1d: {  	[sflag:s14] =	ssyncadd.s32 $0xFFFFEC00  }
0x1e: {  	[tilespmem:s15], [sflag:$0x3] =	stream.linear.gather [hbm4b:s8+s3], $0x1400, $0x38;
	[tilespmem:$0x1E800] =	vst v63  }
0x1f: {  	_ =	swait.ge [sflag:s14], $0x1400  }
0x20: {  	[sflag:s14] =	ssyncset.done $0x0  }
0x21: {  	[sflag:s14] =	ssyncadd.s32 $0xFFFFEC00  }
0x22: {  	[tilespmem:s17], [sflag:$0x1] =	stream.indirect.gather [hbm4b:s4+s16], $0x80, s3, s16, $0xb8;
	[tilespmem:$0x1E800] =	vst v63  }
0x23: {  	_ = 	snop  }
0x24: {  	[tilespmem:s18], [sflag:$0x1] =	stream.indirect.gather [hbm4b:s4+s16], $0x80, s16, s16, $0xb8;
	[tilespmem:$0x1E800] =	vst v63  }
0x25: {  	_ = 	snop  }
0x26: {  	[tilespmem:s20], [sflag:$0x2] =	stream.indirect.gather [hbm4b:s4+s16], $0x80, s19, s16, $0xb8;
	[tilespmem:$0x1E800] =	vst v63  }
0x27: {  	_ = 	snop  }
0x28: {  	[tilespmem:s22], [sflag:$0x2] =	stream.indirect.gather [hbm4b:s4+s16], $0x80, s21, s16, $0xb8;
	[tilespmem:$0x1E800] =	vst v63  }
0x29: {  	_ =	swait.ge [sflag:s23], $0x2000  }
0x2a: {  	[sflag:s23] =	ssyncset.done $0x0  }
0x2b: {  	[sflag:s23] =	ssyncadd.s32 $0xFFFFE000  }
0x2c: {  	_ =	swait.ge [sflag:s23], $0x2000  }
0x2d: {  	[sflag:s23] =	ssyncset.done $0x0  }
0x2e: {  	s29 =	simm.s32 $0x1400;
	[sflag:s23] =	ssyncadd.s32 $0xFFFFE000  }
0x2f: {  	[spmem:s2] =	stream.indirect.scatter.add.f32 [tilespmem:s17], [sflag:$0x3], $0x80, s29, s19, $0xb8;
	[tilespmem:$0x1E800] =	vst v63  }
0x30: {  	_ =	swait.ge [sflag:s14], $0x4000  }
0x31: {  	[sflag:s14] =	ssyncset.done $0x0  }
0x32: {  	s29 =	simm.s32 $0x100;
	[sflag:s14] =	ssyncadd.s32 $0xFFFFC000  }
0x33: {  	[tilespmem:s17], [sflag:$0x1] =	stream.indirect.gather [hbm4b:s4+s16], $0x80, s29, s16, $0xb8;
	[tilespmem:$0x1E800] =	vst v63  }
0x34: {  	s29 =	simm.s32 $0x140  }
0x35: {  	[tilespmem:s18], [sflag:$0x1] =	stream.indirect.gather [hbm4b:s4+s16], $0x80, s29, s16, $0xb8;
	[tilespmem:$0x1E800] =	vst v63  }
0x36: {  	_ =	swait.ge [sflag:s24], $0x2000  }
0x37: {  	[sflag:s24] =	ssyncset.done $0x0  }
0x38: {  	[sflag:s24] =	ssyncadd.s32 $0xFFFFE000  }
0x39: {  	_ =	swait.ge [sflag:s24], $0x2000  }
0x3a: {  	[sflag:s24] =	ssyncset.done $0x0  }
0x3b: {  	s29 =	simm.s32 $0x1480;
	[sflag:s24] =	ssyncadd.s32 $0xFFFFE000  }
0x3c: {  	[spmem:s2] =	stream.indirect.scatter.add.f32 [tilespmem:s20], [sflag:$0x3], $0x80, s29, s19, $0xb8;
	[tilespmem:$0x1E800] =	vst v63  }
0x3d: {  	_ =	swait.ge [sflag:s14], $0x4000  }
0x3e: {  	[sflag:s14] =	ssyncset.done $0x0  }
0x3f: {  	s29 =	simm.s32 $0x180;
	[sflag:s14] =	ssyncadd.s32 $0xFFFFC000  }
0x40: {  	[tilespmem:s20], [sflag:$0x2] =	stream.indirect.gather [hbm4b:s4+s16], $0x80, s29, s16, $0xb8;
	[tilespmem:$0x1E800] =	vst v63  }
0x41: {  	s30 =	simm.s32 $0x1C0;
	s29 =	simm.s32 $0x400  }
.LBB2_2:
0x42: {  	[tilespmem:s22], [sflag:$0x2] =	stream.indirect.gather [hbm4b:s4+s16], $0x80, s30, s16, $0xb8;
	[tilespmem:$0x1E800] =	vst v63  }
0x43: {  	s30 =	smov.u32 s29  }
0x44: {  	p0 =	sne.s32 s29, $0x4800;
	s29 =	sadd.s32 $0x400, s29;
	_ =	swait.ge [sflag:s23], $0x2000  }
0x45: {  	[sflag:s23] =	ssyncset.done $0x0  }
0x46: {  	[sflag:s23] =	ssyncadd.s32 $0xFFFFE000  }
0x47: {  	_ =	swait.ge [sflag:s23], $0x2000  }
0x48: {  	s30 =	sshra.s32 s30, $0x2;
	[sflag:s23] =	ssyncset.done $0x0  }
0x49: {  	s31 =	sadd.s32 $0x1400, s30;
	[sflag:s23] =	ssyncadd.s32 $0xFFFFE000  }
0x4a: {  	[spmem:s2] =	stream.indirect.scatter.add.f32 [tilespmem:s17], [sflag:$0x3], $0x80, s31, s19, $0xb8;
	[tilespmem:$0x1E800] =	vst v63  }
0x4b: {  	_ =	swait.ge [sflag:s14], $0x4000  }
0x4c: {  	[sflag:s14] =	ssyncset.done $0x0  }
0x4d: {  	s31 =	sadd.s32 $0x100, s30;
	[sflag:s14] =	ssyncadd.s32 $0xFFFFC000  }
0x4e: {  	[tilespmem:s17], [sflag:$0x1] =	stream.indirect.gather [hbm4b:s4+s16], $0x80, s31, s16, $0xb8;
	[tilespmem:$0x1E800] =	vst v63  }
0x4f: {  	s31 =	sadd.s32 $0x140, s30  }
0x50: {  	[tilespmem:s18], [sflag:$0x1] =	stream.indirect.gather [hbm4b:s4+s16], $0x80, s31, s16, $0xb8;
	[tilespmem:$0x1E800] =	vst v63  }
0x51: {  	_ =	swait.ge [sflag:s24], $0x2000  }
0x52: {  	[sflag:s24] =	ssyncset.done $0x0  }
0x53: {  	[sflag:s24] =	ssyncadd.s32 $0xFFFFE000  }
0x54: {  	_ =	swait.ge [sflag:s24], $0x2000  }
0x55: {  	[sflag:s24] =	ssyncset.done $0x0  }
0x56: {  	s31 =	sadd.s32 $0x1480, s30;
	[sflag:s24] =	ssyncadd.s32 $0xFFFFE000  }
0x57: {  	[spmem:s2] =	stream.indirect.scatter.add.f32 [tilespmem:s20], [sflag:$0x3], $0x80, s31, s19, $0xb8;
	[tilespmem:$0x1E800] =	vst v63  }
.Ltmp0:
0x58: {  	_ =	swait.ge [sflag:s14], $0x4000;
	(pc) =	sbr.rel @p0 .LBB2_2-.Ltmp0, $4  }
0x59: {  	[sflag:s14] =	ssyncset.done $0x0  }
0x5a: {  	s31 =	sadd.s32 $0x180, s30;
	[sflag:s14] =	ssyncadd.s32 $0xFFFFC000  }
0x5b: {  	[tilespmem:s20], [sflag:$0x2] =	stream.indirect.gather [hbm4b:s4+s16], $0x80, s31, s16, $0xb8;
	[tilespmem:$0x1E800] =	vst v63  }
0x5c: {  	s30 =	sadd.s32 $0x1C0, s30  }
0x5d: {  	[tilespmem:s22], [sflag:$0x2] =	stream.indirect.gather [hbm4b:s4+s16], $0x80, s30, s16, $0xb8;
	[tilespmem:$0x1E800] =	vst v63  }
0x5e: {  	_ =	swait.ge [sflag:s23], $0x2000  }
0x5f: {  	[sflag:s23] =	ssyncset.done $0x0  }
0x60: {  	[sflag:s23] =	ssyncadd.s32 $0xFFFFE000  }
0x61: {  	_ =	swait.ge [sflag:s23], $0x2000  }
0x62: {  	[sflag:s23] =	ssyncset.done $0x0  }
0x63: {  	[sflag:s23] =	ssyncadd.s32 $0xFFFFE000  }
0x64: {  	[spmem:s2] =	stream.indirect.scatter.add.f32 [tilespmem:s17], [sflag:$0x3], $0x80, s25, s19, $0xb8;
	[tilespmem:$0x1E800] =	vst v63  }
0x65: {  	_ =	swait.ge [sflag:s14], $0x4000  }
0x66: {  	[sflag:s14] =	ssyncset.done $0x0  }
0x67: {  	[sflag:s14] =	ssyncadd.s32 $0xFFFFC000  }
0x68: {  	_ =	swait.ge [sflag:s24], $0x2000  }
0x69: {  	[sflag:s24] =	ssyncset.done $0x0  }
0x6a: {  	[sflag:s24] =	ssyncadd.s32 $0xFFFFE000  }
0x6b: {  	_ =	swait.ge [sflag:s24], $0x2000  }
0x6c: {  	[sflag:s24] =	ssyncset.done $0x0  }
0x6d: {  	[sflag:s24] =	ssyncadd.s32 $0xFFFFE000  }
0x6e: {  	[spmem:s2] =	stream.indirect.scatter.add.f32 [tilespmem:s20], [sflag:$0x3], $0x80, s26, s19, $0xb8;
	[tilespmem:$0x1E800] =	vst v63  }
0x6f: {  	_ =	swait.ge [sflag:s14], $0x4000  }
0x70: {  	[sflag:s14] =	ssyncset.done $0x0  }
0x71: {  	s29 =	simm.s32 $0x0;
	[sflag:s14] =	ssyncadd.s32 $0xFFFFC000  }
0x72: {  	[tilespmem:s29], [sflag:$0x3] =	stream.linear.gather [hbm4b:s9+s29], $0x1400, $0x38;
	[tilespmem:$0x1E800] =	vst v63  }
0x73: {  	_ =	swait.ge [sflag:s14], $0x1400  }
0x74: {  	[sflag:s14] =	ssyncset.done $0x0  }
0x75: {  	[sflag:s14] =	ssyncadd.s32 $0xFFFFEC00  }
0x76: {  	[tilespmem:s15], [sflag:$0x3] =	stream.linear.gather [hbm4b:s10+s29], $0x1400, $0x38;
	[tilespmem:$0x1E800] =	vst v63  }
0x77: {  	_ =	swait.ge [sflag:s14], $0x1400  }
0x78: {  	[sflag:s14] =	ssyncset.done $0x0  }
0x79: {  	[sflag:s14] =	ssyncadd.s32 $0xFFFFEC00  }
0x7a: {  	[tilespmem:s17], [sflag:$0x1] =	stream.indirect.gather [hbm4b:s4+s16], $0x80, s29, s16, $0xb8;
	[tilespmem:$0x1E800] =	vst v63  }
0x7b: {  	_ = 	snop  }
0x7c: {  	[tilespmem:s18], [sflag:$0x1] =	stream.indirect.gather [hbm4b:s4+s16], $0x80, s16, s16, $0xb8;
	[tilespmem:$0x1E800] =	vst v63  }
0x7d: {  	_ = 	snop  }
0x7e: {  	[tilespmem:s20], [sflag:$0x2] =	stream.indirect.gather [hbm4b:s4+s16], $0x80, s19, s16, $0xb8;
	[tilespmem:$0x1E800] =	vst v63  }
0x7f: {  	_ = 	snop  }
0x80: {  	[tilespmem:s22], [sflag:$0x2] =	stream.indirect.gather [hbm4b:s4+s16], $0x80, s21, s16, $0xb8;
	[tilespmem:$0x1E800] =	vst v63  }
0x81: {  	_ =	swait.ge [sflag:s23], $0x2000  }
0x82: {  	[sflag:s23] =	ssyncset.done $0x0  }
0x83: {  	[sflag:s23] =	ssyncadd.s32 $0xFFFFE000  }
0x84: {  	_ =	swait.ge [sflag:s23], $0x2000  }
0x85: {  	[sflag:s23] =	ssyncset.done $0x0  }
0x86: {  	s29 =	simm.s32 $0x1400;
	[sflag:s23] =	ssyncadd.s32 $0xFFFFE000  }
0x87: {  	[spmem:s2] =	stream.indirect.scatter.add.f32 [tilespmem:s17], [sflag:$0x3], $0x80, s29, s19, $0xb8;
	[tilespmem:$0x1E800] =	vst v63  }
0x88: {  	_ =	swait.ge [sflag:s14], $0x4000  }
0x89: {  	[sflag:s14] =	ssyncset.done $0x0  }
0x8a: {  	s29 =	simm.s32 $0x100;
	[sflag:s14] =	ssyncadd.s32 $0xFFFFC000  }
0x8b: {  	[tilespmem:s17], [sflag:$0x1] =	stream.indirect.gather [hbm4b:s4+s16], $0x80, s29, s16, $0xb8;
	[tilespmem:$0x1E800] =	vst v63  }
0x8c: {  	s29 =	simm.s32 $0x140  }
0x8d: {  	[tilespmem:s18], [sflag:$0x1] =	stream.indirect.gather [hbm4b:s4+s16], $0x80, s29, s16, $0xb8;
	[tilespmem:$0x1E800] =	vst v63  }
0x8e: {  	_ =	swait.ge [sflag:s24], $0x2000  }
0x8f: {  	[sflag:s24] =	ssyncset.done $0x0  }
0x90: {  	[sflag:s24] =	ssyncadd.s32 $0xFFFFE000  }
0x91: {  	_ =	swait.ge [sflag:s24], $0x2000  }
0x92: {  	[sflag:s24] =	ssyncset.done $0x0  }
0x93: {  	s29 =	simm.s32 $0x1480;
	[sflag:s24] =	ssyncadd.s32 $0xFFFFE000  }
0x94: {  	[spmem:s2] =	stream.indirect.scatter.add.f32 [tilespmem:s20], [sflag:$0x3], $0x80, s29, s19, $0xb8;
	[tilespmem:$0x1E800] =	vst v63  }
0x95: {  	_ =	swait.ge [sflag:s14], $0x4000  }
0x96: {  	[sflag:s14] =	ssyncset.done $0x0  }
0x97: {  	s29 =	simm.s32 $0x180;
	[sflag:s14] =	ssyncadd.s32 $0xFFFFC000  }
0x98: {  	[tilespmem:s20], [sflag:$0x2] =	stream.indirect.gather [hbm4b:s4+s16], $0x80, s29, s16, $0xb8;
	[tilespmem:$0x1E800] =	vst v63  }
0x99: {  	s30 =	simm.s32 $0x1C0;
	s29 =	simm.s32 $0x400  }
.LBB2_4:
0x9a: {  	[tilespmem:s22], [sflag:$0x2] =	stream.indirect.gather [hbm4b:s4+s16], $0x80, s30, s16, $0xb8;
	[tilespmem:$0x1E800] =	vst v63  }
0x9b: {  	s30 =	smov.u32 s29  }
0x9c: {  	p0 =	sne.s32 s29, $0x4800;
	s29 =	sadd.s32 $0x400, s29;
	_ =	swait.ge [sflag:s23], $0x2000  }
0x9d: {  	[sflag:s23] =	ssyncset.done $0x0  }
0x9e: {  	[sflag:s23] =	ssyncadd.s32 $0xFFFFE000  }
0x9f: {  	_ =	swait.ge [sflag:s23], $0x2000  }
0xa0: {  	s30 =	sshra.s32 s30, $0x2;
	[sflag:s23] =	ssyncset.done $0x0  }
0xa1: {  	s31 =	sadd.s32 $0x1400, s30;
	[sflag:s23] =	ssyncadd.s32 $0xFFFFE000  }
0xa2: {  	[spmem:s2] =	stream.indirect.scatter.add.f32 [tilespmem:s17], [sflag:$0x3], $0x80, s31, s19, $0xb8;
	[tilespmem:$0x1E800] =	vst v63  }
0xa3: {  	_ =	swait.ge [sflag:s14], $0x4000  }
0xa4: {  	[sflag:s14] =	ssyncset.done $0x0  }
0xa5: {  	s31 =	sadd.s32 $0x100, s30;
	[sflag:s14] =	ssyncadd.s32 $0xFFFFC000  }
0xa6: {  	[tilespmem:s17], [sflag:$0x1] =	stream.indirect.gather [hbm4b:s4+s16], $0x80, s31, s16, $0xb8;
	[tilespmem:$0x1E800] =	vst v63  }
0xa7: {  	s31 =	sadd.s32 $0x140, s30  }
0xa8: {  	[tilespmem:s18], [sflag:$0x1] =	stream.indirect.gather [hbm4b:s4+s16], $0x80, s31, s16, $0xb8;
	[tilespmem:$0x1E800] =	vst v63  }
0xa9: {  	_ =	swait.ge [sflag:s24], $0x2000  }
0xaa: {  	[sflag:s24] =	ssyncset.done $0x0  }
0xab: {  	[sflag:s24] =	ssyncadd.s32 $0xFFFFE000  }
0xac: {  	_ =	swait.ge [sflag:s24], $0x2000  }
0xad: {  	[sflag:s24] =	ssyncset.done $0x0  }
0xae: {  	s31 =	sadd.s32 $0x1480, s30;
	[sflag:s24] =	ssyncadd.s32 $0xFFFFE000  }
0xaf: {  	[spmem:s2] =	stream.indirect.scatter.add.f32 [tilespmem:s20], [sflag:$0x3], $0x80, s31, s19, $0xb8;
	[tilespmem:$0x1E800] =	vst v63  }
.Ltmp1:
0xb0: {  	_ =	swait.ge [sflag:s14], $0x4000;
	(pc) =	sbr.rel @p0 .LBB2_4-.Ltmp1, $4  }
0xb1: {  	[sflag:s14] =	ssyncset.done $0x0  }
0xb2: {  	s31 =	sadd.s32 $0x180, s30;
	[sflag:s14] =	ssyncadd.s32 $0xFFFFC000  }
0xb3: {  	[tilespmem:s20], [sflag:$0x2] =	stream.indirect.gather [hbm4b:s4+s16], $0x80, s31, s16, $0xb8;
	[tilespmem:$0x1E800] =	vst v63  }
0xb4: {  	s30 =	sadd.s32 $0x1C0, s30  }
0xb5: {  	[tilespmem:s22], [sflag:$0x2] =	stream.indirect.gather [hbm4b:s4+s16], $0x80, s30, s16, $0xb8;
	[tilespmem:$0x1E800] =	vst v63  }
0xb6: {  	_ =	swait.ge [sflag:s23], $0x2000  }
0xb7: {  	[sflag:s23] =	ssyncset.done $0x0  }
0xb8: {  	[sflag:s23] =	ssyncadd.s32 $0xFFFFE000  }
0xb9: {  	_ =	swait.ge [sflag:s23], $0x2000  }
0xba: {  	[sflag:s23] =	ssyncset.done $0x0  }
0xbb: {  	[sflag:s23] =	ssyncadd.s32 $0xFFFFE000  }
0xbc: {  	[spmem:s2] =	stream.indirect.scatter.add.f32 [tilespmem:s17], [sflag:$0x3], $0x80, s25, s19, $0xb8;
	[tilespmem:$0x1E800] =	vst v63  }
0xbd: {  	_ =	swait.ge [sflag:s14], $0x4000  }
0xbe: {  	[sflag:s14] =	ssyncset.done $0x0  }
0xbf: {  	[sflag:s14] =	ssyncadd.s32 $0xFFFFC000  }
0xc0: {  	_ =	swait.ge [sflag:s24], $0x2000  }
0xc1: {  	[sflag:s24] =	ssyncset.done $0x0  }
0xc2: {  	[sflag:s24] =	ssyncadd.s32 $0xFFFFE000  }
0xc3: {  	_ =	swait.ge [sflag:s24], $0x2000  }
0xc4: {  	[sflag:s24] =	ssyncset.done $0x0  }
0xc5: {  	[sflag:s24] =	ssyncadd.s32 $0xFFFFE000  }
0xc6: {  	[spmem:s2] =	stream.indirect.scatter.add.f32 [tilespmem:s20], [sflag:$0x3], $0x80, s26, s19, $0xb8;
	[tilespmem:$0x1E800] =	vst v63  }
0xc7: {  	_ =	swait.ge [sflag:s14], $0x4000  }
0xc8: {  	s28 =	sadd.s32 $0x1, s28;
	[sflag:s14] =	ssyncset.done $0x0  }
0xc9: {  	p0 =	sne.s32 s28, s12;
	[sflag:s14] =	ssyncadd.s32 $0xFFFFC000  }
.Ltmp2:
0xca: {  	[bflag:$0x0] =	sbarrier.arrive $0xFFFF;
	(pc) =	sbr.rel @p0 .LBB2_1-.Ltmp2, $4  }
0xcb: {  	[hbm:s11], [sflag:s6] =	dma.local [spmem:s13], $0x2800  }
0xcc: {  	_ =	swait.ge [sflag:s14], $0x2800  }
0xcd: {  	[sflag:s14] =	ssyncset.done $0x0  }
0xce: {  	[sflag:s14] =	ssyncadd.s32 $0xFFFFD800  }
0xcf: {  	_ =	sfence.sel $0x180000  }
0xd0: {  	[bflag:$0x0] =	sbarrier.arrive $0xFFFF  }
0xd1: {  	p0 =	sne.s32 s1, $0x0;
	_ =	strace $0x9000004D  }
0xd2: {  	s0 =	sadd.s32 @!p0 $0x100000, s0;
	[bflag:$0x2] =	sbarrier.arrive $0xFFFF  }
0xd3: {  	[sflag:s0] =	ssyncadd.tile.s32 @!p0 $0x1;
	_ =	shalt  }
.Lfunc_end2:
_tile_overlayer_lowered:
.L_overlay_start_2:
0xd4: {  	(tag) =	ssettag $0x2  }
0xd5: {  	s0 =	rddreg [dreg:$0x0];
	s2 =	stileid.u32  }
0xd6: {  	s1 =	rddreg [dreg:$0x1];
	p0 =	sne.s32 s2, $0x0  }
0xd7: {  	s3 =	rddreg [dreg:$0x2];
	[bflag:$0x3] =	sbarrier.arrive $0xFFFF;
	s2 =	simm.s32 @!p0 $0x1C03  }
0xd8: {  	[timem:s3], [sflag:s2] =	dma.local @!p0 [hbm:s0], s1  }
0xd9: {  	s0 =	simm.s32 @!p0 $0x3  }
0xda: {  	_ =	swait.ge @!p0 [sflag:s0], s1  }
0xdb: {  	s1 =	ssub.s32 @!p0 $0x0, s1;
	[sflag:s0] =	ssyncset.done @!p0 $0x0  }
0xdc: {  	[sflag:s0] =	ssyncadd.s32 @!p0 s1  }
0xdd: {  	[bflag:$0x3] =	sbarrier.arrive $0xFFFF  }
0xde: {  	_ =	shalt  }

// kernel: kernel.8.cloned.1.call-start
scs
__scs_entry_jumppad:
0x0: {  	(pc) =	sbr.rel $0x88, $3  }
0x1: {  	(tag) =	ssettag $0x0;
	lr =	simm.s32 $0x1  }
0x2: {  	[smem:$0x3F9B] =	sst lr;
	_ =	strace $0xD0000000  }
0x3: {  	_ = 	snop  }
0x4: {  	_ = 	snop  }
0x5: {  	_ = 	snop  }
0x6: {  	_ = 	snop  }
0x7: {  	_ = 	snop  }
__scs_overlays_trampoline_lowered:
0x8: {  	[smem:$0x3FAA] =	sst s0  }
0x9: {  	[smem:$0x3FAB] =	sst s1  }
0xa: {  	[smem:$0x3FAC] =	sst s2  }
0xb: {  	[smem:$0x3FAD] =	sst s3  }
0xc: {  	[smem:$0x3FAE] =	sst s4  }
0xd: {  	[smem:$0x3FAF] =	sst s5  }
0xe: {  	[smem:$0x3FB0] =	sst s6  }
0xf: {  	[smem:$0x3FB1] =	sst s7  }
0x10: {  	[smem:$0x3FB2] =	sst s8  }
0x11: {  	[smem:$0x3FB3] =	sst s9;
	s0 =	simm.s32 @!p0 $0x0  }
0x12: {  	s1 =	sld [smem:$0x3F99];
	s0 =	simm.s32 @p0 $0x1  }
0x13: {  	[smem:$0x3FB4] =	sst s0;
	s0 =	simm.s32 @!p1 $0x0  }
0x14: {  	s2 =	sld [smem:$0x3F98];
	s0 =	simm.s32 @p1 $0x1  }
0x15: {  	[smem:$0x3FB5] =	sst s0;
	s0 =	simm.s32 @!p2 $0x0  }
0x16: {  	s3 =	sld [smem:$0x3FDB];
	s0 =	simm.s32 @p2 $0x1  }
0x17: {  	s4 =	simm.s32 $0x1BF5;
	[smem:$0x3FB7] =	sst s0  }
0x18: {  	s0 =	sld [smem:$0x3F9A];
	_ =	swait.ge [sflag:s4], $0x0  }
0x19: {  	s7 =	sld [smem:$0x3F9B]  }
0x1a: {  	s8 =	sadd.s32 $0xFFFFE003, lr  }
0x1b: {  	s9 =	sadd.s32 $0xFFFFFEF7, lr;
	s5 =	simm.s32 $0xFFFFFFFF;
	p2 =	slt.u32 s8, $0xFFFFF086  }
0x1c: {  	p1 =	slt.u32 s9, $0xF7A;
	s5 =	simm.s32 @!p2 $0x0  }
0x1d: {  	s5 =	simm.s32 @p1 $0x1;
	p0 =	seq.s32 s7, s2  }
0x1e: {  	s7 =	smul.u32 @!p0 $0xF7A, s2;
	p2 =	seq.s32 @!p0 s5, $0x0  }
0x1f: {  	s9 =	smul.u32 $0xF7A, s1;
	s8 =	simm.s32 @!p0 $0x1BF5;
	p2 =	por !p2, p0  }
0x20: {  	[sflag:s8] =	ssyncset.s32 @!p0 $0xFFFFF086;
	s6 =	sadd.s32 @!p0 s3, s7;
	s7 =	simm.s32 @!p0 $0x108  }
0x21: {  	s3 =	sadd.s32 s3, s9;
	s6 =	sadd.s32 @!p0 $0x88, s6;
	s7 =	simm.s32 @p2 $0x1082  }
0x22: {  	[simem:s7], [sflag:s8] =	dma.local @!p0 [hbm:s6], $0xF7A  }
0x23: {  	s9 =	sor.u32 $0xD0000000, s2;
	s6 =	simm.s32 $0x108;
	_ =	swait.ge @!p0 [sflag:s8], $0x0  }
0x24: {  	s3 =	sadd.s32 $0x88, s3;
	s6 =	simm.s32 @!p1 $0x1082;
	[sflag:s4] =	ssyncset.s32 $0xFFFFF086  }
0x25: {  	[simem:s6], [sflag:s4] =	dma.local [hbm:s3], $0xF7A  }
0x26: {  	[smem:$0x3F9B] =	sst s1;
	(tag) =	ssettag s2;
	_ =	strace s9  }
0x27: {  	s1 =	sld [smem:$0x3FAB]  }
0x28: {  	s2 =	sld [smem:$0x3FAC]  }
0x29: {  	s4 =	sld [smem:$0x3FAE]  }
0x2a: {  	p0 =	seq.s32 s5, $0x0;
	s5 =	sld [smem:$0x3FAF]  }
0x2b: {  	s6 =	sld [smem:$0x3FB0]  }
0x2c: {  	s7 =	sld [smem:$0x3FB1]  }
0x2d: {  	s3 =	simm.s32 $0x108;
	s8 =	sld [smem:$0x3FB2]  }
0x2e: {  	s3 =	simm.s32 @!p0 $0x1082;
	s9 =	sld [smem:$0x3FB3]  }
0x2f: {  	lr =	sadd.s32 s0, s3;
	s0 =	sld [smem:$0x3FAA]  }
0x30: {  	s3 =	sld [smem:$0x3FAD]  }
0x31: {  	[smem:$0x3FB6] =	sst s10  }
0x32: {  	s10 =	sld [smem:$0x3FB4];
	_ =	sdelay $0x3  }
0x33: {  	p0 =	seq.s32 s10, $0x1;
	s10 =	sld [smem:$0x3FB6];
	_ =	sdelay $0x3  }
0x34: {  	[smem:$0x3FB6] =	sst s10  }
0x35: {  	s10 =	sld [smem:$0x3FB5];
	_ =	sdelay $0x3  }
0x36: {  	p1 =	seq.s32 s10, $0x1;
	s10 =	sld [smem:$0x3FB6];
	_ =	sdelay $0x3  }
0x37: {  	[smem:$0x3FB6] =	sst s10  }
0x38: {  	s10 =	sld [smem:$0x3FB7]  }
0x39: {  	_ = 	snop;
	(pc) =	sbr.ind lr, $3  }
0x3a: {  	_ = 	snop  }
0x3b: {  	_ = 	snop  }
0x3c: {  	p2 =	seq.s32 s10, $0x1;
	s10 =	sld [smem:$0x3FB6]  }
0x3d: {  	_ =	shalt  }
0x3e: {  	_ =	shalt  }
0x3f: {  	_ =	shalt  }
0x40: {  	_ =	shalt  }
0x41: {  	_ =	shalt  }
0x42: {  	_ =	shalt  }
0x43: {  	_ =	shalt  }
0x44: {  	_ =	shalt  }
0x45: {  	_ =	shalt  }
0x46: {  	_ =	shalt  }
0x47: {  	_ =	shalt  }
0x48: {  	_ =	shalt  }
0x49: {  	_ =	shalt  }
0x4a: {  	_ =	shalt  }
0x4b: {  	_ =	shalt  }
0x4c: {  	_ =	shalt  }
0x4d: {  	_ =	shalt  }
0x4e: {  	_ =	shalt  }
0x4f: {  	_ =	shalt  }
0x50: {  	_ =	shalt  }
0x51: {  	_ =	shalt  }
0x52: {  	_ =	shalt  }
0x53: {  	_ =	shalt  }
0x54: {  	_ =	shalt  }
0x55: {  	_ =	shalt  }
0x56: {  	_ =	shalt  }
0x57: {  	_ =	shalt  }
0x58: {  	_ =	shalt  }
0x59: {  	_ =	shalt  }
0x5a: {  	_ =	shalt  }
0x5b: {  	_ =	shalt  }
0x5c: {  	_ =	shalt  }
0x5d: {  	_ =	shalt  }
0x5e: {  	_ =	shalt  }
0x5f: {  	_ =	shalt  }
0x60: {  	_ =	shalt  }
0x61: {  	_ =	shalt  }
0x62: {  	_ =	shalt  }
0x63: {  	_ =	shalt  }
0x64: {  	_ =	shalt  }
0x65: {  	_ =	shalt  }
0x66: {  	_ =	shalt  }
0x67: {  	_ =	shalt  }
0x68: {  	_ =	shalt  }
0x69: {  	_ =	shalt  }
0x6a: {  	_ =	shalt  }
0x6b: {  	_ =	shalt  }
0x6c: {  	_ =	shalt  }
0x6d: {  	_ =	shalt  }
0x6e: {  	_ =	shalt  }
0x6f: {  	_ =	shalt  }
0x70: {  	_ =	shalt  }
0x71: {  	_ =	shalt  }
0x72: {  	_ =	shalt  }
0x73: {  	_ =	shalt  }
0x74: {  	_ =	shalt  }
0x75: {  	_ =	shalt  }
0x76: {  	_ =	shalt  }
0x77: {  	_ =	shalt  }
0x78: {  	_ =	shalt  }
0x79: {  	_ =	shalt  }
0x7a: {  	_ =	shalt  }
0x7b: {  	_ =	shalt  }
0x7c: {  	_ =	shalt  }
0x7d: {  	_ =	shalt  }
0x7e: {  	_ =	shalt  }
0x7f: {  	_ =	shalt  }
0x80: {  	_ =	shalt  }
0x81: {  	_ =	shalt  }
0x82: {  	_ =	shalt  }
0x83: {  	_ =	shalt  }
0x84: {  	_ =	shalt  }
0x85: {  	_ =	shalt  }
0x86: {  	_ =	shalt  }
0x87: {  	_ =	shalt  }
.Lfunc_end0:
.L_simem_size_0:
called_computation_lowered:
.L_overlay_start_0:
0x88: {  	s2 =	sld [smem:$0x3FD9]  }
0x89: {  	s3 =	sld [smem:$0x3FFE];
	_ =	sdelay $0x1  }
0x8a: {  	s1 =	srdreg.scid  }
0x8b: {  	s0 =	sand.u32 $0x1, s1  }
0x8c: {  	s16 =	sshll.u32 s0, $0xA;
	s2 =	sadd.s32 s3, s2  }
0x8d: {  	s2 =	sadd.s32 s2, s16  }
0x8e: {  	[smem:$0x3FC2] =	sst s2  }
0x8f: {  	_ = 	snop  }
0x90: {  	(tm) =	ssettm $0x1  }
0x91: {  	s17 =	sld [smem:$0x3FFB];
	_ =	sdelay $0x3  }
0x92: {  	_ =	strace s17  }
0x93: {  	s2 =	sld [smem:$0x3FFC];
	_ =	sdelay $0x3  }
0x94: {  	_ =	strace s2  }
0x95: {  	s2 =	sld [smem:$0x3FFD];
	_ =	sdelay $0x3  }
0x96: {  	_ =	strace s2  }
0x97: {  	_ =	strace $0x8FFFFFFF  }
0x98: {  	s18 =	sld [smem:$0x3FDB];
	_ =	sdelay $0x1  }
0x99: {  	s19 =	simm.s32 $_scs_section_size  }
0x9a: {  	s4 =	simm.s32 $_size__tile_overlayer_lowered;
	s5 =	simm.s32 $_tile_overlayer_lowered  }
0x9b: {  	s22 =	simm.s32 $0x1BFF;
	s21 =	sshll.u32 s5, $0x1;
	s2 =	sadd.s32 s19, s18  }
0x9c: {  	s6 =	simm.s32 $0x0;
	s20 =	sshll.u32 s4, $0x1;
	s4 =	sadd.s32 s21, s2  }
0x9d: {  	[timem:s6], [sflag:s22] =	dma.local [hbm:s4], s20  }
0x9e: {  	_ =	swait.ge [sflag:s22], s20  }
0x9f: {  	s3 =	ssub.s32 $0x0, s20;
	[sflag:s22] =	ssyncset.done $0x0  }
0xa0: {  	[sflag:s22] =	ssyncadd.s32 s3;
	_ =	sdelay $0x1  }
0xa1: {  	s23 =	simm.s32 $0x1B8B  }
0xa2: {  	_ =	swait.ge [sflag:s23], $0x1  }
0xa3: {  	[sflag:s23] =	ssyncset.done $0x0  }
0xa4: {  	s25 =	simm.s32 $0x1B8E;
	s24 =	sld [smem:$0x3FFE];
	[sflag:s23] =	ssyncadd.s32 $0xFFFFFFFF  }
0xa5: {  	s26 =	simm.s32 $execute0_lowered;
	[smem:$0x3FD2] =	sst s25  }
0xa6: {  	s4 =	sshll.u32 s26, $0x1;
	_ =	strace $0x80000046;
	[dreg:$0x1] =	wrdreg $0xFFFFFFFF  }
0xa7: {  	s28 =	simm.s32 $_size_execute0_lowered;
	s2 =	sadd.s32 s2, s4;
	[dreg:$0x0] =	wrdreg $0x0  }
0xa8: {  	s4 =	sshll.u32 s28, $0x1;
	[dreg:$0x2] =	wrdreg s2  }
0xa9: {  	[dreg:$0x3] =	wrdreg s4  }
0xaa: {  	[dreg:$0x4] =	wrdreg $0xC0  }
0xab: {  	_ =	task [dreg:s6], $0x5FFFF  }
0xac: {  	[dreg:$0x1] =	wrdreg $0xFFFFFFFF  }
0xad: {  	[dreg:$0x0] =	wrdreg $0x60  }
0xae: {  	[dreg:$0x2] =	wrdreg s24  }
0xaf: {  	[dreg:$0x3] =	wrdreg $0x29000  }
0xb0: {  	[dreg:$0x4] =	wrdreg $0x9  }
0xb1: {  	_ =	task.clear_ibuf [dreg:s6], $0x5FFFF;
	_ =	strace $0x90000046  }
0xb2: {  	s29 =	simm.s32 $0x9;
	_ =	strace $0x80000048  }
0xb3: {  	_ =	swait.ge [sflag:s29], $0x1  }
0xb4: {  	[sflag:s29] =	ssyncadd.s32 $0xFFFFFFFF  }
0xb5: {  	_ =	strace $0x90000048  }
0xb6: {  	_ =	sfence  }
0xb7: {  	s30 =	sld [smem:$0x0];
	_ =	sdelay $0x2  }
0xb8: {  	s31 =	sshll.u32 s1, $0xD;
	s1 =	sshrl.u32 s1, $0x2  }
0xb9: {  	s3 =	sand.u32 $0x4000, s31;
	s1 =	sadd.s32 s1, s30  }
0xba: {  	s0 =	sor.u32 s3, s0;
	s1 =	sshll.u32 s1, $0x11  }
0xbb: {  	s0 =	sor.u32 s1, s0  }
0xbc: {  	s0 =	sadd.s32 $0x8F2B, s0  }
0xbd: {  	[sflag:s0] =	ssyncadd.remote.s32 $0x1  }
0xbe: {  	_ =	sfence.sel $0xFFFF  }
0xbf: {  	[dreg:$0x0] =	wrdreg $0xFFFFFFFF;
	(pc) =	sbr.abs _section_cstart, $3  }
0xc0: {  	[dreg:$0x1] =	wrdreg $0xFFFFFFFF  }
0xc1: {  	_ =	task.clear_ibuf [dreg:s6], $0x2FFFF;
	_ =	strace $0x9FFFFFFF  }
0xc2: {  	(tm) =	ssettm $0x7FFFFFFF  }
0xc3: {  	_ =	shalt  }
tec
execute0_lowered:
.L_overlay_start_1:
0x0: {  	(tag) =	ssettag $0x1  }
0x1: {  	s0 =	srdreg.scid;
	s5 =	rddreg [dreg:$0x0]  }
0x2: {  	s2 =	rddreg [dreg:$0x1];
	s3 =	simm.s32 $0x0;
	s13 =	simm.s32 $0x2  }
0x3: {  	s14 =	simm.s32 $0x80;
	s15 =	simm.s32 $0x2800;
	s16 =	simm.s32 $0x1  }
0x4: {  	s19 =	simm.s32 $0x0;
	s4 =	sand.u32 $0x1, s0;
	s0 =	stileid.u32  }
0x5: {  	[smem:$0x7FF] =	sst s3;
	s1 =	sshll.u32 s4, $0x4;
	s7 =	smul.u32 $0x280, s0  }
0x6: {  	s8 =	smul.u32 $0x2800, s4;
	s31 =	ssub.s32 $0x2, s4;
	s17 =	sshll.u32 s0, $0x6  }
0x7: {  	s1 =	sor.u32 s0, s1;
	s10 =	sshrl.u32 s31, $0x1;
	s17 =	sor.u32 $0x1C02, s17  }
0x8: {  	s6 =	smul.u32 $0x500, s1;
	s1 =	rddreg [dreg:$0x2];
	_ =	strace $0x80000047  }
0x9: {  	s30 =	sadd.s32 s7, s8;
	s4 =	sadd.s32 s7, s2;
	s12 =	ssub.s32 s31, s10  }
0xa: {  	s7 =	sadd.s32 $0x180, s4;
	s9 =	sadd.s32 s6, s5;
	s6 =	sshrl.u32 s30, $0x3  }
0xb: {  	s8 =	sadd.s32 $0x200, s4;
	s18 =	sshrl.u32 s4, $0x3;
	s11 =	sadd.s32 s6, s5  }
0xc: {  	s5 =	sadd.s32 $0x80, s4;
	s6 =	sadd.s32 $0x100, s4;
	s9 =	sadd.s32 $0x2800, s9  }
0xd: {  	v0 =	vimm.f32 $1.000000000e+00;
	v1 =	vimm.f32 $0.0e+00;
	s10 =	sadd.s32 $0xC800, s11;
	s11 =	smax.u32 s12, $0x1;
	s12 =	simm.s32 $0x2880  }
.LBB2_1:
0xe: {  	[tilespmem:$0x2800] =	vst v0  }
0xf: {  	[tilespmem:$0x2880] =	vst v1  }
0x10: {  	[tilespmem:$0x2810] =	vst v0  }
0x11: {  	[tilespmem:$0x2890] =	vst v1  }
0x12: {  	[tilespmem:$0x2820] =	vst v0  }
0x13: {  	[tilespmem:$0x28A0] =	vst v1  }
0x14: {  	[tilespmem:$0x2830] =	vst v0  }
0x15: {  	[tilespmem:$0x28B0] =	vst v1  }
0x16: {  	[tilespmem:$0x2840] =	vst v0  }
0x17: {  	[tilespmem:$0x28C0] =	vst v1  }
0x18: {  	[tilespmem:$0x2850] =	vst v0  }
0x19: {  	[tilespmem:$0x28D0] =	vst v1  }
0x1a: {  	[tilespmem:$0x2860] =	vst v0  }
0x1b: {  	[tilespmem:$0x28E0] =	vst v1  }
0x1c: {  	[tilespmem:$0x2870] =	vst v0  }
0x1d: {  	[tilespmem:$0x28F0] =	vst v1  }
0x1e: {  	[spmem:s4] =	stream.linear.scatter [tilespmem:s12], [sflag:$0x2], $0x80, $0x38;
	[tilespmem:$0x2B80] =	vst v63  }
0x1f: {  	_ =	swait.ge [sflag:s13], $0x80  }
0x20: {  	[sflag:s13] =	ssyncset.done $0x0  }
0x21: {  	[sflag:s13] =	ssyncadd.s32 $0xFFFFFF80  }
0x22: {  	[spmem:s5] =	stream.linear.scatter [tilespmem:s12], [sflag:$0x2], $0x80, $0x38;
	[tilespmem:$0x2B80] =	vst v63  }
0x23: {  	_ =	swait.ge [sflag:s13], $0x80  }
0x24: {  	[sflag:s13] =	ssyncset.done $0x0  }
0x25: {  	[sflag:s13] =	ssyncadd.s32 $0xFFFFFF80  }
0x26: {  	[spmem:s6] =	stream.linear.scatter [tilespmem:s12], [sflag:$0x2], $0x80, $0x38;
	[tilespmem:$0x2B80] =	vst v63  }
0x27: {  	_ =	swait.ge [sflag:s13], $0x80  }
0x28: {  	[sflag:s13] =	ssyncset.done $0x0  }
0x29: {  	[sflag:s13] =	ssyncadd.s32 $0xFFFFFF80  }
0x2a: {  	[spmem:s7] =	stream.linear.scatter [tilespmem:s12], [sflag:$0x2], $0x80, $0x38;
	[tilespmem:$0x2B80] =	vst v63  }
0x2b: {  	_ =	swait.ge [sflag:s13], $0x80  }
0x2c: {  	[sflag:s13] =	ssyncset.done $0x0  }
0x2d: {  	[sflag:s13] =	ssyncadd.s32 $0xFFFFFF80  }
0x2e: {  	[spmem:s8] =	stream.linear.scatter [tilespmem:s12], [sflag:$0x2], $0x80, $0x38;
	[tilespmem:$0x2B80] =	vst v63  }
0x2f: {  	_ =	swait.ge [sflag:s13], $0x80  }
0x30: {  	[sflag:s13] =	ssyncset.done $0x0  }
0x31: {  	[sflag:s13] =	ssyncadd.s32 $0xFFFFFF80  }
0x32: {  	[tilespmem:s3], [sflag:$0x2] =	stream.linear.gather [hbm4b:s9+s3], $0x2800, $0x38;
	[tilespmem:$0x2B80] =	vst v63  }
0x33: {  	_ =	swait.ge [sflag:s13], $0x2800  }
0x34: {  	[sflag:s13] =	ssyncset.done $0x0  }
0x35: {  	[sflag:s13] =	ssyncadd.s32 $0xFFFFD800  }
0x36: {  	s20 =	simm.s32 $0x0;
	[bflag:$0x0] =	sbarrier.arrive $0xFFFF  }
.LBB2_2:
0x37: {  	p0 =	sne.s32 s20, $0x9E00  }
.Ltmp0:
0x38: {  	_ = 	snop;
	(pc) =	sbr.rel @p0 .LBB2_2-.Ltmp0, $3  }
0x39: {  	_ =	sdelay $0x1  }
0x3a: {  	s21 =	sshra.s32 s20, $0x2;
	s20 =	sadd.s32 $0x200, s20  }
0x3b: {  	[spmem:s2] =	stream.indirect.scatter.add.f32 [tilespmem:s15], [sflag:$0x1], $0x1, s21, s14, $0xb8;
	[tilespmem:$0x2B80] =	vst v63  }
0x3c: {  	_ =	swait.ge [sflag:s16], $0x80  }
0x3d: {  	s20 =	simm.s32 $0x4F;
	[sflag:s16] =	ssyncset.done $0x0  }
.LBB2_4:
0x3e: {  	p0 =	sne.s32 s20, $0x1;
	s20 =	sadd.s32 $0xFFFFFFFF, s20;
	[sflag:s16] =	ssyncadd.s32 $0xFFFFFF80  }
.Ltmp1:
0x3f: {  	(pc) =	sbr.rel @p0 .LBB2_4-.Ltmp1, $3  }
0x40: {  	_ =	sdelay $0x1  }
0x41: {  	_ =	swait.ge [sflag:s16], $0x80  }
0x42: {  	[sflag:s16] =	ssyncset.done $0x0  }
0x43: {  	s19 =	sadd.s32 $0x1, s19  }
0x44: {  	[sflag:s16] =	ssyncadd.s32 $0xFFFFFF80;
	p0 =	sne.s32 s19, s11  }
.Ltmp2:
0x45: {  	[bflag:$0x0] =	sbarrier.arrive $0xFFFF;
	(pc) =	sbr.rel @p0 .LBB2_1-.Ltmp2, $4  }
0x46: {  	[hbm:s10], [sflag:s17] =	dma.local [spmem:s18], $0x50  }
0x47: {  	_ =	swait.ge [sflag:s13], $0x50  }
0x48: {  	[sflag:s13] =	ssyncset.done $0x0  }
0x49: {  	[sflag:s13] =	ssyncadd.s32 $0xFFFFFFB0  }
0x4a: {  	_ =	sfence.sel $0x180000  }
0x4b: {  	[bflag:$0x0] =	sbarrier.arrive $0xFFFF  }
0x4c: {  	p0 =	sne.s32 s0, $0x0;
	_ =	strace $0x90000047  }
0x4d: {  	s0 =	sadd.s32 @!p0 $0x100000, s1;
	[bflag:$0x2] =	sbarrier.arrive $0xFFFF  }
0x4e: {  	[sflag:s0] =	ssyncadd.tile.s32 @!p0 $0x1;
	_ =	shalt  }
.Lfunc_end2:
_tile_overlayer_lowered:
.L_overlay_start_2:
0x4f: {  	(tag) =	ssettag $0x2  }
0x50: {  	s0 =	rddreg [dreg:$0x0];
	s2 =	stileid.u32  }
0x51: {  	s1 =	rddreg [dreg:$0x1];
	p0 =	sne.s32 s2, $0x0  }
0x52: {  	s3 =	rddreg [dreg:$0x2];
	[bflag:$0x3] =	sbarrier.arrive $0xFFFF;
	s2 =	simm.s32 @!p0 $0x1C02  }
0x53: {  	[timem:s3], [sflag:s2] =	dma.local @!p0 [hbm:s0], s1  }
0x54: {  	s0 =	simm.s32 @!p0 $0x2  }
0x55: {  	_ =	swait.ge @!p0 [sflag:s0], s1  }
0x56: {  	s1 =	ssub.s32 @!p0 $0x0, s1;
	[sflag:s0] =	ssyncset.done @!p0 $0x0  }
0x57: {  	[sflag:s0] =	ssyncadd.s32 @!p0 s1  }
0x58: {  	[bflag:$0x3] =	sbarrier.arrive $0xFFFF  }
0x59: {  	_ =	shalt  }

</sc_bundles>
